<compile_context>
chip_gen: v7x
topology: tpu7x:2x2x1
jax: 0.10.2.dev20260603
libtpu: 0.0.44.dev20260713+nightly
codegen_flags: <defaults>
</compile_context>

<pallas_src>
import functools

import jax
import jax.numpy as jnp
from jax import lax
from jax.experimental import pallas as pl
from jax.experimental.pallas import tpu as pltpu
from jax.experimental.pallas import tpu_sc as plsc

B, L, D = 16384, 200, 64
VOCAB = 1000000
BKT = 8192
NBLK = -(-VOCAB // BKT)
QB = BKT // 4
VT = NBLK * BKT
D2 = D // 2
LP = 256
H, C = 50, 10
NC, NS = 2, 16
NW = NC * NS
RPW = B // NW
GROUP = 64
NGROUPS = RPW // GROUP
NBUF = 4
NLANE = 16
DV = D // NLANE


def _sc_body(idx_hbm, table_hbm, out_hbm, idx_v, rows_v, out_v,
             sem0, sem1, sem2, sem3):
    wid = lax.axis_index("s") * NC + lax.axis_index("c")
    sems = (sem0, sem1, sem2, sem3)

    def fire(buf, row):
        pltpu.make_async_copy(
            table_hbm.at[idx_v.at[row, pl.ds(0, L)]], rows_v.at[buf],
            sems[buf]
        ).start()

    def drain(buf):
        pltpu.make_async_copy(
            table_hbm.at[idx_v.at[0, pl.ds(0, L)]], rows_v.at[buf],
            sems[buf]
        ).wait()

    def accum_store(buf, out_row):
        rbuf = rows_v.at[buf]

        def it(i, acc):
            out = list(acc)
            for k in range(2):
                wf = rbuf[i, pl.ds(NLANE * k, NLANE)]
                w = jax.lax.bitcast_convert_type(wf, jnp.int32)
                lo = jax.lax.bitcast_convert_type(
                    jnp.left_shift(w, 16), jnp.float32)
                out[k] = out[k] + lo
                out[2 + k] = out[2 + k] + wf
            return tuple(out)

        acc0 = tuple(jnp.zeros((NLANE,), jnp.float32) for _ in range(DV))
        acc = lax.fori_loop(0, L, it, acc0, unroll=10)
        for k in range(DV):
            out_v[out_row, pl.ds(NLANE * k, NLANE)] = acc[k]

    @pl.loop(0, NGROUPS)
    def _(g):
        pltpu.sync_copy(idx_hbm.at[pl.ds(wid * RPW + g * GROUP, GROUP), :],
                        idx_v)

        @pl.loop(0, GROUP)
        def _(r):
            for c in range((L + NLANE - 1) // NLANE):
                v = idx_v[r, pl.ds(NLANE * c, NLANE)]
                rr = jnp.bitwise_and(v, BKT - 1)
                q = jnp.bitwise_and(rr, QB - 1)
                h = jax.lax.shift_right_logical(rr, QB.bit_length() - 1)
                idx_v[r, pl.ds(NLANE * c, NLANE)] = (
                    (v - rr) + jnp.left_shift(q, 2) + h)

        for b in range(NBUF):
            fire(b, b)

        @pl.loop(0, GROUP, step=NBUF)
        def _(r0):
            for b in range(NBUF):
                r = r0 + b
                drain(b)
                accum_store(b, g * GROUP + r)
                nxt = r + NBUF

                @pl.when(nxt < GROUP)
                def _():
                    fire(b, nxt)

    pltpu.sync_copy(out_v, out_hbm.at[pl.ds(wid * RPW, RPW), :])


@functools.cache
def _sc_pool_fn():
    return functools.partial(
        pl.kernel,
        out_type=jax.ShapeDtypeStruct((B, D), jnp.float32),
        mesh=plsc.VectorSubcoreMesh(core_axis_name="c", subcore_axis_name="s",
                                    num_cores=NC, num_subcores=NS),
        scratch_types=[
            pltpu.VMEM((GROUP, LP), jnp.int32),
            pltpu.VMEM((NBUF, L, D2), jnp.float32),
            pltpu.VMEM((RPW, D), jnp.float32),
            pltpu.SemaphoreType.DMA,
            pltpu.SemaphoreType.DMA,
            pltpu.SemaphoreType.DMA,
            pltpu.SemaphoreType.DMA,
        ],
        compiler_params=pltpu.CompilerParams(use_tc_tiling_on_sc=False),
    )(_sc_body)


def _linearize_body(x_ref, o_ref):
    xi = jax.lax.bitcast_convert_type(x_ref[...], jnp.int32)
    half = jnp.full((1, 1), 0x8000, jnp.int32)
    mask_hi = jnp.full((1, 1), -65536, jnp.int32)
    lo = jax.lax.shift_right_logical(xi[:D2] + half, 16)
    hi = jnp.bitwise_and(xi[D2:] + half, mask_hi)
    w = jnp.transpose(jnp.bitwise_or(lo, hi), (1, 0))
    o_ref[...] = jax.lax.bitcast_convert_type(
        jnp.concatenate([w[0:QB], w[QB:2 * QB], w[2 * QB:3 * QB],
                         w[3 * QB:]], axis=1), jnp.float32)


def _linearize(table_t):
    return pl.pallas_call(
        _linearize_body,
        grid=(NBLK,),
        in_specs=[pl.BlockSpec((D, BKT), lambda i: (0, i))],
        out_specs=pl.BlockSpec((QB, 2 * D), lambda i: (i, 0)),
        out_shape=jax.ShapeDtypeStruct((NBLK * QB, 2 * D), jnp.float32),
    )(table_t)


BM = 2048


def _mlp_body(x_ref, tl_ref, w1_ref, b1_ref, w2_ref, b2_ref, o_ref):
    x = x_ref[...] / tl_ref[...]
    h = jnp.maximum(
        jnp.dot(x, w1_ref[...], preferred_element_type=jnp.float32)
        + b1_ref[...], 0.0)
    o_ref[...] = (jnp.dot(h, w2_ref[...], preferred_element_type=jnp.float32)
                  + b2_ref[...])


def _mlp(pooled, text_len, W1, b1, W2, b2):
    return pl.pallas_call(
        _mlp_body,
        grid=(B // BM,),
        in_specs=[
            pl.BlockSpec((BM, D), lambda i: (i, 0)),
            pl.BlockSpec((BM, 1), lambda i: (i, 0)),
            pl.BlockSpec((D, H), lambda i: (0, 0)),
            pl.BlockSpec((1, H), lambda i: (0, 0)),
            pl.BlockSpec((H, C), lambda i: (0, 0)),
            pl.BlockSpec((1, C), lambda i: (0, 0)),
        ],
        out_specs=pl.BlockSpec((BM, C), lambda i: (i, 0)),
        out_shape=jax.ShapeDtypeStruct((B, C), jnp.float32),
    )(pooled, text_len.reshape(B, 1), W1, b1.reshape(1, H), W2,
      b2.reshape(1, C))


def kernel(input_text, text_len, emb_table, W1, b1, W2, b2):
    idx = jnp.pad(input_text.astype(jnp.int32), ((0, 0), (0, LP - L)))
    table_lin = _linearize(emb_table.T).reshape(VT, D2)
    pooled = _sc_pool_fn()(idx, table_lin)
    return _mlp(pooled, text_len, W1, b1, W2, b2)

# --- scband reference (transcript-rebuilt; emitter-appended) ---
"""Pipeline reference for scband-model-56633438765258 (READ-ONLY COPY).

The authoritative reference and input builder live on the scoring server;
editing this copy changes nothing except your own understanding.
"""

import jax, jax.numpy as jnp
import numpy as np

B = 16384
L = 200
VOCAB = 1000000
D = 64
H = 50
C = 10

def setup_inputs(seed: int = 0) -> dict:
    key = jax.random.key(seed)
    k1, k2, k3, k4, k5, k6 = jax.random.split(key, 6)
    input_text = jax.random.randint(k1, (B, L), 0, VOCAB, dtype=jnp.int64 if jax.config.jax_enable_x64 else jnp.int32)
    text_len = jnp.ones((B,), dtype=jnp.float32)
    emb_table = jax.random.normal(k2, (VOCAB, D), dtype=jnp.float32) * 0.02
    emb_table = emb_table.at[0].set(0.0)  # padding_idx=0
    W1 = jax.random.normal(k3, (D, H), dtype=jnp.float32) * (1.0 / np.sqrt(D))
    b1 = jax.random.normal(k4, (H,), dtype=jnp.float32) * 0.01
    W2 = jax.random.normal(k5, (H, C), dtype=jnp.float32) * (1.0 / np.sqrt(H))
    b2 = jax.random.normal(k6, (C,), dtype=jnp.float32) * 0.01
    return {"input_text": input_text, "text_len": text_len, "emb_table": emb_table,
            "W1": W1, "b1": b1, "W2": W2, "b2": b2}

def reference(input_text, text_len, emb_table, W1, b1, W2, b2):
    # embedding lookup: [B, L] -> [B, L, D]
    embedding = jnp.take(emb_table, input_text, axis=0)
    # average over sequence dim, normalized by text_len
    average_embedding = embedding.sum(axis=1) / text_len.reshape(embedding.shape[0], -1)
    # classifier: Linear -> ReLU -> (Dropout is identity in eval) -> Linear
    h = jax.nn.relu(average_embedding @ W1 + b1)
    logits = h @ W2 + b2
    return logits

if __name__ == "__main__":
    import jax
    _d = setup_inputs()
    print(jax.jit(kernel)(*tuple(_d.values())))

</pallas_src>

<mosaic_0001>
#map = affine_map<(d0, d1) -> (0, 0)>
module attributes {stable_mosaic.version = 14 : i64} {
  func.func @_sc_body(%arg0: i32, %arg1: i32, %arg2: memref<16384x256xi32, #tpu.memory_space<hbm>>, %arg3: memref<1007616x32xf32, #tpu.memory_space<hbm>>, %arg4: memref<16384x64xf32, #tpu.memory_space<hbm>>, %arg5: memref<64x256xi32, #tpu.memory_space<vmem>>, %arg6: memref<4x200x32xf32, #tpu.memory_space<vmem>>, %arg7: memref<512x64xf32, #tpu.memory_space<vmem>>, %arg8: memref<!tpu.dma_semaphore, #tpu.memory_space<semaphore_mem>>, %arg9: memref<!tpu.dma_semaphore, #tpu.memory_space<semaphore_mem>>, %arg10: memref<!tpu.dma_semaphore, #tpu.memory_space<semaphore_mem>>, %arg11: memref<!tpu.dma_semaphore, #tpu.memory_space<semaphore_mem>>) attributes {dimension_semantics = [#tpu.dimension_semantics<core_parallel>, #tpu.dimension_semantics<subcore_parallel>], iteration_bounds = array<i64: 2, 16>, scalar_prefetch = 0 : i64, scratch_operands = 7 : i64, tpu.core_type = #tpu.core_type<sc_vector_subcore>, window_params = [{transform_indices = #map}, {transform_indices = #map}, {transform_indices = #map}]} {
    %mul3A = arith.constant 2 : i32
    %mul3A_0 = arith.muli %arg1, %mul3A : i32
    %add3A = arith.addi %mul3A_0, %arg0 : i32
    %scan3A = arith.constant 0 : i32
    %scan3A_1 = arith.constant 8 : i32
    %scan3A_2 = arith.addi %scan3A, %scan3A_1 : i32
    %scan3A_3 = arith.constant 1 : i32
    scf.for %scan3A_7 = %scan3A to %scan3A_2 step %scan3A_3  : i32 {
      %mul3A_8 = arith.constant 1 : i32
      %mul3A_9 = arith.muli %scan3A_7, %mul3A_8 : i32
      %add3A_10 = arith.constant 0 : i32
      %add3A_11 = arith.addi %add3A_10, %mul3A_9 : i32
      %mul3A_12 = arith.constant 512 : i32
      %mul3A_13 = arith.muli %add3A, %mul3A_12 : i32
      %mul3A_14 = arith.constant 64 : i32
      %mul3A_15 = arith.muli %add3A_11, %mul3A_14 : i32
      %add3A_16 = arith.addi %mul3A_13, %mul3A_15 : i32
      "tpu.region"() ({
        %run_scoped3A = tpu.sem_alloc : memref<!tpu.dma_semaphore, #tpu.memory_space<semaphore_mem>>
        %dma_start3A_74 = arith.constant 0 : i32
        %dma_start3A_75 = tpu.memref_slice %arg2[%add3A_16, %dma_start3A_74] : memref<16384x256xi32, #tpu.memory_space<hbm>> -> memref<64x256xi32, #tpu.memory_space<hbm>>
        %dma_start3A_76 = arith.constant 0 : i32
        %dma_start3A_77 = tpu.memref_slice %arg2[%add3A_16, %dma_start3A_76] : memref<16384x256xi32, #tpu.memory_space<hbm>> -> memref<64x256xi32, #tpu.memory_space<hbm>>
        tpu.enqueue_dma source(%dma_start3A_77 : memref<64x256xi32, #tpu.memory_space<hbm>>) target(%arg5 : memref<64x256xi32, #tpu.memory_space<vmem>>) target_semaphore(%run_scoped3A : memref<!tpu.dma_semaphore, #tpu.memory_space<semaphore_mem>>)
        %dma_wait3A = arith.constant 0 : i32
        %dma_wait3A_78 = tpu.memref_slice %arg2[%add3A_16, %dma_wait3A] : memref<16384x256xi32, #tpu.memory_space<hbm>> -> memref<64x256xi32, #tpu.memory_space<hbm>>
        %dma_wait3A_79 = arith.constant 0 : i32
        %dma_wait3A_80 = tpu.memref_slice %arg2[%add3A_16, %dma_wait3A_79] : memref<16384x256xi32, #tpu.memory_space<hbm>> -> memref<64x256xi32, #tpu.memory_space<hbm>>
        tpu.wait_dma2 semaphore(%run_scoped3A : memref<!tpu.dma_semaphore, #tpu.memory_space<semaphore_mem>>) src(%dma_wait3A_80 : memref<64x256xi32, #tpu.memory_space<hbm>>) dst(%arg5 : memref<64x256xi32, #tpu.memory_space<vmem>>)
        tpu.yield
      }) : () -> ()
      %scan3A_17 = arith.constant 0 : i32
      %scan3A_18 = arith.constant 64 : i32
      %scan3A_19 = arith.addi %scan3A_17, %scan3A_18 : i32
      %scan3A_20 = arith.constant 1 : i32
      scf.for %scan3A_74 = %scan3A_17 to %scan3A_19 step %scan3A_20  : i32 {
        %mul3A_75 = arith.constant 1 : i32
        %mul3A_76 = arith.muli %scan3A_74, %mul3A_75 : i32
        %add3A_77 = arith.constant 0 : i32
        %add3A_78 = arith.addi %add3A_77, %mul3A_76 : i32
        %get3A = arith.index_cast %add3A_78 : i32 to index
        %get3A_79 = arith.constant 0 : index
        %get3A_80 = tpu.vector_load %arg5[%get3A, %get3A_79] {strides = array<i32>} : memref<64x256xi32, #tpu.memory_space<vmem>>, vector<1x16xi32>,
        %get3A_81 = vector.shape_cast %get3A_80 : vector<1x16xi32> to vector<16xi32>
        %and3A = arith.constant 8191 : i32
        %and3A_82 = vector.broadcast %and3A : i32 to vector<16xi32>
        %and3A_83 = arith.andi %get3A_81, %and3A_82 : vector<16xi32>
        %and3A_84 = arith.constant 2047 : i32
        %and3A_85 = vector.broadcast %and3A_84 : i32 to vector<16xi32>
        %and3A_86 = arith.andi %and3A_83, %and3A_85 : vector<16xi32>
        %shift_right_logical3A = arith.constant 11 : i32
        %shift_right_logical3A_87 = vector.broadcast %shift_right_logical3A : i32 to vector<16xi32>
        %shift_right_logical3A_88 = arith.shrui %and3A_83, %shift_right_logical3A_87 : vector<16xi32>
        %sub3A = arith.subi %get3A_81, %and3A_83 : vector<16xi32>
        %shift_left3A = arith.constant 2 : i32
        %shift_left3A_89 = vector.broadcast %shift_left3A : i32 to vector<16xi32>
        %shift_left3A_90 = arith.shli %and3A_86, %shift_left3A_89 : vector<16xi32>
        %add3A_91 = arith.addi %sub3A, %shift_left3A_90 : vector<16xi32>
        %add3A_92 = arith.addi %add3A_91, %shift_right_logical3A_88 : vector<16xi32>
        %swap3A = arith.index_cast %add3A_78 : i32 to index
        %swap3A_93 = arith.constant 0 : index
        %swap3A_94 = tpu.vector_load %arg5[%swap3A, %swap3A_93] {strides = array<i32>} : memref<64x256xi32, #tpu.memory_space<vmem>>, vector<1x16xi32>,
        %swap3A_95 = vector.shape_cast %swap3A_94 : vector<1x16xi32> to vector<16xi32>
        %swap3A_96 = vector.shape_cast %add3A_92 : vector<16xi32> to vector<1x16xi32>
        tpu.vector_store %arg5[%swap3A, %swap3A_93], %swap3A_96 {strides = array<i32>} : memref<64x256xi32, #tpu.memory_space<vmem>>, vector<1x16xi32>,
        %get3A_97 = arith.index_cast %add3A_78 : i32 to index
        %get3A_98 = arith.constant 16 : index
        %get3A_99 = tpu.vector_load %arg5[%get3A_97, %get3A_98] {strides = array<i32>} : memref<64x256xi32, #tpu.memory_space<vmem>>, vector<1x16xi32>,
        %get3A_100 = vector.shape_cast %get3A_99 : vector<1x16xi32> to vector<16xi32>
        %and3A_101 = arith.constant 8191 : i32
        %and3A_102 = vector.broadcast %and3A_101 : i32 to vector<16xi32>
        %and3A_103 = arith.andi %get3A_100, %and3A_102 : vector<16xi32>
        %and3A_104 = arith.constant 2047 : i32
        %and3A_105 = vector.broadcast %and3A_104 : i32 to vector<16xi32>
        %and3A_106 = arith.andi %and3A_103, %and3A_105 : vector<16xi32>
        %shift_right_logical3A_107 = arith.constant 11 : i32
        %shift_right_logical3A_108 = vector.broadcast %shift_right_logical3A_107 : i32 to vector<16xi32>
        %shift_right_logical3A_109 = arith.shrui %and3A_103, %shift_right_logical3A_108 : vector<16xi32>
        %sub3A_110 = arith.subi %get3A_100, %and3A_103 : vector<16xi32>
        %shift_left3A_111 = arith.constant 2 : i32
        %shift_left3A_112 = vector.broadcast %shift_left3A_111 : i32 to vector<16xi32>
        %shift_left3A_113 = arith.shli %and3A_106, %shift_left3A_112 : vector<16xi32>
        %add3A_114 = arith.addi %sub3A_110, %shift_left3A_113 : vector<16xi32>
        %add3A_115 = arith.addi %add3A_114, %shift_right_logical3A_109 : vector<16xi32>
        %swap3A_116 = arith.index_cast %add3A_78 : i32 to index
        %swap3A_117 = arith.constant 16 : index
        %swap3A_118 = tpu.vector_load %arg5[%swap3A_116, %swap3A_117] {strides = array<i32>} : memref<64x256xi32, #tpu.memory_space<vmem>>, vector<1x16xi32>,
        %swap3A_119 = vector.shape_cast %swap3A_118 : vector<1x16xi32> to vector<16xi32>
        %swap3A_120 = vector.shape_cast %add3A_115 : vector<16xi32> to vector<1x16xi32>
        tpu.vector_store %arg5[%swap3A_116, %swap3A_117], %swap3A_120 {strides = array<i32>} : memref<64x256xi32, #tpu.memory_space<vmem>>, vector<1x16xi32>,
        %get3A_121 = arith.index_cast %add3A_78 : i32 to index
        %get3A_122 = arith.constant 32 : index
        %get3A_123 = tpu.vector_load %arg5[%get3A_121, %get3A_122] {strides = array<i32>} : memref<64x256xi32, #tpu.memory_space<vmem>>, vector<1x16xi32>,
        %get3A_124 = vector.shape_cast %get3A_123 : vector<1x16xi32> to vector<16xi32>
        %and3A_125 = arith.constant 8191 : i32
        %and3A_126 = vector.broadcast %and3A_125 : i32 to vector<16xi32>
        %and3A_127 = arith.andi %get3A_124, %and3A_126 : vector<16xi32>
        %and3A_128 = arith.constant 2047 : i32
        %and3A_129 = vector.broadcast %and3A_128 : i32 to vector<16xi32>
        %and3A_130 = arith.andi %and3A_127, %and3A_129 : vector<16xi32>
        %shift_right_logical3A_131 = arith.constant 11 : i32
        %shift_right_logical3A_132 = vector.broadcast %shift_right_logical3A_131 : i32 to vector<16xi32>
        %shift_right_logical3A_133 = arith.shrui %and3A_127, %shift_right_logical3A_132 : vector<16xi32>
        %sub3A_134 = arith.subi %get3A_124, %and3A_127 : vector<16xi32>
        %shift_left3A_135 = arith.constant 2 : i32
        %shift_left3A_136 = vector.broadcast %shift_left3A_135 : i32 to vector<16xi32>
        %shift_left3A_137 = arith.shli %and3A_130, %shift_left3A_136 : vector<16xi32>
        %add3A_138 = arith.addi %sub3A_134, %shift_left3A_137 : vector<16xi32>
        %add3A_139 = arith.addi %add3A_138, %shift_right_logical3A_133 : vector<16xi32>
        %swap3A_140 = arith.index_cast %add3A_78 : i32 to index
        %swap3A_141 = arith.constant 32 : index
        %swap3A_142 = tpu.vector_load %arg5[%swap3A_140, %swap3A_141] {strides = array<i32>} : memref<64x256xi32, #tpu.memory_space<vmem>>, vector<1x16xi32>,
        %swap3A_143 = vector.shape_cast %swap3A_142 : vector<1x16xi32> to vector<16xi32>
        %swap3A_144 = vector.shape_cast %add3A_139 : vector<16xi32> to vector<1x16xi32>
        tpu.vector_store %arg5[%swap3A_140, %swap3A_141], %swap3A_144 {strides = array<i32>} : memref<64x256xi32, #tpu.memory_space<vmem>>, vector<1x16xi32>,
        %get3A_145 = arith.index_cast %add3A_78 : i32 to index
        %get3A_146 = arith.constant 48 : index
        %get3A_147 = tpu.vector_load %arg5[%get3A_145, %get3A_146] {strides = array<i32>} : memref<64x256xi32, #tpu.memory_space<vmem>>, vector<1x16xi32>,
        %get3A_148 = vector.shape_cast %get3A_147 : vector<1x16xi32> to vector<16xi32>
        %and3A_149 = arith.constant 8191 : i32
        %and3A_150 = vector.broadcast %and3A_149 : i32 to vector<16xi32>
        %and3A_151 = arith.andi %get3A_148, %and3A_150 : vector<16xi32>
        %and3A_152 = arith.constant 2047 : i32
        %and3A_153 = vector.broadcast %and3A_152 : i32 to vector<16xi32>
        %and3A_154 = arith.andi %and3A_151, %and3A_153 : vector<16xi32>
        %shift_right_logical3A_155 = arith.constant 11 : i32
        %shift_right_logical3A_156 = vector.broadcast %shift_right_logical3A_155 : i32 to vector<16xi32>
        %shift_right_logical3A_157 = arith.shrui %and3A_151, %shift_right_logical3A_156 : vector<16xi32>
        %sub3A_158 = arith.subi %get3A_148, %and3A_151 : vector<16xi32>
        %shift_left3A_159 = arith.constant 2 : i32
        %shift_left3A_160 = vector.broadcast %shift_left3A_159 : i32 to vector<16xi32>
        %shift_left3A_161 = arith.shli %and3A_154, %shift_left3A_160 : vector<16xi32>
        %add3A_162 = arith.addi %sub3A_158, %shift_left3A_161 : vector<16xi32>
        %add3A_163 = arith.addi %add3A_162, %shift_right_logical3A_157 : vector<16xi32>
        %swap3A_164 = arith.index_cast %add3A_78 : i32 to index
        %swap3A_165 = arith.constant 48 : index
        %swap3A_166 = tpu.vector_load %arg5[%swap3A_164, %swap3A_165] {strides = array<i32>} : memref<64x256xi32, #tpu.memory_space<vmem>>, vector<1x16xi32>,
        %swap3A_167 = vector.shape_cast %swap3A_166 : vector<1x16xi32> to vector<16xi32>
        %swap3A_168 = vector.shape_cast %add3A_163 : vector<16xi32> to vector<1x16xi32>
        tpu.vector_store %arg5[%swap3A_164, %swap3A_165], %swap3A_168 {strides = array<i32>} : memref<64x256xi32, #tpu.memory_space<vmem>>, vector<1x16xi32>,
        %get3A_169 = arith.index_cast %add3A_78 : i32 to index
        %get3A_170 = arith.constant 64 : index
        %get3A_171 = tpu.vector_load %arg5[%get3A_169, %get3A_170] {strides = array<i32>} : memref<64x256xi32, #tpu.memory_space<vmem>>, vector<1x16xi32>,
        %get3A_172 = vector.shape_cast %get3A_171 : vector<1x16xi32> to vector<16xi32>
        %and3A_173 = arith.constant 8191 : i32
        %and3A_174 = vector.broadcast %and3A_173 : i32 to vector<16xi32>
        %and3A_175 = arith.andi %get3A_172, %and3A_174 : vector<16xi32>
        %and3A_176 = arith.constant 2047 : i32
        %and3A_177 = vector.broadcast %and3A_176 : i32 to vector<16xi32>
        %and3A_178 = arith.andi %and3A_175, %and3A_177 : vector<16xi32>
        %shift_right_logical3A_179 = arith.constant 11 : i32
        %shift_right_logical3A_180 = vector.broadcast %shift_right_logical3A_179 : i32 to vector<16xi32>
        %shift_right_logical3A_181 = arith.shrui %and3A_175, %shift_right_logical3A_180 : vector<16xi32>
        %sub3A_182 = arith.subi %get3A_172, %and3A_175 : vector<16xi32>
        %shift_left3A_183 = arith.constant 2 : i32
        %shift_left3A_184 = vector.broadcast %shift_left3A_183 : i32 to vector<16xi32>
        %shift_left3A_185 = arith.shli %and3A_178, %shift_left3A_184 : vector<16xi32>
        %add3A_186 = arith.addi %sub3A_182, %shift_left3A_185 : vector<16xi32>
        %add3A_187 = arith.addi %add3A_186, %shift_right_logical3A_181 : vector<16xi32>
        %swap3A_188 = arith.index_cast %add3A_78 : i32 to index
        %swap3A_189 = arith.constant 64 : index
        %swap3A_190 = tpu.vector_load %arg5[%swap3A_188, %swap3A_189] {strides = array<i32>} : memref<64x256xi32, #tpu.memory_space<vmem>>, vector<1x16xi32>,
        %swap3A_191 = vector.shape_cast %swap3A_190 : vector<1x16xi32> to vector<16xi32>
        %swap3A_192 = vector.shape_cast %add3A_187 : vector<16xi32> to vector<1x16xi32>
        tpu.vector_store %arg5[%swap3A_188, %swap3A_189], %swap3A_192 {strides = array<i32>} : memref<64x256xi32, #tpu.memory_space<vmem>>, vector<1x16xi32>,
        %get3A_193 = arith.index_cast %add3A_78 : i32 to index
        %get3A_194 = arith.constant 80 : index
        %get3A_195 = tpu.vector_load %arg5[%get3A_193, %get3A_194] {strides = array<i32>} : memref<64x256xi32, #tpu.memory_space<vmem>>, vector<1x16xi32>,
        %get3A_196 = vector.shape_cast %get3A_195 : vector<1x16xi32> to vector<16xi32>
        %and3A_197 = arith.constant 8191 : i32
        %and3A_198 = vector.broadcast %and3A_197 : i32 to vector<16xi32>
        %and3A_199 = arith.andi %get3A_196, %and3A_198 : vector<16xi32>
        %and3A_200 = arith.constant 2047 : i32
        %and3A_201 = vector.broadcast %and3A_200 : i32 to vector<16xi32>
        %and3A_202 = arith.andi %and3A_199, %and3A_201 : vector<16xi32>
        %shift_right_logical3A_203 = arith.constant 11 : i32
        %shift_right_logical3A_204 = vector.broadcast %shift_right_logical3A_203 : i32 to vector<16xi32>
        %shift_right_logical3A_205 = arith.shrui %and3A_199, %shift_right_logical3A_204 : vector<16xi32>
        %sub3A_206 = arith.subi %get3A_196, %and3A_199 : vector<16xi32>
        %shift_left3A_207 = arith.constant 2 : i32
        %shift_left3A_208 = vector.broadcast %shift_left3A_207 : i32 to vector<16xi32>
        %shift_left3A_209 = arith.shli %and3A_202, %shift_left3A_208 : vector<16xi32>
        %add3A_210 = arith.addi %sub3A_206, %shift_left3A_209 : vector<16xi32>
        %add3A_211 = arith.addi %add3A_210, %shift_right_logical3A_205 : vector<16xi32>
        %swap3A_212 = arith.index_cast %add3A_78 : i32 to index
        %swap3A_213 = arith.constant 80 : index
        %swap3A_214 = tpu.vector_load %arg5[%swap3A_212, %swap3A_213] {strides = array<i32>} : memref<64x256xi32, #tpu.memory_space<vmem>>, vector<1x16xi32>,
        %swap3A_215 = vector.shape_cast %swap3A_214 : vector<1x16xi32> to vector<16xi32>
        %swap3A_216 = vector.shape_cast %add3A_211 : vector<16xi32> to vector<1x16xi32>
        tpu.vector_store %arg5[%swap3A_212, %swap3A_213], %swap3A_216 {strides = array<i32>} : memref<64x256xi32, #tpu.memory_space<vmem>>, vector<1x16xi32>,
        %get3A_217 = arith.index_cast %add3A_78 : i32 to index
        %get3A_218 = arith.constant 96 : index
        %get3A_219 = tpu.vector_load %arg5[%get3A_217, %get3A_218] {strides = array<i32>} : memref<64x256xi32, #tpu.memory_space<vmem>>, vector<1x16xi32>,
        %get3A_220 = vector.shape_cast %get3A_219 : vector<1x16xi32> to vector<16xi32>
        %and3A_221 = arith.constant 8191 : i32
        %and3A_222 = vector.broadcast %and3A_221 : i32 to vector<16xi32>
        %and3A_223 = arith.andi %get3A_220, %and3A_222 : vector<16xi32>
        %and3A_224 = arith.constant 2047 : i32
        %and3A_225 = vector.broadcast %and3A_224 : i32 to vector<16xi32>
        %and3A_226 = arith.andi %and3A_223, %and3A_225 : vector<16xi32>
        %shift_right_logical3A_227 = arith.constant 11 : i32
        %shift_right_logical3A_228 = vector.broadcast %shift_right_logical3A_227 : i32 to vector<16xi32>
        %shift_right_logical3A_229 = arith.shrui %and3A_223, %shift_right_logical3A_228 : vector<16xi32>
        %sub3A_230 = arith.subi %get3A_220, %and3A_223 : vector<16xi32>
        %shift_left3A_231 = arith.constant 2 : i32
        %shift_left3A_232 = vector.broadcast %shift_left3A_231 : i32 to vector<16xi32>
        %shift_left3A_233 = arith.shli %and3A_226, %shift_left3A_232 : vector<16xi32>
        %add3A_234 = arith.addi %sub3A_230, %shift_left3A_233 : vector<16xi32>
        %add3A_235 = arith.addi %add3A_234, %shift_right_logical3A_229 : vector<16xi32>
        %swap3A_236 = arith.index_cast %add3A_78 : i32 to index
        %swap3A_237 = arith.constant 96 : index
        %swap3A_238 = tpu.vector_load %arg5[%swap3A_236, %swap3A_237] {strides = array<i32>} : memref<64x256xi32, #tpu.memory_space<vmem>>, vector<1x16xi32>,
        %swap3A_239 = vector.shape_cast %swap3A_238 : vector<1x16xi32> to vector<16xi32>
        %swap3A_240 = vector.shape_cast %add3A_235 : vector<16xi32> to vector<1x16xi32>
        tpu.vector_store %arg5[%swap3A_236, %swap3A_237], %swap3A_240 {strides = array<i32>} : memref<64x256xi32, #tpu.memory_space<vmem>>, vector<1x16xi32>,
        %get3A_241 = arith.index_cast %add3A_78 : i32 to index
        %get3A_242 = arith.constant 112 : index
        %get3A_243 = tpu.vector_load %arg5[%get3A_241, %get3A_242] {strides = array<i32>} : memref<64x256xi32, #tpu.memory_space<vmem>>, vector<1x16xi32>,
        %get3A_244 = vector.shape_cast %get3A_243 : vector<1x16xi32> to vector<16xi32>
        %and3A_245 = arith.constant 8191 : i32
        %and3A_246 = vector.broadcast %and3A_245 : i32 to vector<16xi32>
        %and3A_247 = arith.andi %get3A_244, %and3A_246 : vector<16xi32>
        %and3A_248 = arith.constant 2047 : i32
        %and3A_249 = vector.broadcast %and3A_248 : i32 to vector<16xi32>
        %and3A_250 = arith.andi %and3A_247, %and3A_249 : vector<16xi32>
        %shift_right_logical3A_251 = arith.constant 11 : i32
        %shift_right_logical3A_252 = vector.broadcast %shift_right_logical3A_251 : i32 to vector<16xi32>
        %shift_right_logical3A_253 = arith.shrui %and3A_247, %shift_right_logical3A_252 : vector<16xi32>
        %sub3A_254 = arith.subi %get3A_244, %and3A_247 : vector<16xi32>
        %shift_left3A_255 = arith.constant 2 : i32
        %shift_left3A_256 = vector.broadcast %shift_left3A_255 : i32 to vector<16xi32>
        %shift_left3A_257 = arith.shli %and3A_250, %shift_left3A_256 : vector<16xi32>
        %add3A_258 = arith.addi %sub3A_254, %shift_left3A_257 : vector<16xi32>
        %add3A_259 = arith.addi %add3A_258, %shift_right_logical3A_253 : vector<16xi32>
        %swap3A_260 = arith.index_cast %add3A_78 : i32 to index
        %swap3A_261 = arith.constant 112 : index
        %swap3A_262 = tpu.vector_load %arg5[%swap3A_260, %swap3A_261] {strides = array<i32>} : memref<64x256xi32, #tpu.memory_space<vmem>>, vector<1x16xi32>,
        %swap3A_263 = vector.shape_cast %swap3A_262 : vector<1x16xi32> to vector<16xi32>
        %swap3A_264 = vector.shape_cast %add3A_259 : vector<16xi32> to vector<1x16xi32>
        tpu.vector_store %arg5[%swap3A_260, %swap3A_261], %swap3A_264 {strides = array<i32>} : memref<64x256xi32, #tpu.memory_space<vmem>>, vector<1x16xi32>,
        %get3A_265 = arith.index_cast %add3A_78 : i32 to index
        %get3A_266 = arith.constant 128 : index
        %get3A_267 = tpu.vector_load %arg5[%get3A_265, %get3A_266] {strides = array<i32>} : memref<64x256xi32, #tpu.memory_space<vmem>>, vector<1x16xi32>,
        %get3A_268 = vector.shape_cast %get3A_267 : vector<1x16xi32> to vector<16xi32>
        %and3A_269 = arith.constant 8191 : i32
        %and3A_270 = vector.broadcast %and3A_269 : i32 to vector<16xi32>
        %and3A_271 = arith.andi %get3A_268, %and3A_270 : vector<16xi32>
        %and3A_272 = arith.constant 2047 : i32
        %and3A_273 = vector.broadcast %and3A_272 : i32 to vector<16xi32>
        %and3A_274 = arith.andi %and3A_271, %and3A_273 : vector<16xi32>
        %shift_right_logical3A_275 = arith.constant 11 : i32
        %shift_right_logical3A_276 = vector.broadcast %shift_right_logical3A_275 : i32 to vector<16xi32>
        %shift_right_logical3A_277 = arith.shrui %and3A_271, %shift_right_logical3A_276 : vector<16xi32>
        %sub3A_278 = arith.subi %get3A_268, %and3A_271 : vector<16xi32>
        %shift_left3A_279 = arith.constant 2 : i32
        %shift_left3A_280 = vector.broadcast %shift_left3A_279 : i32 to vector<16xi32>
        %shift_left3A_281 = arith.shli %and3A_274, %shift_left3A_280 : vector<16xi32>
        %add3A_282 = arith.addi %sub3A_278, %shift_left3A_281 : vector<16xi32>
        %add3A_283 = arith.addi %add3A_282, %shift_right_logical3A_277 : vector<16xi32>
        %swap3A_284 = arith.index_cast %add3A_78 : i32 to index
        %swap3A_285 = arith.constant 128 : index
        %swap3A_286 = tpu.vector_load %arg5[%swap3A_284, %swap3A_285] {strides = array<i32>} : memref<64x256xi32, #tpu.memory_space<vmem>>, vector<1x16xi32>,
        %swap3A_287 = vector.shape_cast %swap3A_286 : vector<1x16xi32> to vector<16xi32>
        %swap3A_288 = vector.shape_cast %add3A_283 : vector<16xi32> to vector<1x16xi32>
        tpu.vector_store %arg5[%swap3A_284, %swap3A_285], %swap3A_288 {strides = array<i32>} : memref<64x256xi32, #tpu.memory_space<vmem>>, vector<1x16xi32>,
        %get3A_289 = arith.index_cast %add3A_78 : i32 to index
        %get3A_290 = arith.constant 144 : index
        %get3A_291 = tpu.vector_load %arg5[%get3A_289, %get3A_290] {strides = array<i32>} : memref<64x256xi32, #tpu.memory_space<vmem>>, vector<1x16xi32>,
        %get3A_292 = vector.shape_cast %get3A_291 : vector<1x16xi32> to vector<16xi32>
        %and3A_293 = arith.constant 8191 : i32
        %and3A_294 = vector.broadcast %and3A_293 : i32 to vector<16xi32>
        %and3A_295 = arith.andi %get3A_292, %and3A_294 : vector<16xi32>
        %and3A_296 = arith.constant 2047 : i32
        %and3A_297 = vector.broadcast %and3A_296 : i32 to vector<16xi32>
        %and3A_298 = arith.andi %and3A_295, %and3A_297 : vector<16xi32>
        %shift_right_logical3A_299 = arith.constant 11 : i32
        %shift_right_logical3A_300 = vector.broadcast %shift_right_logical3A_299 : i32 to vector<16xi32>
        %shift_right_logical3A_301 = arith.shrui %and3A_295, %shift_right_logical3A_300 : vector<16xi32>
        %sub3A_302 = arith.subi %get3A_292, %and3A_295 : vector<16xi32>
        %shift_left3A_303 = arith.constant 2 : i32
        %shift_left3A_304 = vector.broadcast %shift_left3A_303 : i32 to vector<16xi32>
        %shift_left3A_305 = arith.shli %and3A_298, %shift_left3A_304 : vector<16xi32>
        %add3A_306 = arith.addi %sub3A_302, %shift_left3A_305 : vector<16xi32>
        %add3A_307 = arith.addi %add3A_306, %shift_right_logical3A_301 : vector<16xi32>
        %swap3A_308 = arith.index_cast %add3A_78 : i32 to index
        %swap3A_309 = arith.constant 144 : index
        %swap3A_310 = tpu.vector_load %arg5[%swap3A_308, %swap3A_309] {strides = array<i32>} : memref<64x256xi32, #tpu.memory_space<vmem>>, vector<1x16xi32>,
        %swap3A_311 = vector.shape_cast %swap3A_310 : vector<1x16xi32> to vector<16xi32>
        %swap3A_312 = vector.shape_cast %add3A_307 : vector<16xi32> to vector<1x16xi32>
        tpu.vector_store %arg5[%swap3A_308, %swap3A_309], %swap3A_312 {strides = array<i32>} : memref<64x256xi32, #tpu.memory_space<vmem>>, vector<1x16xi32>,
        %get3A_313 = arith.index_cast %add3A_78 : i32 to index
        %get3A_314 = arith.constant 160 : index
        %get3A_315 = tpu.vector_load %arg5[%get3A_313, %get3A_314] {strides = array<i32>} : memref<64x256xi32, #tpu.memory_space<vmem>>, vector<1x16xi32>,
        %get3A_316 = vector.shape_cast %get3A_315 : vector<1x16xi32> to vector<16xi32>
        %and3A_317 = arith.constant 8191 : i32
        %and3A_318 = vector.broadcast %and3A_317 : i32 to vector<16xi32>
        %and3A_319 = arith.andi %get3A_316, %and3A_318 : vector<16xi32>
        %and3A_320 = arith.constant 2047 : i32
        %and3A_321 = vector.broadcast %and3A_320 : i32 to vector<16xi32>
        %and3A_322 = arith.andi %and3A_319, %and3A_321 : vector<16xi32>
        %shift_right_logical3A_323 = arith.constant 11 : i32
        %shift_right_logical3A_324 = vector.broadcast %shift_right_logical3A_323 : i32 to vector<16xi32>
        %shift_right_logical3A_325 = arith.shrui %and3A_319, %shift_right_logical3A_324 : vector<16xi32>
        %sub3A_326 = arith.subi %get3A_316, %and3A_319 : vector<16xi32>
        %shift_left3A_327 = arith.constant 2 : i32
        %shift_left3A_328 = vector.broadcast %shift_left3A_327 : i32 to vector<16xi32>
        %shift_left3A_329 = arith.shli %and3A_322, %shift_left3A_328 : vector<16xi32>
        %add3A_330 = arith.addi %sub3A_326, %shift_left3A_329 : vector<16xi32>
        %add3A_331 = arith.addi %add3A_330, %shift_right_logical3A_325 : vector<16xi32>
        %swap3A_332 = arith.index_cast %add3A_78 : i32 to index
        %swap3A_333 = arith.constant 160 : index
        %swap3A_334 = tpu.vector_load %arg5[%swap3A_332, %swap3A_333] {strides = array<i32>} : memref<64x256xi32, #tpu.memory_space<vmem>>, vector<1x16xi32>,
        %swap3A_335 = vector.shape_cast %swap3A_334 : vector<1x16xi32> to vector<16xi32>
        %swap3A_336 = vector.shape_cast %add3A_331 : vector<16xi32> to vector<1x16xi32>
        tpu.vector_store %arg5[%swap3A_332, %swap3A_333], %swap3A_336 {strides = array<i32>} : memref<64x256xi32, #tpu.memory_space<vmem>>, vector<1x16xi32>,
        %get3A_337 = arith.index_cast %add3A_78 : i32 to index
        %get3A_338 = arith.constant 176 : index
        %get3A_339 = tpu.vector_load %arg5[%get3A_337, %get3A_338] {strides = array<i32>} : memref<64x256xi32, #tpu.memory_space<vmem>>, vector<1x16xi32>,
        %get3A_340 = vector.shape_cast %get3A_339 : vector<1x16xi32> to vector<16xi32>
        %and3A_341 = arith.constant 8191 : i32
        %and3A_342 = vector.broadcast %and3A_341 : i32 to vector<16xi32>
        %and3A_343 = arith.andi %get3A_340, %and3A_342 : vector<16xi32>
        %and3A_344 = arith.constant 2047 : i32
        %and3A_345 = vector.broadcast %and3A_344 : i32 to vector<16xi32>
        %and3A_346 = arith.andi %and3A_343, %and3A_345 : vector<16xi32>
        %shift_right_logical3A_347 = arith.constant 11 : i32
        %shift_right_logical3A_348 = vector.broadcast %shift_right_logical3A_347 : i32 to vector<16xi32>
        %shift_right_logical3A_349 = arith.shrui %and3A_343, %shift_right_logical3A_348 : vector<16xi32>
        %sub3A_350 = arith.subi %get3A_340, %and3A_343 : vector<16xi32>
        %shift_left3A_351 = arith.constant 2 : i32
        %shift_left3A_352 = vector.broadcast %shift_left3A_351 : i32 to vector<16xi32>
        %shift_left3A_353 = arith.shli %and3A_346, %shift_left3A_352 : vector<16xi32>
        %add3A_354 = arith.addi %sub3A_350, %shift_left3A_353 : vector<16xi32>
        %add3A_355 = arith.addi %add3A_354, %shift_right_logical3A_349 : vector<16xi32>
        %swap3A_356 = arith.index_cast %add3A_78 : i32 to index
        %swap3A_357 = arith.constant 176 : index
        %swap3A_358 = tpu.vector_load %arg5[%swap3A_356, %swap3A_357] {strides = array<i32>} : memref<64x256xi32, #tpu.memory_space<vmem>>, vector<1x16xi32>,
        %swap3A_359 = vector.shape_cast %swap3A_358 : vector<1x16xi32> to vector<16xi32>
        %swap3A_360 = vector.shape_cast %add3A_355 : vector<16xi32> to vector<1x16xi32>
        tpu.vector_store %arg5[%swap3A_356, %swap3A_357], %swap3A_360 {strides = array<i32>} : memref<64x256xi32, #tpu.memory_space<vmem>>, vector<1x16xi32>,
        %get3A_361 = arith.index_cast %add3A_78 : i32 to index
        %get3A_362 = arith.constant 192 : index
        %get3A_363 = tpu.vector_load %arg5[%get3A_361, %get3A_362] {strides = array<i32>} : memref<64x256xi32, #tpu.memory_space<vmem>>, vector<1x16xi32>,
        %get3A_364 = vector.shape_cast %get3A_363 : vector<1x16xi32> to vector<16xi32>
        %and3A_365 = arith.constant 8191 : i32
        %and3A_366 = vector.broadcast %and3A_365 : i32 to vector<16xi32>
        %and3A_367 = arith.andi %get3A_364, %and3A_366 : vector<16xi32>
        %and3A_368 = arith.constant 2047 : i32
        %and3A_369 = vector.broadcast %and3A_368 : i32 to vector<16xi32>
        %and3A_370 = arith.andi %and3A_367, %and3A_369 : vector<16xi32>
        %shift_right_logical3A_371 = arith.constant 11 : i32
        %shift_right_logical3A_372 = vector.broadcast %shift_right_logical3A_371 : i32 to vector<16xi32>
        %shift_right_logical3A_373 = arith.shrui %and3A_367, %shift_right_logical3A_372 : vector<16xi32>
        %sub3A_374 = arith.subi %get3A_364, %and3A_367 : vector<16xi32>
        %shift_left3A_375 = arith.constant 2 : i32
        %shift_left3A_376 = vector.broadcast %shift_left3A_375 : i32 to vector<16xi32>
        %shift_left3A_377 = arith.shli %and3A_370, %shift_left3A_376 : vector<16xi32>
        %add3A_378 = arith.addi %sub3A_374, %shift_left3A_377 : vector<16xi32>
        %add3A_379 = arith.addi %add3A_378, %shift_right_logical3A_373 : vector<16xi32>
        %swap3A_380 = arith.index_cast %add3A_78 : i32 to index
        %swap3A_381 = arith.constant 192 : index
        %swap3A_382 = tpu.vector_load %arg5[%swap3A_380, %swap3A_381] {strides = array<i32>} : memref<64x256xi32, #tpu.memory_space<vmem>>, vector<1x16xi32>,
        %swap3A_383 = vector.shape_cast %swap3A_382 : vector<1x16xi32> to vector<16xi32>
        %swap3A_384 = vector.shape_cast %add3A_379 : vector<16xi32> to vector<1x16xi32>
        tpu.vector_store %arg5[%swap3A_380, %swap3A_381], %swap3A_384 {strides = array<i32>} : memref<64x256xi32, #tpu.memory_space<vmem>>, vector<1x16xi32>,
      }
      %scan3A_21 = arith.constant 64 : i32
      %dma_start3A = arith.constant 0 : i32
      %dma_start3A_22 = arith.constant 0 : i32
      %dma_start3A_23 = arith.constant 0 : i32
      %dma_start3A_24 = arith.constant 0 : i32
      %dma_start3A_25 = tpu.memref_slice %arg6[%dma_start3A_22, %dma_start3A_23, %dma_start3A_24] : memref<4x200x32xf32, #tpu.memory_space<vmem>> -> memref<1x200x32xf32, #tpu.memory_space<vmem>>
      %dma_start3A_26 = tpu.memref_squeeze %dma_start3A_25 : memref<1x200x32xf32, #tpu.memory_space<vmem>> -> memref<200x32xf32, #tpu.memory_space<vmem>>
      %dma_start3A_27 = arith.constant 0 : i32
      %dma_start3A_28 = tpu.memref_slice %arg5[%dma_start3A, %dma_start3A_27] : memref<64x256xi32, #tpu.memory_space<vmem>> -> memref<1x200xi32, #tpu.memory_space<vmem>>
      %dma_start3A_29 = tpu.memref_squeeze %dma_start3A_28 : memref<1x200xi32, #tpu.memory_space<vmem>> -> memref<200xi32, #tpu.memory_space<vmem>>
      %dma_start3A_30 = arith.constant 0 : i32
      %dma_start3A_31 = arith.constant 0 : i32
      %dma_start3A_32 = tpu.memref_slice %arg3[%dma_start3A_30, %dma_start3A_31] : memref<1007616x32xf32, #tpu.memory_space<hbm>> -> memref<1007616x32xf32, #tpu.memory_space<hbm>>
      tpu.enqueue_indirect_dma source(%dma_start3A_32 : memref<1007616x32xf32, #tpu.memory_space<hbm>>) target(%dma_start3A_26 : memref<200x32xf32, #tpu.memory_space<vmem>>) offsets(%dma_start3A_29 : memref<200xi32, #tpu.memory_space<vmem>>) semaphore(%arg8 : memref<!tpu.dma_semaphore, #tpu.memory_space<semaphore_mem>>)
      %dma_start3A_33 = arith.constant 1 : i32
      %dma_start3A_34 = arith.constant 1 : i32
      %dma_start3A_35 = arith.constant 0 : i32
      %dma_start3A_36 = arith.constant 0 : i32
      %dma_start3A_37 = tpu.memref_slice %arg6[%dma_start3A_34, %dma_start3A_35, %dma_start3A_36] : memref<4x200x32xf32, #tpu.memory_space<vmem>> -> memref<1x200x32xf32, #tpu.memory_space<vmem>>
      %dma_start3A_38 = tpu.memref_squeeze %dma_start3A_37 : memref<1x200x32xf32, #tpu.memory_space<vmem>> -> memref<200x32xf32, #tpu.memory_space<vmem>>
      %dma_start3A_39 = arith.constant 0 : i32
      %dma_start3A_40 = tpu.memref_slice %arg5[%dma_start3A_33, %dma_start3A_39] : memref<64x256xi32, #tpu.memory_space<vmem>> -> memref<1x200xi32, #tpu.memory_space<vmem>>
      %dma_start3A_41 = tpu.memref_squeeze %dma_start3A_40 : memref<1x200xi32, #tpu.memory_space<vmem>> -> memref<200xi32, #tpu.memory_space<vmem>>
      %dma_start3A_42 = arith.constant 0 : i32
      %dma_start3A_43 = arith.constant 0 : i32
      %dma_start3A_44 = tpu.memref_slice %arg3[%dma_start3A_42, %dma_start3A_43] : memref<1007616x32xf32, #tpu.memory_space<hbm>> -> memref<1007616x32xf32, #tpu.memory_space<hbm>>
      tpu.enqueue_indirect_dma source(%dma_start3A_44 : memref<1007616x32xf32, #tpu.memory_space<hbm>>) target(%dma_start3A_38 : memref<200x32xf32, #tpu.memory_space<vmem>>) offsets(%dma_start3A_41 : memref<200xi32, #tpu.memory_space<vmem>>) semaphore(%arg9 : memref<!tpu.dma_semaphore, #tpu.memory_space<semaphore_mem>>)
      %dma_start3A_45 = arith.constant 2 : i32
      %dma_start3A_46 = arith.constant 2 : i32
      %dma_start3A_47 = arith.constant 0 : i32
      %dma_start3A_48 = arith.constant 0 : i32
      %dma_start3A_49 = tpu.memref_slice %arg6[%dma_start3A_46, %dma_start3A_47, %dma_start3A_48] : memref<4x200x32xf32, #tpu.memory_space<vmem>> -> memref<1x200x32xf32, #tpu.memory_space<vmem>>
      %dma_start3A_50 = tpu.memref_squeeze %dma_start3A_49 : memref<1x200x32xf32, #tpu.memory_space<vmem>> -> memref<200x32xf32, #tpu.memory_space<vmem>>
      %dma_start3A_51 = arith.constant 0 : i32
      %dma_start3A_52 = tpu.memref_slice %arg5[%dma_start3A_45, %dma_start3A_51] : memref<64x256xi32, #tpu.memory_space<vmem>> -> memref<1x200xi32, #tpu.memory_space<vmem>>
      %dma_start3A_53 = tpu.memref_squeeze %dma_start3A_52 : memref<1x200xi32, #tpu.memory_space<vmem>> -> memref<200xi32, #tpu.memory_space<vmem>>
      %dma_start3A_54 = arith.constant 0 : i32
      %dma_start3A_55 = arith.constant 0 : i32
      %dma_start3A_56 = tpu.memref_slice %arg3[%dma_start3A_54, %dma_start3A_55] : memref<1007616x32xf32, #tpu.memory_space<hbm>> -> memref<1007616x32xf32, #tpu.memory_space<hbm>>
      tpu.enqueue_indirect_dma source(%dma_start3A_56 : memref<1007616x32xf32, #tpu.memory_space<hbm>>) target(%dma_start3A_50 : memref<200x32xf32, #tpu.memory_space<vmem>>) offsets(%dma_start3A_53 : memref<200xi32, #tpu.memory_space<vmem>>) semaphore(%arg10 : memref<!tpu.dma_semaphore, #tpu.memory_space<semaphore_mem>>)
      %dma_start3A_57 = arith.constant 3 : i32
      %dma_start3A_58 = arith.constant 3 : i32
      %dma_start3A_59 = arith.constant 0 : i32
      %dma_start3A_60 = arith.constant 0 : i32
      %dma_start3A_61 = tpu.memref_slice %arg6[%dma_start3A_58, %dma_start3A_59, %dma_start3A_60] : memref<4x200x32xf32, #tpu.memory_space<vmem>> -> memref<1x200x32xf32, #tpu.memory_space<vmem>>
      %dma_start3A_62 = tpu.memref_squeeze %dma_start3A_61 : memref<1x200x32xf32, #tpu.memory_space<vmem>> -> memref<200x32xf32, #tpu.memory_space<vmem>>
      %dma_start3A_63 = arith.constant 0 : i32
      %dma_start3A_64 = tpu.memref_slice %arg5[%dma_start3A_57, %dma_start3A_63] : memref<64x256xi32, #tpu.memory_space<vmem>> -> memref<1x200xi32, #tpu.memory_space<vmem>>
      %dma_start3A_65 = tpu.memref_squeeze %dma_start3A_64 : memref<1x200xi32, #tpu.memory_space<vmem>> -> memref<200xi32, #tpu.memory_space<vmem>>
      %dma_start3A_66 = arith.constant 0 : i32
      %dma_start3A_67 = arith.constant 0 : i32
      %dma_start3A_68 = tpu.memref_slice %arg3[%dma_start3A_66, %dma_start3A_67] : memref<1007616x32xf32, #tpu.memory_space<hbm>> -> memref<1007616x32xf32, #tpu.memory_space<hbm>>
      tpu.enqueue_indirect_dma source(%dma_start3A_68 : memref<1007616x32xf32, #tpu.memory_space<hbm>>) target(%dma_start3A_62 : memref<200x32xf32, #tpu.memory_space<vmem>>) offsets(%dma_start3A_65 : memref<200xi32, #tpu.memory_space<vmem>>) semaphore(%arg11 : memref<!tpu.dma_semaphore, #tpu.memory_space<semaphore_mem>>)
      %scan3A_69 = arith.constant 0 : i32
      %scan3A_70 = arith.constant 16 : i32
      %scan3A_71 = arith.addi %scan3A_69, %scan3A_70 : i32
      %scan3A_72 = arith.constant 1 : i32
      scf.for %scan3A_74 = %scan3A_69 to %scan3A_71 step %scan3A_72  : i32 {
        %mul3A_75 = arith.constant 4 : i32
        %mul3A_76 = arith.muli %scan3A_74, %mul3A_75 : i32
        %add3A_77 = arith.constant 0 : i32
        %add3A_78 = arith.addi %add3A_77, %mul3A_76 : i32
        %add3A_79 = arith.constant 0 : i32
        %add3A_80 = arith.addi %add3A_78, %add3A_79 : i32
        %dma_wait3A = arith.constant 0 : i32
        %dma_wait3A_81 = arith.constant 0 : i32
        %dma_wait3A_82 = arith.constant 0 : i32
        %dma_wait3A_83 = arith.constant 0 : i32
        %dma_wait3A_84 = tpu.memref_slice %arg6[%dma_wait3A_81, %dma_wait3A_82, %dma_wait3A_83] : memref<4x200x32xf32, #tpu.memory_space<vmem>> -> memref<1x200x32xf32, #tpu.memory_space<vmem>>
        %dma_wait3A_85 = tpu.memref_squeeze %dma_wait3A_84 : memref<1x200x32xf32, #tpu.memory_space<vmem>> -> memref<200x32xf32, #tpu.memory_space<vmem>>
        %dma_wait3A_86 = arith.constant 0 : i32
        %dma_wait3A_87 = tpu.memref_slice %arg5[%dma_wait3A, %dma_wait3A_86] : memref<64x256xi32, #tpu.memory_space<vmem>> -> memref<1x200xi32, #tpu.memory_space<vmem>>
        %dma_wait3A_88 = tpu.memref_squeeze %dma_wait3A_87 : memref<1x200xi32, #tpu.memory_space<vmem>> -> memref<200xi32, #tpu.memory_space<vmem>>
        %dma_wait3A_89 = arith.constant 0 : i32
        %dma_wait3A_90 = arith.constant 0 : i32
        %dma_wait3A_91 = tpu.memref_slice %arg3[%dma_wait3A_89, %dma_wait3A_90] : memref<1007616x32xf32, #tpu.memory_space<hbm>> -> memref<1007616x32xf32, #tpu.memory_space<hbm>>
        tpu.wait_indirect_dma semaphore(%arg8 : memref<!tpu.dma_semaphore, #tpu.memory_space<semaphore_mem>>) src(%dma_wait3A_91 : memref<1007616x32xf32, #tpu.memory_space<hbm>>) dst(%dma_wait3A_85 : memref<200x32xf32, #tpu.memory_space<vmem>>)
        %mul3A_92 = arith.constant 64 : i32
        %mul3A_93 = arith.muli %add3A_11, %mul3A_92 : i32
        %add3A_94 = arith.addi %mul3A_93, %add3A_80 : i32
        %broadcast_in_dim3A = arith.constant 0.000000e+00 : f32
        %broadcast_in_dim3A_95 = vector.broadcast %broadcast_in_dim3A : f32 to vector<16xf32>
        %broadcast_in_dim3A_96 = arith.constant 0.000000e+00 : f32
        %broadcast_in_dim3A_97 = vector.broadcast %broadcast_in_dim3A_96 : f32 to vector<16xf32>
        %broadcast_in_dim3A_98 = arith.constant 0.000000e+00 : f32
        %broadcast_in_dim3A_99 = vector.broadcast %broadcast_in_dim3A_98 : f32 to vector<16xf32>
        %broadcast_in_dim3A_100 = arith.constant 0.000000e+00 : f32
        %broadcast_in_dim3A_101 = vector.broadcast %broadcast_in_dim3A_100 : f32 to vector<16xf32>
        %scan3A_102 = arith.constant 0 : i32
        %scan3A_103 = arith.constant 0 : i32
        %scan3A_104 = arith.constant 200 : i32
        %scan3A_105 = arith.addi %scan3A_103, %scan3A_104 : i32
        %scan3A_106 = arith.constant 10 : i32
        %scan3A_107:4 = scf.for %scan3A_309 = %scan3A_103 to %scan3A_105 step %scan3A_106 iter_args(%scan3A_310 = %broadcast_in_dim3A_95, %scan3A_311 = %broadcast_in_dim3A_97, %scan3A_312 = %broadcast_in_dim3A_99, %scan3A_313 = %broadcast_in_dim3A_101) -> (vector<16xf32>, vector<16xf32>, vector<16xf32>, vector<16xf32>)  : i32 {
          %get3A = arith.constant 0 : i32
          %get3A_314 = arith.constant 0 : i32
          %get3A_315 = tpu.memref_slice %arg6[%scan3A_102, %get3A, %get3A_314] : memref<4x200x32xf32, #tpu.memory_space<vmem>> -> memref<1x200x32xf32, #tpu.memory_space<vmem>>
          %get3A_316 = tpu.memref_squeeze %get3A_315 : memref<1x200x32xf32, #tpu.memory_space<vmem>> -> memref<200x32xf32, #tpu.memory_space<vmem>>
          %get3A_317 = arith.index_cast %scan3A_309 : i32 to index
          %get3A_318 = arith.constant 0 : index
          %get3A_319 = tpu.vector_load %get3A_316[%get3A_317, %get3A_318] {strides = array<i32>} : memref<200x32xf32, #tpu.memory_space<vmem>>, vector<1x16xf32>,
          %get3A_320 = vector.shape_cast %get3A_319 : vector<1x16xf32> to vector<16xf32>
          %bitcast_convert_type3A = tpu.bitcast %get3A_320 : vector<16xf32> -> vector<16xi32>
          %shift_left3A = arith.constant 16 : i32
          %shift_left3A_321 = vector.broadcast %shift_left3A : i32 to vector<16xi32>
          %shift_left3A_322 = arith.shli %bitcast_convert_type3A, %shift_left3A_321 : vector<16xi32>
          %bitcast_convert_type3A_323 = tpu.bitcast %shift_left3A_322 : vector<16xi32> -> vector<16xf32>
          %add3A_324 = arith.addf %scan3A_310, %bitcast_convert_type3A_323 : vector<16xf32>
          %add3A_325 = arith.addf %scan3A_312, %get3A_320 : vector<16xf32>
          %get3A_326 = arith.constant 0 : i32
          %get3A_327 = arith.constant 0 : i32
          %get3A_328 = tpu.memref_slice %arg6[%scan3A_102, %get3A_326, %get3A_327] : memref<4x200x32xf32, #tpu.memory_space<vmem>> -> memref<1x200x32xf32, #tpu.memory_space<vmem>>
          %get3A_329 = tpu.memref_squeeze %get3A_328 : memref<1x200x32xf32, #tpu.memory_space<vmem>> -> memref<200x32xf32, #tpu.memory_space<vmem>>
          %get3A_330 = arith.index_cast %scan3A_309 : i32 to index
          %get3A_331 = arith.constant 16 : index
          %get3A_332 = tpu.vector_load %get3A_329[%get3A_330, %get3A_331] {strides = array<i32>} : memref<200x32xf32, #tpu.memory_space<vmem>>, vector<1x16xf32>,
          %get3A_333 = vector.shape_cast %get3A_332 : vector<1x16xf32> to vector<16xf32>
          %bitcast_convert_type3A_334 = tpu.bitcast %get3A_333 : vector<16xf32> -> vector<16xi32>
          %shift_left3A_335 = arith.constant 16 : i32
          %shift_left3A_336 = vector.broadcast %shift_left3A_335 : i32 to vector<16xi32>
          %shift_left3A_337 = arith.shli %bitcast_convert_type3A_334, %shift_left3A_336 : vector<16xi32>
          %bitcast_convert_type3A_338 = tpu.bitcast %shift_left3A_337 : vector<16xi32> -> vector<16xf32>
          %add3A_339 = arith.addf %scan3A_311, %bitcast_convert_type3A_338 : vector<16xf32>
          %add3A_340 = arith.addf %scan3A_313, %get3A_333 : vector<16xf32>
          %scan3A_341 = arith.constant 1 : i32
          %scan3A_342 = arith.addi %scan3A_309, %scan3A_341 : i32
          %get3A_343 = arith.constant 0 : i32
          %get3A_344 = arith.constant 0 : i32
          %get3A_345 = tpu.memref_slice %arg6[%scan3A_102, %get3A_343, %get3A_344] : memref<4x200x32xf32, #tpu.memory_space<vmem>> -> memref<1x200x32xf32, #tpu.memory_space<vmem>>
          %get3A_346 = tpu.memref_squeeze %get3A_345 : memref<1x200x32xf32, #tpu.memory_space<vmem>> -> memref<200x32xf32, #tpu.memory_space<vmem>>
          %get3A_347 = arith.index_cast %scan3A_342 : i32 to index
          %get3A_348 = arith.constant 0 : index
          %get3A_349 = tpu.vector_load %get3A_346[%get3A_347, %get3A_348] {strides = array<i32>} : memref<200x32xf32, #tpu.memory_space<vmem>>, vector<1x16xf32>,
          %get3A_350 = vector.shape_cast %get3A_349 : vector<1x16xf32> to vector<16xf32>
          %bitcast_convert_type3A_351 = tpu.bitcast %get3A_350 : vector<16xf32> -> vector<16xi32>
          %shift_left3A_352 = arith.constant 16 : i32
          %shift_left3A_353 = vector.broadcast %shift_left3A_352 : i32 to vector<16xi32>
          %shift_left3A_354 = arith.shli %bitcast_convert_type3A_351, %shift_left3A_353 : vector<16xi32>
          %bitcast_convert_type3A_355 = tpu.bitcast %shift_left3A_354 : vector<16xi32> -> vector<16xf32>
          %add3A_356 = arith.addf %add3A_324, %bitcast_convert_type3A_355 : vector<16xf32>
          %add3A_357 = arith.addf %add3A_325, %get3A_350 : vector<16xf32>
          %get3A_358 = arith.constant 0 : i32
          %get3A_359 = arith.constant 0 : i32
          %get3A_360 = tpu.memref_slice %arg6[%scan3A_102, %get3A_358, %get3A_359] : memref<4x200x32xf32, #tpu.memory_space<vmem>> -> memref<1x200x32xf32, #tpu.memory_space<vmem>>
          %get3A_361 = tpu.memref_squeeze %get3A_360 : memref<1x200x32xf32, #tpu.memory_space<vmem>> -> memref<200x32xf32, #tpu.memory_space<vmem>>
          %get3A_362 = arith.index_cast %scan3A_342 : i32 to index
          %get3A_363 = arith.constant 16 : index
          %get3A_364 = tpu.vector_load %get3A_361[%get3A_362, %get3A_363] {strides = array<i32>} : memref<200x32xf32, #tpu.memory_space<vmem>>, vector<1x16xf32>,
          %get3A_365 = vector.shape_cast %get3A_364 : vector<1x16xf32> to vector<16xf32>
          %bitcast_convert_type3A_366 = tpu.bitcast %get3A_365 : vector<16xf32> -> vector<16xi32>
          %shift_left3A_367 = arith.constant 16 : i32
          %shift_left3A_368 = vector.broadcast %shift_left3A_367 : i32 to vector<16xi32>
          %shift_left3A_369 = arith.shli %bitcast_convert_type3A_366, %shift_left3A_368 : vector<16xi32>
          %bitcast_convert_type3A_370 = tpu.bitcast %shift_left3A_369 : vector<16xi32> -> vector<16xf32>
          %add3A_371 = arith.addf %add3A_339, %bitcast_convert_type3A_370 : vector<16xf32>
          %add3A_372 = arith.addf %add3A_340, %get3A_365 : vector<16xf32>
          %scan3A_373 = arith.constant 2 : i32
          %scan3A_374 = arith.addi %scan3A_309, %scan3A_373 : i32
          %get3A_375 = arith.constant 0 : i32
          %get3A_376 = arith.constant 0 : i32
          %get3A_377 = tpu.memref_slice %arg6[%scan3A_102, %get3A_375, %get3A_376] : memref<4x200x32xf32, #tpu.memory_space<vmem>> -> memref<1x200x32xf32, #tpu.memory_space<vmem>>
          %get3A_378 = tpu.memref_squeeze %get3A_377 : memref<1x200x32xf32, #tpu.memory_space<vmem>> -> memref<200x32xf32, #tpu.memory_space<vmem>>
          %get3A_379 = arith.index_cast %scan3A_374 : i32 to index
          %get3A_380 = arith.constant 0 : index
          %get3A_381 = tpu.vector_load %get3A_378[%get3A_379, %get3A_380] {strides = array<i32>} : memref<200x32xf32, #tpu.memory_space<vmem>>, vector<1x16xf32>,
          %get3A_382 = vector.shape_cast %get3A_381 : vector<1x16xf32> to vector<16xf32>
          %bitcast_convert_type3A_383 = tpu.bitcast %get3A_382 : vector<16xf32> -> vector<16xi32>
          %shift_left3A_384 = arith.constant 16 : i32
          %shift_left3A_385 = vector.broadcast %shift_left3A_384 : i32 to vector<16xi32>
          %shift_left3A_386 = arith.shli %bitcast_convert_type3A_383, %shift_left3A_385 : vector<16xi32>
          %bitcast_convert_type3A_387 = tpu.bitcast %shift_left3A_386 : vector<16xi32> -> vector<16xf32>
          %add3A_388 = arith.addf %add3A_356, %bitcast_convert_type3A_387 : vector<16xf32>
          %add3A_389 = arith.addf %add3A_357, %get3A_382 : vector<16xf32>
          %get3A_390 = arith.constant 0 : i32
          %get3A_391 = arith.constant 0 : i32
          %get3A_392 = tpu.memref_slice %arg6[%scan3A_102, %get3A_390, %get3A_391] : memref<4x200x32xf32, #tpu.memory_space<vmem>> -> memref<1x200x32xf32, #tpu.memory_space<vmem>>
          %get3A_393 = tpu.memref_squeeze %get3A_392 : memref<1x200x32xf32, #tpu.memory_space<vmem>> -> memref<200x32xf32, #tpu.memory_space<vmem>>
          %get3A_394 = arith.index_cast %scan3A_374 : i32 to index
          %get3A_395 = arith.constant 16 : index
          %get3A_396 = tpu.vector_load %get3A_393[%get3A_394, %get3A_395] {strides = array<i32>} : memref<200x32xf32, #tpu.memory_space<vmem>>, vector<1x16xf32>,
          %get3A_397 = vector.shape_cast %get3A_396 : vector<1x16xf32> to vector<16xf32>
          %bitcast_convert_type3A_398 = tpu.bitcast %get3A_397 : vector<16xf32> -> vector<16xi32>
          %shift_left3A_399 = arith.constant 16 : i32
          %shift_left3A_400 = vector.broadcast %shift_left3A_399 : i32 to vector<16xi32>
          %shift_left3A_401 = arith.shli %bitcast_convert_type3A_398, %shift_left3A_400 : vector<16xi32>
          %bitcast_convert_type3A_402 = tpu.bitcast %shift_left3A_401 : vector<16xi32> -> vector<16xf32>
          %add3A_403 = arith.addf %add3A_371, %bitcast_convert_type3A_402 : vector<16xf32>
          %add3A_404 = arith.addf %add3A_372, %get3A_397 : vector<16xf32>
          %scan3A_405 = arith.constant 3 : i32
          %scan3A_406 = arith.addi %scan3A_309, %scan3A_405 : i32
          %get3A_407 = arith.constant 0 : i32
          %get3A_408 = arith.constant 0 : i32
          %get3A_409 = tpu.memref_slice %arg6[%scan3A_102, %get3A_407, %get3A_408] : memref<4x200x32xf32, #tpu.memory_space<vmem>> -> memref<1x200x32xf32, #tpu.memory_space<vmem>>
          %get3A_410 = tpu.memref_squeeze %get3A_409 : memref<1x200x32xf32, #tpu.memory_space<vmem>> -> memref<200x32xf32, #tpu.memory_space<vmem>>
          %get3A_411 = arith.index_cast %scan3A_406 : i32 to index
          %get3A_412 = arith.constant 0 : index
          %get3A_413 = tpu.vector_load %get3A_410[%get3A_411, %get3A_412] {strides = array<i32>} : memref<200x32xf32, #tpu.memory_space<vmem>>, vector<1x16xf32>,
          %get3A_414 = vector.shape_cast %get3A_413 : vector<1x16xf32> to vector<16xf32>
          %bitcast_convert_type3A_415 = tpu.bitcast %get3A_414 : vector<16xf32> -> vector<16xi32>
          %shift_left3A_416 = arith.constant 16 : i32
          %shift_left3A_417 = vector.broadcast %shift_left3A_416 : i32 to vector<16xi32>
          %shift_left3A_418 = arith.shli %bitcast_convert_type3A_415, %shift_left3A_417 : vector<16xi32>
          %bitcast_convert_type3A_419 = tpu.bitcast %shift_left3A_418 : vector<16xi32> -> vector<16xf32>
          %add3A_420 = arith.addf %add3A_388, %bitcast_convert_type3A_419 : vector<16xf32>
          %add3A_421 = arith.addf %add3A_389, %get3A_414 : vector<16xf32>
          %get3A_422 = arith.constant 0 : i32
          %get3A_423 = arith.constant 0 : i32
          %get3A_424 = tpu.memref_slice %arg6[%scan3A_102, %get3A_422, %get3A_423] : memref<4x200x32xf32, #tpu.memory_space<vmem>> -> memref<1x200x32xf32, #tpu.memory_space<vmem>>
          %get3A_425 = tpu.memref_squeeze %get3A_424 : memref<1x200x32xf32, #tpu.memory_space<vmem>> -> memref<200x32xf32, #tpu.memory_space<vmem>>
          %get3A_426 = arith.index_cast %scan3A_406 : i32 to index
          %get3A_427 = arith.constant 16 : index
          %get3A_428 = tpu.vector_load %get3A_425[%get3A_426, %get3A_427] {strides = array<i32>} : memref<200x32xf32, #tpu.memory_space<vmem>>, vector<1x16xf32>,
          %get3A_429 = vector.shape_cast %get3A_428 : vector<1x16xf32> to vector<16xf32>
          %bitcast_convert_type3A_430 = tpu.bitcast %get3A_429 : vector<16xf32> -> vector<16xi32>
          %shift_left3A_431 = arith.constant 16 : i32
          %shift_left3A_432 = vector.broadcast %shift_left3A_431 : i32 to vector<16xi32>
          %shift_left3A_433 = arith.shli %bitcast_convert_type3A_430, %shift_left3A_432 : vector<16xi32>
          %bitcast_convert_type3A_434 = tpu.bitcast %shift_left3A_433 : vector<16xi32> -> vector<16xf32>
          %add3A_435 = arith.addf %add3A_403, %bitcast_convert_type3A_434 : vector<16xf32>
          %add3A_436 = arith.addf %add3A_404, %get3A_429 : vector<16xf32>
          %scan3A_437 = arith.constant 4 : i32
          %scan3A_438 = arith.addi %scan3A_309, %scan3A_437 : i32
          %get3A_439 = arith.constant 0 : i32
          %get3A_440 = arith.constant 0 : i32
          %get3A_441 = tpu.memref_slice %arg6[%scan3A_102, %get3A_439, %get3A_440] : memref<4x200x32xf32, #tpu.memory_space<vmem>> -> memref<1x200x32xf32, #tpu.memory_space<vmem>>
          %get3A_442 = tpu.memref_squeeze %get3A_441 : memref<1x200x32xf32, #tpu.memory_space<vmem>> -> memref<200x32xf32, #tpu.memory_space<vmem>>
          %get3A_443 = arith.index_cast %scan3A_438 : i32 to index
          %get3A_444 = arith.constant 0 : index
          %get3A_445 = tpu.vector_load %get3A_442[%get3A_443, %get3A_444] {strides = array<i32>} : memref<200x32xf32, #tpu.memory_space<vmem>>, vector<1x16xf32>,
          %get3A_446 = vector.shape_cast %get3A_445 : vector<1x16xf32> to vector<16xf32>
          %bitcast_convert_type3A_447 = tpu.bitcast %get3A_446 : vector<16xf32> -> vector<16xi32>
          %shift_left3A_448 = arith.constant 16 : i32
          %shift_left3A_449 = vector.broadcast %shift_left3A_448 : i32 to vector<16xi32>
          %shift_left3A_450 = arith.shli %bitcast_convert_type3A_447, %shift_left3A_449 : vector<16xi32>
          %bitcast_convert_type3A_451 = tpu.bitcast %shift_left3A_450 : vector<16xi32> -> vector<16xf32>
          %add3A_452 = arith.addf %add3A_420, %bitcast_convert_type3A_451 : vector<16xf32>
          %add3A_453 = arith.addf %add3A_421, %get3A_446 : vector<16xf32>
          %get3A_454 = arith.constant 0 : i32
          %get3A_455 = arith.constant 0 : i32
          %get3A_456 = tpu.memref_slice %arg6[%scan3A_102, %get3A_454, %get3A_455] : memref<4x200x32xf32, #tpu.memory_space<vmem>> -> memref<1x200x32xf32, #tpu.memory_space<vmem>>
          %get3A_457 = tpu.memref_squeeze %get3A_456 : memref<1x200x32xf32, #tpu.memory_space<vmem>> -> memref<200x32xf32, #tpu.memory_space<vmem>>
          %get3A_458 = arith.index_cast %scan3A_438 : i32 to index
          %get3A_459 = arith.constant 16 : index
          %get3A_460 = tpu.vector_load %get3A_457[%get3A_458, %get3A_459] {strides = array<i32>} : memref<200x32xf32, #tpu.memory_space<vmem>>, vector<1x16xf32>,
          %get3A_461 = vector.shape_cast %get3A_460 : vector<1x16xf32> to vector<16xf32>
          %bitcast_convert_type3A_462 = tpu.bitcast %get3A_461 : vector<16xf32> -> vector<16xi32>
          %shift_left3A_463 = arith.constant 16 : i32
          %shift_left3A_464 = vector.broadcast %shift_left3A_463 : i32 to vector<16xi32>
          %shift_left3A_465 = arith.shli %bitcast_convert_type3A_462, %shift_left3A_464 : vector<16xi32>
          %bitcast_convert_type3A_466 = tpu.bitcast %shift_left3A_465 : vector<16xi32> -> vector<16xf32>
          %add3A_467 = arith.addf %add3A_435, %bitcast_convert_type3A_466 : vector<16xf32>
          %add3A_468 = arith.addf %add3A_436, %get3A_461 : vector<16xf32>
          %scan3A_469 = arith.constant 5 : i32
          %scan3A_470 = arith.addi %scan3A_309, %scan3A_469 : i32
          %get3A_471 = arith.constant 0 : i32
          %get3A_472 = arith.constant 0 : i32
          %get3A_473 = tpu.memref_slice %arg6[%scan3A_102, %get3A_471, %get3A_472] : memref<4x200x32xf32, #tpu.memory_space<vmem>> -> memref<1x200x32xf32, #tpu.memory_space<vmem>>
          %get3A_474 = tpu.memref_squeeze %get3A_473 : memref<1x200x32xf32, #tpu.memory_space<vmem>> -> memref<200x32xf32, #tpu.memory_space<vmem>>
          %get3A_475 = arith.index_cast %scan3A_470 : i32 to index
          %get3A_476 = arith.constant 0 : index
          %get3A_477 = tpu.vector_load %get3A_474[%get3A_475, %get3A_476] {strides = array<i32>} : memref<200x32xf32, #tpu.memory_space<vmem>>, vector<1x16xf32>,
          %get3A_478 = vector.shape_cast %get3A_477 : vector<1x16xf32> to vector<16xf32>
          %bitcast_convert_type3A_479 = tpu.bitcast %get3A_478 : vector<16xf32> -> vector<16xi32>
          %shift_left3A_480 = arith.constant 16 : i32
          %shift_left3A_481 = vector.broadcast %shift_left3A_480 : i32 to vector<16xi32>
          %shift_left3A_482 = arith.shli %bitcast_convert_type3A_479, %shift_left3A_481 : vector<16xi32>
          %bitcast_convert_type3A_483 = tpu.bitcast %shift_left3A_482 : vector<16xi32> -> vector<16xf32>
          %add3A_484 = arith.addf %add3A_452, %bitcast_convert_type3A_483 : vector<16xf32>
          %add3A_485 = arith.addf %add3A_453, %get3A_478 : vector<16xf32>
          %get3A_486 = arith.constant 0 : i32
          %get3A_487 = arith.constant 0 : i32
          %get3A_488 = tpu.memref_slice %arg6[%scan3A_102, %get3A_486, %get3A_487] : memref<4x200x32xf32, #tpu.memory_space<vmem>> -> memref<1x200x32xf32, #tpu.memory_space<vmem>>
          %get3A_489 = tpu.memref_squeeze %get3A_488 : memref<1x200x32xf32, #tpu.memory_space<vmem>> -> memref<200x32xf32, #tpu.memory_space<vmem>>
          %get3A_490 = arith.index_cast %scan3A_470 : i32 to index
          %get3A_491 = arith.constant 16 : index
          %get3A_492 = tpu.vector_load %get3A_489[%get3A_490, %get3A_491] {strides = array<i32>} : memref<200x32xf32, #tpu.memory_space<vmem>>, vector<1x16xf32>,
          %get3A_493 = vector.shape_cast %get3A_492 : vector<1x16xf32> to vector<16xf32>
          %bitcast_convert_type3A_494 = tpu.bitcast %get3A_493 : vector<16xf32> -> vector<16xi32>
          %shift_left3A_495 = arith.constant 16 : i32
          %shift_left3A_496 = vector.broadcast %shift_left3A_495 : i32 to vector<16xi32>
          %shift_left3A_497 = arith.shli %bitcast_convert_type3A_494, %shift_left3A_496 : vector<16xi32>
          %bitcast_convert_type3A_498 = tpu.bitcast %shift_left3A_497 : vector<16xi32> -> vector<16xf32>
          %add3A_499 = arith.addf %add3A_467, %bitcast_convert_type3A_498 : vector<16xf32>
          %add3A_500 = arith.addf %add3A_468, %get3A_493 : vector<16xf32>
          %scan3A_501 = arith.constant 6 : i32
          %scan3A_502 = arith.addi %scan3A_309, %scan3A_501 : i32
          %get3A_503 = arith.constant 0 : i32
          %get3A_504 = arith.constant 0 : i32
          %get3A_505 = tpu.memref_slice %arg6[%scan3A_102, %get3A_503, %get3A_504] : memref<4x200x32xf32, #tpu.memory_space<vmem>> -> memref<1x200x32xf32, #tpu.memory_space<vmem>>
          %get3A_506 = tpu.memref_squeeze %get3A_505 : memref<1x200x32xf32, #tpu.memory_space<vmem>> -> memref<200x32xf32, #tpu.memory_space<vmem>>
          %get3A_507 = arith.index_cast %scan3A_502 : i32 to index
          %get3A_508 = arith.constant 0 : index
          %get3A_509 = tpu.vector_load %get3A_506[%get3A_507, %get3A_508] {strides = array<i32>} : memref<200x32xf32, #tpu.memory_space<vmem>>, vector<1x16xf32>,
          %get3A_510 = vector.shape_cast %get3A_509 : vector<1x16xf32> to vector<16xf32>
          %bitcast_convert_type3A_511 = tpu.bitcast %get3A_510 : vector<16xf32> -> vector<16xi32>
          %shift_left3A_512 = arith.constant 16 : i32
          %shift_left3A_513 = vector.broadcast %shift_left3A_512 : i32 to vector<16xi32>
          %shift_left3A_514 = arith.shli %bitcast_convert_type3A_511, %shift_left3A_513 : vector<16xi32>
          %bitcast_convert_type3A_515 = tpu.bitcast %shift_left3A_514 : vector<16xi32> -> vector<16xf32>
          %add3A_516 = arith.addf %add3A_484, %bitcast_convert_type3A_515 : vector<16xf32>
          %add3A_517 = arith.addf %add3A_485, %get3A_510 : vector<16xf32>
          %get3A_518 = arith.constant 0 : i32
          %get3A_519 = arith.constant 0 : i32
          %get3A_520 = tpu.memref_slice %arg6[%scan3A_102, %get3A_518, %get3A_519] : memref<4x200x32xf32, #tpu.memory_space<vmem>> -> memref<1x200x32xf32, #tpu.memory_space<vmem>>
          %get3A_521 = tpu.memref_squeeze %get3A_520 : memref<1x200x32xf32, #tpu.memory_space<vmem>> -> memref<200x32xf32, #tpu.memory_space<vmem>>
          %get3A_522 = arith.index_cast %scan3A_502 : i32 to index
          %get3A_523 = arith.constant 16 : index
          %get3A_524 = tpu.vector_load %get3A_521[%get3A_522, %get3A_523] {strides = array<i32>} : memref<200x32xf32, #tpu.memory_space<vmem>>, vector<1x16xf32>,
          %get3A_525 = vector.shape_cast %get3A_524 : vector<1x16xf32> to vector<16xf32>
          %bitcast_convert_type3A_526 = tpu.bitcast %get3A_525 : vector<16xf32> -> vector<16xi32>
          %shift_left3A_527 = arith.constant 16 : i32
          %shift_left3A_528 = vector.broadcast %shift_left3A_527 : i32 to vector<16xi32>
          %shift_left3A_529 = arith.shli %bitcast_convert_type3A_526, %shift_left3A_528 : vector<16xi32>
          %bitcast_convert_type3A_530 = tpu.bitcast %shift_left3A_529 : vector<16xi32> -> vector<16xf32>
          %add3A_531 = arith.addf %add3A_499, %bitcast_convert_type3A_530 : vector<16xf32>
          %add3A_532 = arith.addf %add3A_500, %get3A_525 : vector<16xf32>
          %scan3A_533 = arith.constant 7 : i32
          %scan3A_534 = arith.addi %scan3A_309, %scan3A_533 : i32
          %get3A_535 = arith.constant 0 : i32
          %get3A_536 = arith.constant 0 : i32
          %get3A_537 = tpu.memref_slice %arg6[%scan3A_102, %get3A_535, %get3A_536] : memref<4x200x32xf32, #tpu.memory_space<vmem>> -> memref<1x200x32xf32, #tpu.memory_space<vmem>>
          %get3A_538 = tpu.memref_squeeze %get3A_537 : memref<1x200x32xf32, #tpu.memory_space<vmem>> -> memref<200x32xf32, #tpu.memory_space<vmem>>
          %get3A_539 = arith.index_cast %scan3A_534 : i32 to index
          %get3A_540 = arith.constant 0 : index
          %get3A_541 = tpu.vector_load %get3A_538[%get3A_539, %get3A_540] {strides = array<i32>} : memref<200x32xf32, #tpu.memory_space<vmem>>, vector<1x16xf32>,
          %get3A_542 = vector.shape_cast %get3A_541 : vector<1x16xf32> to vector<16xf32>
          %bitcast_convert_type3A_543 = tpu.bitcast %get3A_542 : vector<16xf32> -> vector<16xi32>
          %shift_left3A_544 = arith.constant 16 : i32
          %shift_left3A_545 = vector.broadcast %shift_left3A_544 : i32 to vector<16xi32>
          %shift_left3A_546 = arith.shli %bitcast_convert_type3A_543, %shift_left3A_545 : vector<16xi32>
          %bitcast_convert_type3A_547 = tpu.bitcast %shift_left3A_546 : vector<16xi32> -> vector<16xf32>
          %add3A_548 = arith.addf %add3A_516, %bitcast_convert_type3A_547 : vector<16xf32>
          %add3A_549 = arith.addf %add3A_517, %get3A_542 : vector<16xf32>
          %get3A_550 = arith.constant 0 : i32
          %get3A_551 = arith.constant 0 : i32
          %get3A_552 = tpu.memref_slice %arg6[%scan3A_102, %get3A_550, %get3A_551] : memref<4x200x32xf32, #tpu.memory_space<vmem>> -> memref<1x200x32xf32, #tpu.memory_space<vmem>>
          %get3A_553 = tpu.memref_squeeze %get3A_552 : memref<1x200x32xf32, #tpu.memory_space<vmem>> -> memref<200x32xf32, #tpu.memory_space<vmem>>
          %get3A_554 = arith.index_cast %scan3A_534 : i32 to index
          %get3A_555 = arith.constant 16 : index
          %get3A_556 = tpu.vector_load %get3A_553[%get3A_554, %get3A_555] {strides = array<i32>} : memref<200x32xf32, #tpu.memory_space<vmem>>, vector<1x16xf32>,
          %get3A_557 = vector.shape_cast %get3A_556 : vector<1x16xf32> to vector<16xf32>
          %bitcast_convert_type3A_558 = tpu.bitcast %get3A_557 : vector<16xf32> -> vector<16xi32>
          %shift_left3A_559 = arith.constant 16 : i32
          %shift_left3A_560 = vector.broadcast %shift_left3A_559 : i32 to vector<16xi32>
          %shift_left3A_561 = arith.shli %bitcast_convert_type3A_558, %shift_left3A_560 : vector<16xi32>
          %bitcast_convert_type3A_562 = tpu.bitcast %shift_left3A_561 : vector<16xi32> -> vector<16xf32>
          %add3A_563 = arith.addf %add3A_531, %bitcast_convert_type3A_562 : vector<16xf32>
          %add3A_564 = arith.addf %add3A_532, %get3A_557 : vector<16xf32>
          %scan3A_565 = arith.constant 8 : i32
          %scan3A_566 = arith.addi %scan3A_309, %scan3A_565 : i32
          %get3A_567 = arith.constant 0 : i32
          %get3A_568 = arith.constant 0 : i32
          %get3A_569 = tpu.memref_slice %arg6[%scan3A_102, %get3A_567, %get3A_568] : memref<4x200x32xf32, #tpu.memory_space<vmem>> -> memref<1x200x32xf32, #tpu.memory_space<vmem>>
          %get3A_570 = tpu.memref_squeeze %get3A_569 : memref<1x200x32xf32, #tpu.memory_space<vmem>> -> memref<200x32xf32, #tpu.memory_space<vmem>>
          %get3A_571 = arith.index_cast %scan3A_566 : i32 to index
          %get3A_572 = arith.constant 0 : index
          %get3A_573 = tpu.vector_load %get3A_570[%get3A_571, %get3A_572] {strides = array<i32>} : memref<200x32xf32, #tpu.memory_space<vmem>>, vector<1x16xf32>,
          %get3A_574 = vector.shape_cast %get3A_573 : vector<1x16xf32> to vector<16xf32>
          %bitcast_convert_type3A_575 = tpu.bitcast %get3A_574 : vector<16xf32> -> vector<16xi32>
          %shift_left3A_576 = arith.constant 16 : i32
          %shift_left3A_577 = vector.broadcast %shift_left3A_576 : i32 to vector<16xi32>
          %shift_left3A_578 = arith.shli %bitcast_convert_type3A_575, %shift_left3A_577 : vector<16xi32>
          %bitcast_convert_type3A_579 = tpu.bitcast %shift_left3A_578 : vector<16xi32> -> vector<16xf32>
          %add3A_580 = arith.addf %add3A_548, %bitcast_convert_type3A_579 : vector<16xf32>
          %add3A_581 = arith.addf %add3A_549, %get3A_574 : vector<16xf32>
          %get3A_582 = arith.constant 0 : i32
          %get3A_583 = arith.constant 0 : i32
          %get3A_584 = tpu.memref_slice %arg6[%scan3A_102, %get3A_582, %get3A_583] : memref<4x200x32xf32, #tpu.memory_space<vmem>> -> memref<1x200x32xf32, #tpu.memory_space<vmem>>
          %get3A_585 = tpu.memref_squeeze %get3A_584 : memref<1x200x32xf32, #tpu.memory_space<vmem>> -> memref<200x32xf32, #tpu.memory_space<vmem>>
          %get3A_586 = arith.index_cast %scan3A_566 : i32 to index
          %get3A_587 = arith.constant 16 : index
          %get3A_588 = tpu.vector_load %get3A_585[%get3A_586, %get3A_587] {strides = array<i32>} : memref<200x32xf32, #tpu.memory_space<vmem>>, vector<1x16xf32>,
          %get3A_589 = vector.shape_cast %get3A_588 : vector<1x16xf32> to vector<16xf32>
          %bitcast_convert_type3A_590 = tpu.bitcast %get3A_589 : vector<16xf32> -> vector<16xi32>
          %shift_left3A_591 = arith.constant 16 : i32
          %shift_left3A_592 = vector.broadcast %shift_left3A_591 : i32 to vector<16xi32>
          %shift_left3A_593 = arith.shli %bitcast_convert_type3A_590, %shift_left3A_592 : vector<16xi32>
          %bitcast_convert_type3A_594 = tpu.bitcast %shift_left3A_593 : vector<16xi32> -> vector<16xf32>
          %add3A_595 = arith.addf %add3A_563, %bitcast_convert_type3A_594 : vector<16xf32>
          %add3A_596 = arith.addf %add3A_564, %get3A_589 : vector<16xf32>
          %scan3A_597 = arith.constant 9 : i32
          %scan3A_598 = arith.addi %scan3A_309, %scan3A_597 : i32
          %get3A_599 = arith.constant 0 : i32
          %get3A_600 = arith.constant 0 : i32
          %get3A_601 = tpu.memref_slice %arg6[%scan3A_102, %get3A_599, %get3A_600] : memref<4x200x32xf32, #tpu.memory_space<vmem>> -> memref<1x200x32xf32, #tpu.memory_space<vmem>>
          %get3A_602 = tpu.memref_squeeze %get3A_601 : memref<1x200x32xf32, #tpu.memory_space<vmem>> -> memref<200x32xf32, #tpu.memory_space<vmem>>
          %get3A_603 = arith.index_cast %scan3A_598 : i32 to index
          %get3A_604 = arith.constant 0 : index
          %get3A_605 = tpu.vector_load %get3A_602[%get3A_603, %get3A_604] {strides = array<i32>} : memref<200x32xf32, #tpu.memory_space<vmem>>, vector<1x16xf32>,
          %get3A_606 = vector.shape_cast %get3A_605 : vector<1x16xf32> to vector<16xf32>
          %bitcast_convert_type3A_607 = tpu.bitcast %get3A_606 : vector<16xf32> -> vector<16xi32>
          %shift_left3A_608 = arith.constant 16 : i32
          %shift_left3A_609 = vector.broadcast %shift_left3A_608 : i32 to vector<16xi32>
          %shift_left3A_610 = arith.shli %bitcast_convert_type3A_607, %shift_left3A_609 : vector<16xi32>
          %bitcast_convert_type3A_611 = tpu.bitcast %shift_left3A_610 : vector<16xi32> -> vector<16xf32>
          %add3A_612 = arith.addf %add3A_580, %bitcast_convert_type3A_611 : vector<16xf32>
          %add3A_613 = arith.addf %add3A_581, %get3A_606 : vector<16xf32>
          %get3A_614 = arith.constant 0 : i32
          %get3A_615 = arith.constant 0 : i32
          %get3A_616 = tpu.memref_slice %arg6[%scan3A_102, %get3A_614, %get3A_615] : memref<4x200x32xf32, #tpu.memory_space<vmem>> -> memref<1x200x32xf32, #tpu.memory_space<vmem>>
          %get3A_617 = tpu.memref_squeeze %get3A_616 : memref<1x200x32xf32, #tpu.memory_space<vmem>> -> memref<200x32xf32, #tpu.memory_space<vmem>>
          %get3A_618 = arith.index_cast %scan3A_598 : i32 to index
          %get3A_619 = arith.constant 16 : index
          %get3A_620 = tpu.vector_load %get3A_617[%get3A_618, %get3A_619] {strides = array<i32>} : memref<200x32xf32, #tpu.memory_space<vmem>>, vector<1x16xf32>,
          %get3A_621 = vector.shape_cast %get3A_620 : vector<1x16xf32> to vector<16xf32>
          %bitcast_convert_type3A_622 = tpu.bitcast %get3A_621 : vector<16xf32> -> vector<16xi32>
          %shift_left3A_623 = arith.constant 16 : i32
          %shift_left3A_624 = vector.broadcast %shift_left3A_623 : i32 to vector<16xi32>
          %shift_left3A_625 = arith.shli %bitcast_convert_type3A_622, %shift_left3A_624 : vector<16xi32>
          %bitcast_convert_type3A_626 = tpu.bitcast %shift_left3A_625 : vector<16xi32> -> vector<16xf32>
          %add3A_627 = arith.addf %add3A_595, %bitcast_convert_type3A_626 : vector<16xf32>
          %add3A_628 = arith.addf %add3A_596, %get3A_621 : vector<16xf32>
          scf.yield %add3A_612, %add3A_627, %add3A_613, %add3A_628 : vector<16xf32>, vector<16xf32>, vector<16xf32>, vector<16xf32>
        }
        %scan3A_108 = arith.constant 200 : i32
        %swap3A = arith.index_cast %add3A_94 : i32 to index
        %swap3A_109 = arith.constant 0 : index
        %swap3A_110 = tpu.vector_load %arg7[%swap3A, %swap3A_109] {strides = array<i32>} : memref<512x64xf32, #tpu.memory_space<vmem>>, vector<1x16xf32>,
        %swap3A_111 = vector.shape_cast %swap3A_110 : vector<1x16xf32> to vector<16xf32>
        %swap3A_112 = vector.shape_cast %scan3A_107#0 : vector<16xf32> to vector<1x16xf32>
        tpu.vector_store %arg7[%swap3A, %swap3A_109], %swap3A_112 {strides = array<i32>} : memref<512x64xf32, #tpu.memory_space<vmem>>, vector<1x16xf32>,
        %swap3A_113 = arith.index_cast %add3A_94 : i32 to index
        %swap3A_114 = arith.constant 16 : index
        %swap3A_115 = tpu.vector_load %arg7[%swap3A_113, %swap3A_114] {strides = array<i32>} : memref<512x64xf32, #tpu.memory_space<vmem>>, vector<1x16xf32>,
        %swap3A_116 = vector.shape_cast %swap3A_115 : vector<1x16xf32> to vector<16xf32>
        %swap3A_117 = vector.shape_cast %scan3A_107#1 : vector<16xf32> to vector<1x16xf32>
        tpu.vector_store %arg7[%swap3A_113, %swap3A_114], %swap3A_117 {strides = array<i32>} : memref<512x64xf32, #tpu.memory_space<vmem>>, vector<1x16xf32>,
        %swap3A_118 = arith.index_cast %add3A_94 : i32 to index
        %swap3A_119 = arith.constant 32 : index
        %swap3A_120 = tpu.vector_load %arg7[%swap3A_118, %swap3A_119] {strides = array<i32>} : memref<512x64xf32, #tpu.memory_space<vmem>>, vector<1x16xf32>,
        %swap3A_121 = vector.shape_cast %swap3A_120 : vector<1x16xf32> to vector<16xf32>
        %swap3A_122 = vector.shape_cast %scan3A_107#2 : vector<16xf32> to vector<1x16xf32>
        tpu.vector_store %arg7[%swap3A_118, %swap3A_119], %swap3A_122 {strides = array<i32>} : memref<512x64xf32, #tpu.memory_space<vmem>>, vector<1x16xf32>,
        %swap3A_123 = arith.index_cast %add3A_94 : i32 to index
        %swap3A_124 = arith.constant 48 : index
        %swap3A_125 = tpu.vector_load %arg7[%swap3A_123, %swap3A_124] {strides = array<i32>} : memref<512x64xf32, #tpu.memory_space<vmem>>, vector<1x16xf32>,
        %swap3A_126 = vector.shape_cast %swap3A_125 : vector<1x16xf32> to vector<16xf32>
        %swap3A_127 = vector.shape_cast %scan3A_107#3 : vector<16xf32> to vector<1x16xf32>
        tpu.vector_store %arg7[%swap3A_123, %swap3A_124], %swap3A_127 {strides = array<i32>} : memref<512x64xf32, #tpu.memory_space<vmem>>, vector<1x16xf32>,
        %add3A_128 = arith.constant 4 : i32
        %add3A_129 = arith.addi %add3A_80, %add3A_128 : i32
        %lt3A = arith.constant 64 : i32
        %lt3A_130 = arith.cmpi slt, %add3A_129, %lt3A : i32
        %convert_element_type3A = arith.extui %lt3A_130 : i1 to i32
        %cond3A = arith.constant 0 : i32
        %cond3A_131 = arith.cmpi ne, %convert_element_type3A, %cond3A : i32
        scf.if %cond3A_131 {
          %dma_start3A_309 = arith.constant 0 : i32
          %dma_start3A_310 = arith.constant 0 : i32
          %dma_start3A_311 = arith.constant 0 : i32
          %dma_start3A_312 = tpu.memref_slice %arg6[%dma_start3A_309, %dma_start3A_310, %dma_start3A_311] : memref<4x200x32xf32, #tpu.memory_space<vmem>> -> memref<1x200x32xf32, #tpu.memory_space<vmem>>
          %dma_start3A_313 = tpu.memref_squeeze %dma_start3A_312 : memref<1x200x32xf32, #tpu.memory_space<vmem>> -> memref<200x32xf32, #tpu.memory_space<vmem>>
          %dma_start3A_314 = arith.constant 0 : i32
          %dma_start3A_315 = tpu.memref_slice %arg5[%add3A_129, %dma_start3A_314] : memref<64x256xi32, #tpu.memory_space<vmem>> -> memref<1x200xi32, #tpu.memory_space<vmem>>
          %dma_start3A_316 = tpu.memref_squeeze %dma_start3A_315 : memref<1x200xi32, #tpu.memory_space<vmem>> -> memref<200xi32, #tpu.memory_space<vmem>>
          %dma_start3A_317 = arith.constant 0 : i32
          %dma_start3A_318 = arith.constant 0 : i32
          %dma_start3A_319 = tpu.memref_slice %arg3[%dma_start3A_317, %dma_start3A_318] : memref<1007616x32xf32, #tpu.memory_space<hbm>> -> memref<1007616x32xf32, #tpu.memory_space<hbm>>
          tpu.enqueue_indirect_dma source(%dma_start3A_319 : memref<1007616x32xf32, #tpu.memory_space<hbm>>) target(%dma_start3A_313 : memref<200x32xf32, #tpu.memory_space<vmem>>) offsets(%dma_start3A_316 : memref<200xi32, #tpu.memory_space<vmem>>) semaphore(%arg8 : memref<!tpu.dma_semaphore, #tpu.memory_space<semaphore_mem>>)
        } else {
        }
        %add3A_132 = arith.constant 1 : i32
        %add3A_133 = arith.addi %add3A_78, %add3A_132 : i32
        %dma_wait3A_134 = arith.constant 0 : i32
        %dma_wait3A_135 = arith.constant 1 : i32
        %dma_wait3A_136 = arith.constant 0 : i32
        %dma_wait3A_137 = arith.constant 0 : i32
        %dma_wait3A_138 = tpu.memref_slice %arg6[%dma_wait3A_135, %dma_wait3A_136, %dma_wait3A_137] : memref<4x200x32xf32, #tpu.memory_space<vmem>> -> memref<1x200x32xf32, #tpu.memory_space<vmem>>
        %dma_wait3A_139 = tpu.memref_squeeze %dma_wait3A_138 : memref<1x200x32xf32, #tpu.memory_space<vmem>> -> memref<200x32xf32, #tpu.memory_space<vmem>>
        %dma_wait3A_140 = arith.constant 0 : i32
        %dma_wait3A_141 = tpu.memref_slice %arg5[%dma_wait3A_134, %dma_wait3A_140] : memref<64x256xi32, #tpu.memory_space<vmem>> -> memref<1x200xi32, #tpu.memory_space<vmem>>
        %dma_wait3A_142 = tpu.memref_squeeze %dma_wait3A_141 : memref<1x200xi32, #tpu.memory_space<vmem>> -> memref<200xi32, #tpu.memory_space<vmem>>
        %dma_wait3A_143 = arith.constant 0 : i32
        %dma_wait3A_144 = arith.constant 0 : i32
        %dma_wait3A_145 = tpu.memref_slice %arg3[%dma_wait3A_143, %dma_wait3A_144] : memref<1007616x32xf32, #tpu.memory_space<hbm>> -> memref<1007616x32xf32, #tpu.memory_space<hbm>>
        tpu.wait_indirect_dma semaphore(%arg9 : memref<!tpu.dma_semaphore, #tpu.memory_space<semaphore_mem>>) src(%dma_wait3A_145 : memref<1007616x32xf32, #tpu.memory_space<hbm>>) dst(%dma_wait3A_139 : memref<200x32xf32, #tpu.memory_space<vmem>>)
        %mul3A_146 = arith.constant 64 : i32
        %mul3A_147 = arith.muli %add3A_11, %mul3A_146 : i32
        %add3A_148 = arith.addi %mul3A_147, %add3A_133 : i32
        %broadcast_in_dim3A_149 = arith.constant 0.000000e+00 : f32
        %broadcast_in_dim3A_150 = vector.broadcast %broadcast_in_dim3A_149 : f32 to vector<16xf32>
        %broadcast_in_dim3A_151 = arith.constant 0.000000e+00 : f32
        %broadcast_in_dim3A_152 = vector.broadcast %broadcast_in_dim3A_151 : f32 to vector<16xf32>
        %broadcast_in_dim3A_153 = arith.constant 0.000000e+00 : f32
        %broadcast_in_dim3A_154 = vector.broadcast %broadcast_in_dim3A_153 : f32 to vector<16xf32>
        %broadcast_in_dim3A_155 = arith.constant 0.000000e+00 : f32
        %broadcast_in_dim3A_156 = vector.broadcast %broadcast_in_dim3A_155 : f32 to vector<16xf32>
        %scan3A_157 = arith.constant 1 : i32
        %scan3A_158 = arith.constant 0 : i32
        %scan3A_159 = arith.constant 200 : i32
        %scan3A_160 = arith.addi %scan3A_158, %scan3A_159 : i32
        %scan3A_161 = arith.constant 10 : i32
        %scan3A_162:4 = scf.for %scan3A_309 = %scan3A_158 to %scan3A_160 step %scan3A_161 iter_args(%scan3A_310 = %broadcast_in_dim3A_150, %scan3A_311 = %broadcast_in_dim3A_152, %scan3A_312 = %broadcast_in_dim3A_154, %scan3A_313 = %broadcast_in_dim3A_156) -> (vector<16xf32>, vector<16xf32>, vector<16xf32>, vector<16xf32>)  : i32 {
          %get3A = arith.constant 0 : i32
          %get3A_314 = arith.constant 0 : i32
          %get3A_315 = tpu.memref_slice %arg6[%scan3A_157, %get3A, %get3A_314] : memref<4x200x32xf32, #tpu.memory_space<vmem>> -> memref<1x200x32xf32, #tpu.memory_space<vmem>>
          %get3A_316 = tpu.memref_squeeze %get3A_315 : memref<1x200x32xf32, #tpu.memory_space<vmem>> -> memref<200x32xf32, #tpu.memory_space<vmem>>
          %get3A_317 = arith.index_cast %scan3A_309 : i32 to index
          %get3A_318 = arith.constant 0 : index
          %get3A_319 = tpu.vector_load %get3A_316[%get3A_317, %get3A_318] {strides = array<i32>} : memref<200x32xf32, #tpu.memory_space<vmem>>, vector<1x16xf32>,
          %get3A_320 = vector.shape_cast %get3A_319 : vector<1x16xf32> to vector<16xf32>
          %bitcast_convert_type3A = tpu.bitcast %get3A_320 : vector<16xf32> -> vector<16xi32>
          %shift_left3A = arith.constant 16 : i32
          %shift_left3A_321 = vector.broadcast %shift_left3A : i32 to vector<16xi32>
          %shift_left3A_322 = arith.shli %bitcast_convert_type3A, %shift_left3A_321 : vector<16xi32>
          %bitcast_convert_type3A_323 = tpu.bitcast %shift_left3A_322 : vector<16xi32> -> vector<16xf32>
          %add3A_324 = arith.addf %scan3A_310, %bitcast_convert_type3A_323 : vector<16xf32>
          %add3A_325 = arith.addf %scan3A_312, %get3A_320 : vector<16xf32>
          %get3A_326 = arith.constant 0 : i32
          %get3A_327 = arith.constant 0 : i32
          %get3A_328 = tpu.memref_slice %arg6[%scan3A_157, %get3A_326, %get3A_327] : memref<4x200x32xf32, #tpu.memory_space<vmem>> -> memref<1x200x32xf32, #tpu.memory_space<vmem>>
          %get3A_329 = tpu.memref_squeeze %get3A_328 : memref<1x200x32xf32, #tpu.memory_space<vmem>> -> memref<200x32xf32, #tpu.memory_space<vmem>>
          %get3A_330 = arith.index_cast %scan3A_309 : i32 to index
          %get3A_331 = arith.constant 16 : index
          %get3A_332 = tpu.vector_load %get3A_329[%get3A_330, %get3A_331] {strides = array<i32>} : memref<200x32xf32, #tpu.memory_space<vmem>>, vector<1x16xf32>,
          %get3A_333 = vector.shape_cast %get3A_332 : vector<1x16xf32> to vector<16xf32>
          %bitcast_convert_type3A_334 = tpu.bitcast %get3A_333 : vector<16xf32> -> vector<16xi32>
          %shift_left3A_335 = arith.constant 16 : i32
          %shift_left3A_336 = vector.broadcast %shift_left3A_335 : i32 to vector<16xi32>
          %shift_left3A_337 = arith.shli %bitcast_convert_type3A_334, %shift_left3A_336 : vector<16xi32>
          %bitcast_convert_type3A_338 = tpu.bitcast %shift_left3A_337 : vector<16xi32> -> vector<16xf32>
          %add3A_339 = arith.addf %scan3A_311, %bitcast_convert_type3A_338 : vector<16xf32>
          %add3A_340 = arith.addf %scan3A_313, %get3A_333 : vector<16xf32>
          %scan3A_341 = arith.constant 1 : i32
          %scan3A_342 = arith.addi %scan3A_309, %scan3A_341 : i32
          %get3A_343 = arith.constant 0 : i32
          %get3A_344 = arith.constant 0 : i32
          %get3A_345 = tpu.memref_slice %arg6[%scan3A_157, %get3A_343, %get3A_344] : memref<4x200x32xf32, #tpu.memory_space<vmem>> -> memref<1x200x32xf32, #tpu.memory_space<vmem>>
          %get3A_346 = tpu.memref_squeeze %get3A_345 : memref<1x200x32xf32, #tpu.memory_space<vmem>> -> memref<200x32xf32, #tpu.memory_space<vmem>>
          %get3A_347 = arith.index_cast %scan3A_342 : i32 to index
          %get3A_348 = arith.constant 0 : index
          %get3A_349 = tpu.vector_load %get3A_346[%get3A_347, %get3A_348] {strides = array<i32>} : memref<200x32xf32, #tpu.memory_space<vmem>>, vector<1x16xf32>,
          %get3A_350 = vector.shape_cast %get3A_349 : vector<1x16xf32> to vector<16xf32>
          %bitcast_convert_type3A_351 = tpu.bitcast %get3A_350 : vector<16xf32> -> vector<16xi32>
          %shift_left3A_352 = arith.constant 16 : i32
          %shift_left3A_353 = vector.broadcast %shift_left3A_352 : i32 to vector<16xi32>
          %shift_left3A_354 = arith.shli %bitcast_convert_type3A_351, %shift_left3A_353 : vector<16xi32>
          %bitcast_convert_type3A_355 = tpu.bitcast %shift_left3A_354 : vector<16xi32> -> vector<16xf32>
          %add3A_356 = arith.addf %add3A_324, %bitcast_convert_type3A_355 : vector<16xf32>
          %add3A_357 = arith.addf %add3A_325, %get3A_350 : vector<16xf32>
          %get3A_358 = arith.constant 0 : i32
          %get3A_359 = arith.constant 0 : i32
          %get3A_360 = tpu.memref_slice %arg6[%scan3A_157, %get3A_358, %get3A_359] : memref<4x200x32xf32, #tpu.memory_space<vmem>> -> memref<1x200x32xf32, #tpu.memory_space<vmem>>
          %get3A_361 = tpu.memref_squeeze %get3A_360 : memref<1x200x32xf32, #tpu.memory_space<vmem>> -> memref<200x32xf32, #tpu.memory_space<vmem>>
          %get3A_362 = arith.index_cast %scan3A_342 : i32 to index
          %get3A_363 = arith.constant 16 : index
          %get3A_364 = tpu.vector_load %get3A_361[%get3A_362, %get3A_363] {strides = array<i32>} : memref<200x32xf32, #tpu.memory_space<vmem>>, vector<1x16xf32>,
          %get3A_365 = vector.shape_cast %get3A_364 : vector<1x16xf32> to vector<16xf32>
          %bitcast_convert_type3A_366 = tpu.bitcast %get3A_365 : vector<16xf32> -> vector<16xi32>
          %shift_left3A_367 = arith.constant 16 : i32
          %shift_left3A_368 = vector.broadcast %shift_left3A_367 : i32 to vector<16xi32>
          %shift_left3A_369 = arith.shli %bitcast_convert_type3A_366, %shift_left3A_368 : vector<16xi32>
          %bitcast_convert_type3A_370 = tpu.bitcast %shift_left3A_369 : vector<16xi32> -> vector<16xf32>
          %add3A_371 = arith.addf %add3A_339, %bitcast_convert_type3A_370 : vector<16xf32>
          %add3A_372 = arith.addf %add3A_340, %get3A_365 : vector<16xf32>
          %scan3A_373 = arith.constant 2 : i32
          %scan3A_374 = arith.addi %scan3A_309, %scan3A_373 : i32
          %get3A_375 = arith.constant 0 : i32
          %get3A_376 = arith.constant 0 : i32
          %get3A_377 = tpu.memref_slice %arg6[%scan3A_157, %get3A_375, %get3A_376] : memref<4x200x32xf32, #tpu.memory_space<vmem>> -> memref<1x200x32xf32, #tpu.memory_space<vmem>>
          %get3A_378 = tpu.memref_squeeze %get3A_377 : memref<1x200x32xf32, #tpu.memory_space<vmem>> -> memref<200x32xf32, #tpu.memory_space<vmem>>
          %get3A_379 = arith.index_cast %scan3A_374 : i32 to index
          %get3A_380 = arith.constant 0 : index
          %get3A_381 = tpu.vector_load %get3A_378[%get3A_379, %get3A_380] {strides = array<i32>} : memref<200x32xf32, #tpu.memory_space<vmem>>, vector<1x16xf32>,
          %get3A_382 = vector.shape_cast %get3A_381 : vector<1x16xf32> to vector<16xf32>
          %bitcast_convert_type3A_383 = tpu.bitcast %get3A_382 : vector<16xf32> -> vector<16xi32>
          %shift_left3A_384 = arith.constant 16 : i32
          %shift_left3A_385 = vector.broadcast %shift_left3A_384 : i32 to vector<16xi32>
          %shift_left3A_386 = arith.shli %bitcast_convert_type3A_383, %shift_left3A_385 : vector<16xi32>
          %bitcast_convert_type3A_387 = tpu.bitcast %shift_left3A_386 : vector<16xi32> -> vector<16xf32>
          %add3A_388 = arith.addf %add3A_356, %bitcast_convert_type3A_387 : vector<16xf32>
          %add3A_389 = arith.addf %add3A_357, %get3A_382 : vector<16xf32>
          %get3A_390 = arith.constant 0 : i32
          %get3A_391 = arith.constant 0 : i32
          %get3A_392 = tpu.memref_slice %arg6[%scan3A_157, %get3A_390, %get3A_391] : memref<4x200x32xf32, #tpu.memory_space<vmem>> -> memref<1x200x32xf32, #tpu.memory_space<vmem>>
          %get3A_393 = tpu.memref_squeeze %get3A_392 : memref<1x200x32xf32, #tpu.memory_space<vmem>> -> memref<200x32xf32, #tpu.memory_space<vmem>>
          %get3A_394 = arith.index_cast %scan3A_374 : i32 to index
          %get3A_395 = arith.constant 16 : index
          %get3A_396 = tpu.vector_load %get3A_393[%get3A_394, %get3A_395] {strides = array<i32>} : memref<200x32xf32, #tpu.memory_space<vmem>>, vector<1x16xf32>,
          %get3A_397 = vector.shape_cast %get3A_396 : vector<1x16xf32> to vector<16xf32>
          %bitcast_convert_type3A_398 = tpu.bitcast %get3A_397 : vector<16xf32> -> vector<16xi32>
          %shift_left3A_399 = arith.constant 16 : i32
          %shift_left3A_400 = vector.broadcast %shift_left3A_399 : i32 to vector<16xi32>
          %shift_left3A_401 = arith.shli %bitcast_convert_type3A_398, %shift_left3A_400 : vector<16xi32>
          %bitcast_convert_type3A_402 = tpu.bitcast %shift_left3A_401 : vector<16xi32> -> vector<16xf32>
          %add3A_403 = arith.addf %add3A_371, %bitcast_convert_type3A_402 : vector<16xf32>
          %add3A_404 = arith.addf %add3A_372, %get3A_397 : vector<16xf32>
          %scan3A_405 = arith.constant 3 : i32
          %scan3A_406 = arith.addi %scan3A_309, %scan3A_405 : i32
          %get3A_407 = arith.constant 0 : i32
          %get3A_408 = arith.constant 0 : i32
          %get3A_409 = tpu.memref_slice %arg6[%scan3A_157, %get3A_407, %get3A_408] : memref<4x200x32xf32, #tpu.memory_space<vmem>> -> memref<1x200x32xf32, #tpu.memory_space<vmem>>
          %get3A_410 = tpu.memref_squeeze %get3A_409 : memref<1x200x32xf32, #tpu.memory_space<vmem>> -> memref<200x32xf32, #tpu.memory_space<vmem>>
          %get3A_411 = arith.index_cast %scan3A_406 : i32 to index
          %get3A_412 = arith.constant 0 : index
          %get3A_413 = tpu.vector_load %get3A_410[%get3A_411, %get3A_412] {strides = array<i32>} : memref<200x32xf32, #tpu.memory_space<vmem>>, vector<1x16xf32>,
          %get3A_414 = vector.shape_cast %get3A_413 : vector<1x16xf32> to vector<16xf32>
          %bitcast_convert_type3A_415 = tpu.bitcast %get3A_414 : vector<16xf32> -> vector<16xi32>
          %shift_left3A_416 = arith.constant 16 : i32
          %shift_left3A_417 = vector.broadcast %shift_left3A_416 : i32 to vector<16xi32>
          %shift_left3A_418 = arith.shli %bitcast_convert_type3A_415, %shift_left3A_417 : vector<16xi32>
          %bitcast_convert_type3A_419 = tpu.bitcast %shift_left3A_418 : vector<16xi32> -> vector<16xf32>
          %add3A_420 = arith.addf %add3A_388, %bitcast_convert_type3A_419 : vector<16xf32>
          %add3A_421 = arith.addf %add3A_389, %get3A_414 : vector<16xf32>
          %get3A_422 = arith.constant 0 : i32
          %get3A_423 = arith.constant 0 : i32
          %get3A_424 = tpu.memref_slice %arg6[%scan3A_157, %get3A_422, %get3A_423] : memref<4x200x32xf32, #tpu.memory_space<vmem>> -> memref<1x200x32xf32, #tpu.memory_space<vmem>>
          %get3A_425 = tpu.memref_squeeze %get3A_424 : memref<1x200x32xf32, #tpu.memory_space<vmem>> -> memref<200x32xf32, #tpu.memory_space<vmem>>
          %get3A_426 = arith.index_cast %scan3A_406 : i32 to index
          %get3A_427 = arith.constant 16 : index
          %get3A_428 = tpu.vector_load %get3A_425[%get3A_426, %get3A_427] {strides = array<i32>} : memref<200x32xf32, #tpu.memory_space<vmem>>, vector<1x16xf32>,
          %get3A_429 = vector.shape_cast %get3A_428 : vector<1x16xf32> to vector<16xf32>
          %bitcast_convert_type3A_430 = tpu.bitcast %get3A_429 : vector<16xf32> -> vector<16xi32>
          %shift_left3A_431 = arith.constant 16 : i32
          %shift_left3A_432 = vector.broadcast %shift_left3A_431 : i32 to vector<16xi32>
          %shift_left3A_433 = arith.shli %bitcast_convert_type3A_430, %shift_left3A_432 : vector<16xi32>
          %bitcast_convert_type3A_434 = tpu.bitcast %shift_left3A_433 : vector<16xi32> -> vector<16xf32>
          %add3A_435 = arith.addf %add3A_403, %bitcast_convert_type3A_434 : vector<16xf32>
          %add3A_436 = arith.addf %add3A_404, %get3A_429 : vector<16xf32>
          %scan3A_437 = arith.constant 4 : i32
          %scan3A_438 = arith.addi %scan3A_309, %scan3A_437 : i32
          %get3A_439 = arith.constant 0 : i32
          %get3A_440 = arith.constant 0 : i32
          %get3A_441 = tpu.memref_slice %arg6[%scan3A_157, %get3A_439, %get3A_440] : memref<4x200x32xf32, #tpu.memory_space<vmem>> -> memref<1x200x32xf32, #tpu.memory_space<vmem>>
          %get3A_442 = tpu.memref_squeeze %get3A_441 : memref<1x200x32xf32, #tpu.memory_space<vmem>> -> memref<200x32xf32, #tpu.memory_space<vmem>>
          %get3A_443 = arith.index_cast %scan3A_438 : i32 to index
          %get3A_444 = arith.constant 0 : index
          %get3A_445 = tpu.vector_load %get3A_442[%get3A_443, %get3A_444] {strides = array<i32>} : memref<200x32xf32, #tpu.memory_space<vmem>>, vector<1x16xf32>,
          %get3A_446 = vector.shape_cast %get3A_445 : vector<1x16xf32> to vector<16xf32>
          %bitcast_convert_type3A_447 = tpu.bitcast %get3A_446 : vector<16xf32> -> vector<16xi32>
          %shift_left3A_448 = arith.constant 16 : i32
          %shift_left3A_449 = vector.broadcast %shift_left3A_448 : i32 to vector<16xi32>
          %shift_left3A_450 = arith.shli %bitcast_convert_type3A_447, %shift_left3A_449 : vector<16xi32>
          %bitcast_convert_type3A_451 = tpu.bitcast %shift_left3A_450 : vector<16xi32> -> vector<16xf32>
          %add3A_452 = arith.addf %add3A_420, %bitcast_convert_type3A_451 : vector<16xf32>
          %add3A_453 = arith.addf %add3A_421, %get3A_446 : vector<16xf32>
          %get3A_454 = arith.constant 0 : i32
          %get3A_455 = arith.constant 0 : i32
          %get3A_456 = tpu.memref_slice %arg6[%scan3A_157, %get3A_454, %get3A_455] : memref<4x200x32xf32, #tpu.memory_space<vmem>> -> memref<1x200x32xf32, #tpu.memory_space<vmem>>
          %get3A_457 = tpu.memref_squeeze %get3A_456 : memref<1x200x32xf32, #tpu.memory_space<vmem>> -> memref<200x32xf32, #tpu.memory_space<vmem>>
          %get3A_458 = arith.index_cast %scan3A_438 : i32 to index
          %get3A_459 = arith.constant 16 : index
          %get3A_460 = tpu.vector_load %get3A_457[%get3A_458, %get3A_459] {strides = array<i32>} : memref<200x32xf32, #tpu.memory_space<vmem>>, vector<1x16xf32>,
          %get3A_461 = vector.shape_cast %get3A_460 : vector<1x16xf32> to vector<16xf32>
          %bitcast_convert_type3A_462 = tpu.bitcast %get3A_461 : vector<16xf32> -> vector<16xi32>
          %shift_left3A_463 = arith.constant 16 : i32
          %shift_left3A_464 = vector.broadcast %shift_left3A_463 : i32 to vector<16xi32>
          %shift_left3A_465 = arith.shli %bitcast_convert_type3A_462, %shift_left3A_464 : vector<16xi32>
          %bitcast_convert_type3A_466 = tpu.bitcast %shift_left3A_465 : vector<16xi32> -> vector<16xf32>
          %add3A_467 = arith.addf %add3A_435, %bitcast_convert_type3A_466 : vector<16xf32>
          %add3A_468 = arith.addf %add3A_436, %get3A_461 : vector<16xf32>
          %scan3A_469 = arith.constant 5 : i32
          %scan3A_470 = arith.addi %scan3A_309, %scan3A_469 : i32
          %get3A_471 = arith.constant 0 : i32
          %get3A_472 = arith.constant 0 : i32
          %get3A_473 = tpu.memref_slice %arg6[%scan3A_157, %get3A_471, %get3A_472] : memref<4x200x32xf32, #tpu.memory_space<vmem>> -> memref<1x200x32xf32, #tpu.memory_space<vmem>>
          %get3A_474 = tpu.memref_squeeze %get3A_473 : memref<1x200x32xf32, #tpu.memory_space<vmem>> -> memref<200x32xf32, #tpu.memory_space<vmem>>
          %get3A_475 = arith.index_cast %scan3A_470 : i32 to index
          %get3A_476 = arith.constant 0 : index
          %get3A_477 = tpu.vector_load %get3A_474[%get3A_475, %get3A_476] {strides = array<i32>} : memref<200x32xf32, #tpu.memory_space<vmem>>, vector<1x16xf32>,
          %get3A_478 = vector.shape_cast %get3A_477 : vector<1x16xf32> to vector<16xf32>
          %bitcast_convert_type3A_479 = tpu.bitcast %get3A_478 : vector<16xf32> -> vector<16xi32>
          %shift_left3A_480 = arith.constant 16 : i32
          %shift_left3A_481 = vector.broadcast %shift_left3A_480 : i32 to vector<16xi32>
          %shift_left3A_482 = arith.shli %bitcast_convert_type3A_479, %shift_left3A_481 : vector<16xi32>
          %bitcast_convert_type3A_483 = tpu.bitcast %shift_left3A_482 : vector<16xi32> -> vector<16xf32>
          %add3A_484 = arith.addf %add3A_452, %bitcast_convert_type3A_483 : vector<16xf32>
          %add3A_485 = arith.addf %add3A_453, %get3A_478 : vector<16xf32>
          %get3A_486 = arith.constant 0 : i32
          %get3A_487 = arith.constant 0 : i32
          %get3A_488 = tpu.memref_slice %arg6[%scan3A_157, %get3A_486, %get3A_487] : memref<4x200x32xf32, #tpu.memory_space<vmem>> -> memref<1x200x32xf32, #tpu.memory_space<vmem>>
          %get3A_489 = tpu.memref_squeeze %get3A_488 : memref<1x200x32xf32, #tpu.memory_space<vmem>> -> memref<200x32xf32, #tpu.memory_space<vmem>>
          %get3A_490 = arith.index_cast %scan3A_470 : i32 to index
          %get3A_491 = arith.constant 16 : index
          %get3A_492 = tpu.vector_load %get3A_489[%get3A_490, %get3A_491] {strides = array<i32>} : memref<200x32xf32, #tpu.memory_space<vmem>>, vector<1x16xf32>,
          %get3A_493 = vector.shape_cast %get3A_492 : vector<1x16xf32> to vector<16xf32>
          %bitcast_convert_type3A_494 = tpu.bitcast %get3A_493 : vector<16xf32> -> vector<16xi32>
          %shift_left3A_495 = arith.constant 16 : i32
          %shift_left3A_496 = vector.broadcast %shift_left3A_495 : i32 to vector<16xi32>
          %shift_left3A_497 = arith.shli %bitcast_convert_type3A_494, %shift_left3A_496 : vector<16xi32>
          %bitcast_convert_type3A_498 = tpu.bitcast %shift_left3A_497 : vector<16xi32> -> vector<16xf32>
          %add3A_499 = arith.addf %add3A_467, %bitcast_convert_type3A_498 : vector<16xf32>
          %add3A_500 = arith.addf %add3A_468, %get3A_493 : vector<16xf32>
          %scan3A_501 = arith.constant 6 : i32
          %scan3A_502 = arith.addi %scan3A_309, %scan3A_501 : i32
          %get3A_503 = arith.constant 0 : i32
          %get3A_504 = arith.constant 0 : i32
          %get3A_505 = tpu.memref_slice %arg6[%scan3A_157, %get3A_503, %get3A_504] : memref<4x200x32xf32, #tpu.memory_space<vmem>> -> memref<1x200x32xf32, #tpu.memory_space<vmem>>
          %get3A_506 = tpu.memref_squeeze %get3A_505 : memref<1x200x32xf32, #tpu.memory_space<vmem>> -> memref<200x32xf32, #tpu.memory_space<vmem>>
          %get3A_507 = arith.index_cast %scan3A_502 : i32 to index
          %get3A_508 = arith.constant 0 : index
          %get3A_509 = tpu.vector_load %get3A_506[%get3A_507, %get3A_508] {strides = array<i32>} : memref<200x32xf32, #tpu.memory_space<vmem>>, vector<1x16xf32>,
          %get3A_510 = vector.shape_cast %get3A_509 : vector<1x16xf32> to vector<16xf32>
          %bitcast_convert_type3A_511 = tpu.bitcast %get3A_510 : vector<16xf32> -> vector<16xi32>
          %shift_left3A_512 = arith.constant 16 : i32
          %shift_left3A_513 = vector.broadcast %shift_left3A_512 : i32 to vector<16xi32>
          %shift_left3A_514 = arith.shli %bitcast_convert_type3A_511, %shift_left3A_513 : vector<16xi32>
          %bitcast_convert_type3A_515 = tpu.bitcast %shift_left3A_514 : vector<16xi32> -> vector<16xf32>
          %add3A_516 = arith.addf %add3A_484, %bitcast_convert_type3A_515 : vector<16xf32>
          %add3A_517 = arith.addf %add3A_485, %get3A_510 : vector<16xf32>
          %get3A_518 = arith.constant 0 : i32
          %get3A_519 = arith.constant 0 : i32
          %get3A_520 = tpu.memref_slice %arg6[%scan3A_157, %get3A_518, %get3A_519] : memref<4x200x32xf32, #tpu.memory_space<vmem>> -> memref<1x200x32xf32, #tpu.memory_space<vmem>>
          %get3A_521 = tpu.memref_squeeze %get3A_520 : memref<1x200x32xf32, #tpu.memory_space<vmem>> -> memref<200x32xf32, #tpu.memory_space<vmem>>
          %get3A_522 = arith.index_cast %scan3A_502 : i32 to index
          %get3A_523 = arith.constant 16 : index
          %get3A_524 = tpu.vector_load %get3A_521[%get3A_522, %get3A_523] {strides = array<i32>} : memref<200x32xf32, #tpu.memory_space<vmem>>, vector<1x16xf32>,
          %get3A_525 = vector.shape_cast %get3A_524 : vector<1x16xf32> to vector<16xf32>
          %bitcast_convert_type3A_526 = tpu.bitcast %get3A_525 : vector<16xf32> -> vector<16xi32>
          %shift_left3A_527 = arith.constant 16 : i32
          %shift_left3A_528 = vector.broadcast %shift_left3A_527 : i32 to vector<16xi32>
          %shift_left3A_529 = arith.shli %bitcast_convert_type3A_526, %shift_left3A_528 : vector<16xi32>
          %bitcast_convert_type3A_530 = tpu.bitcast %shift_left3A_529 : vector<16xi32> -> vector<16xf32>
          %add3A_531 = arith.addf %add3A_499, %bitcast_convert_type3A_530 : vector<16xf32>
          %add3A_532 = arith.addf %add3A_500, %get3A_525 : vector<16xf32>
          %scan3A_533 = arith.constant 7 : i32
          %scan3A_534 = arith.addi %scan3A_309, %scan3A_533 : i32
          %get3A_535 = arith.constant 0 : i32
          %get3A_536 = arith.constant 0 : i32
          %get3A_537 = tpu.memref_slice %arg6[%scan3A_157, %get3A_535, %get3A_536] : memref<4x200x32xf32, #tpu.memory_space<vmem>> -> memref<1x200x32xf32, #tpu.memory_space<vmem>>
          %get3A_538 = tpu.memref_squeeze %get3A_537 : memref<1x200x32xf32, #tpu.memory_space<vmem>> -> memref<200x32xf32, #tpu.memory_space<vmem>>
          %get3A_539 = arith.index_cast %scan3A_534 : i32 to index
          %get3A_540 = arith.constant 0 : index
          %get3A_541 = tpu.vector_load %get3A_538[%get3A_539, %get3A_540] {strides = array<i32>} : memref<200x32xf32, #tpu.memory_space<vmem>>, vector<1x16xf32>,
          %get3A_542 = vector.shape_cast %get3A_541 : vector<1x16xf32> to vector<16xf32>
          %bitcast_convert_type3A_543 = tpu.bitcast %get3A_542 : vector<16xf32> -> vector<16xi32>
          %shift_left3A_544 = arith.constant 16 : i32
          %shift_left3A_545 = vector.broadcast %shift_left3A_544 : i32 to vector<16xi32>
          %shift_left3A_546 = arith.shli %bitcast_convert_type3A_543, %shift_left3A_545 : vector<16xi32>
          %bitcast_convert_type3A_547 = tpu.bitcast %shift_left3A_546 : vector<16xi32> -> vector<16xf32>
          %add3A_548 = arith.addf %add3A_516, %bitcast_convert_type3A_547 : vector<16xf32>
          %add3A_549 = arith.addf %add3A_517, %get3A_542 : vector<16xf32>
          %get3A_550 = arith.constant 0 : i32
          %get3A_551 = arith.constant 0 : i32
          %get3A_552 = tpu.memref_slice %arg6[%scan3A_157, %get3A_550, %get3A_551] : memref<4x200x32xf32, #tpu.memory_space<vmem>> -> memref<1x200x32xf32, #tpu.memory_space<vmem>>
          %get3A_553 = tpu.memref_squeeze %get3A_552 : memref<1x200x32xf32, #tpu.memory_space<vmem>> -> memref<200x32xf32, #tpu.memory_space<vmem>>
          %get3A_554 = arith.index_cast %scan3A_534 : i32 to index
          %get3A_555 = arith.constant 16 : index
          %get3A_556 = tpu.vector_load %get3A_553[%get3A_554, %get3A_555] {strides = array<i32>} : memref<200x32xf32, #tpu.memory_space<vmem>>, vector<1x16xf32>,
          %get3A_557 = vector.shape_cast %get3A_556 : vector<1x16xf32> to vector<16xf32>
          %bitcast_convert_type3A_558 = tpu.bitcast %get3A_557 : vector<16xf32> -> vector<16xi32>
          %shift_left3A_559 = arith.constant 16 : i32
          %shift_left3A_560 = vector.broadcast %shift_left3A_559 : i32 to vector<16xi32>
          %shift_left3A_561 = arith.shli %bitcast_convert_type3A_558, %shift_left3A_560 : vector<16xi32>
          %bitcast_convert_type3A_562 = tpu.bitcast %shift_left3A_561 : vector<16xi32> -> vector<16xf32>
          %add3A_563 = arith.addf %add3A_531, %bitcast_convert_type3A_562 : vector<16xf32>
          %add3A_564 = arith.addf %add3A_532, %get3A_557 : vector<16xf32>
          %scan3A_565 = arith.constant 8 : i32
          %scan3A_566 = arith.addi %scan3A_309, %scan3A_565 : i32
          %get3A_567 = arith.constant 0 : i32
          %get3A_568 = arith.constant 0 : i32
          %get3A_569 = tpu.memref_slice %arg6[%scan3A_157, %get3A_567, %get3A_568] : memref<4x200x32xf32, #tpu.memory_space<vmem>> -> memref<1x200x32xf32, #tpu.memory_space<vmem>>
          %get3A_570 = tpu.memref_squeeze %get3A_569 : memref<1x200x32xf32, #tpu.memory_space<vmem>> -> memref<200x32xf32, #tpu.memory_space<vmem>>
          %get3A_571 = arith.index_cast %scan3A_566 : i32 to index
          %get3A_572 = arith.constant 0 : index
          %get3A_573 = tpu.vector_load %get3A_570[%get3A_571, %get3A_572] {strides = array<i32>} : memref<200x32xf32, #tpu.memory_space<vmem>>, vector<1x16xf32>,
          %get3A_574 = vector.shape_cast %get3A_573 : vector<1x16xf32> to vector<16xf32>
          %bitcast_convert_type3A_575 = tpu.bitcast %get3A_574 : vector<16xf32> -> vector<16xi32>
          %shift_left3A_576 = arith.constant 16 : i32
          %shift_left3A_577 = vector.broadcast %shift_left3A_576 : i32 to vector<16xi32>
          %shift_left3A_578 = arith.shli %bitcast_convert_type3A_575, %shift_left3A_577 : vector<16xi32>
          %bitcast_convert_type3A_579 = tpu.bitcast %shift_left3A_578 : vector<16xi32> -> vector<16xf32>
          %add3A_580 = arith.addf %add3A_548, %bitcast_convert_type3A_579 : vector<16xf32>
          %add3A_581 = arith.addf %add3A_549, %get3A_574 : vector<16xf32>
          %get3A_582 = arith.constant 0 : i32
          %get3A_583 = arith.constant 0 : i32
          %get3A_584 = tpu.memref_slice %arg6[%scan3A_157, %get3A_582, %get3A_583] : memref<4x200x32xf32, #tpu.memory_space<vmem>> -> memref<1x200x32xf32, #tpu.memory_space<vmem>>
          %get3A_585 = tpu.memref_squeeze %get3A_584 : memref<1x200x32xf32, #tpu.memory_space<vmem>> -> memref<200x32xf32, #tpu.memory_space<vmem>>
          %get3A_586 = arith.index_cast %scan3A_566 : i32 to index
          %get3A_587 = arith.constant 16 : index
          %get3A_588 = tpu.vector_load %get3A_585[%get3A_586, %get3A_587] {strides = array<i32>} : memref<200x32xf32, #tpu.memory_space<vmem>>, vector<1x16xf32>,
          %get3A_589 = vector.shape_cast %get3A_588 : vector<1x16xf32> to vector<16xf32>
          %bitcast_convert_type3A_590 = tpu.bitcast %get3A_589 : vector<16xf32> -> vector<16xi32>
          %shift_left3A_591 = arith.constant 16 : i32
          %shift_left3A_592 = vector.broadcast %shift_left3A_591 : i32 to vector<16xi32>
          %shift_left3A_593 = arith.shli %bitcast_convert_type3A_590, %shift_left3A_592 : vector<16xi32>
          %bitcast_convert_type3A_594 = tpu.bitcast %shift_left3A_593 : vector<16xi32> -> vector<16xf32>
          %add3A_595 = arith.addf %add3A_563, %bitcast_convert_type3A_594 : vector<16xf32>
          %add3A_596 = arith.addf %add3A_564, %get3A_589 : vector<16xf32>
          %scan3A_597 = arith.constant 9 : i32
          %scan3A_598 = arith.addi %scan3A_309, %scan3A_597 : i32
          %get3A_599 = arith.constant 0 : i32
          %get3A_600 = arith.constant 0 : i32
          %get3A_601 = tpu.memref_slice %arg6[%scan3A_157, %get3A_599, %get3A_600] : memref<4x200x32xf32, #tpu.memory_space<vmem>> -> memref<1x200x32xf32, #tpu.memory_space<vmem>>
          %get3A_602 = tpu.memref_squeeze %get3A_601 : memref<1x200x32xf32, #tpu.memory_space<vmem>> -> memref<200x32xf32, #tpu.memory_space<vmem>>
          %get3A_603 = arith.index_cast %scan3A_598 : i32 to index
          %get3A_604 = arith.constant 0 : index
          %get3A_605 = tpu.vector_load %get3A_602[%get3A_603, %get3A_604] {strides = array<i32>} : memref<200x32xf32, #tpu.memory_space<vmem>>, vector<1x16xf32>,
          %get3A_606 = vector.shape_cast %get3A_605 : vector<1x16xf32> to vector<16xf32>
          %bitcast_convert_type3A_607 = tpu.bitcast %get3A_606 : vector<16xf32> -> vector<16xi32>
          %shift_left3A_608 = arith.constant 16 : i32
          %shift_left3A_609 = vector.broadcast %shift_left3A_608 : i32 to vector<16xi32>
          %shift_left3A_610 = arith.shli %bitcast_convert_type3A_607, %shift_left3A_609 : vector<16xi32>
          %bitcast_convert_type3A_611 = tpu.bitcast %shift_left3A_610 : vector<16xi32> -> vector<16xf32>
          %add3A_612 = arith.addf %add3A_580, %bitcast_convert_type3A_611 : vector<16xf32>
          %add3A_613 = arith.addf %add3A_581, %get3A_606 : vector<16xf32>
          %get3A_614 = arith.constant 0 : i32
          %get3A_615 = arith.constant 0 : i32
          %get3A_616 = tpu.memref_slice %arg6[%scan3A_157, %get3A_614, %get3A_615] : memref<4x200x32xf32, #tpu.memory_space<vmem>> -> memref<1x200x32xf32, #tpu.memory_space<vmem>>
          %get3A_617 = tpu.memref_squeeze %get3A_616 : memref<1x200x32xf32, #tpu.memory_space<vmem>> -> memref<200x32xf32, #tpu.memory_space<vmem>>
          %get3A_618 = arith.index_cast %scan3A_598 : i32 to index
          %get3A_619 = arith.constant 16 : index
          %get3A_620 = tpu.vector_load %get3A_617[%get3A_618, %get3A_619] {strides = array<i32>} : memref<200x32xf32, #tpu.memory_space<vmem>>, vector<1x16xf32>,
          %get3A_621 = vector.shape_cast %get3A_620 : vector<1x16xf32> to vector<16xf32>
          %bitcast_convert_type3A_622 = tpu.bitcast %get3A_621 : vector<16xf32> -> vector<16xi32>
          %shift_left3A_623 = arith.constant 16 : i32
          %shift_left3A_624 = vector.broadcast %shift_left3A_623 : i32 to vector<16xi32>
          %shift_left3A_625 = arith.shli %bitcast_convert_type3A_622, %shift_left3A_624 : vector<16xi32>
          %bitcast_convert_type3A_626 = tpu.bitcast %shift_left3A_625 : vector<16xi32> -> vector<16xf32>
          %add3A_627 = arith.addf %add3A_595, %bitcast_convert_type3A_626 : vector<16xf32>
          %add3A_628 = arith.addf %add3A_596, %get3A_621 : vector<16xf32>
          scf.yield %add3A_612, %add3A_627, %add3A_613, %add3A_628 : vector<16xf32>, vector<16xf32>, vector<16xf32>, vector<16xf32>
        }
        %scan3A_163 = arith.constant 200 : i32
        %swap3A_164 = arith.index_cast %add3A_148 : i32 to index
        %swap3A_165 = arith.constant 0 : index
        %swap3A_166 = tpu.vector_load %arg7[%swap3A_164, %swap3A_165] {strides = array<i32>} : memref<512x64xf32, #tpu.memory_space<vmem>>, vector<1x16xf32>,
        %swap3A_167 = vector.shape_cast %swap3A_166 : vector<1x16xf32> to vector<16xf32>
        %swap3A_168 = vector.shape_cast %scan3A_162#0 : vector<16xf32> to vector<1x16xf32>
        tpu.vector_store %arg7[%swap3A_164, %swap3A_165], %swap3A_168 {strides = array<i32>} : memref<512x64xf32, #tpu.memory_space<vmem>>, vector<1x16xf32>,
        %swap3A_169 = arith.index_cast %add3A_148 : i32 to index
        %swap3A_170 = arith.constant 16 : index
        %swap3A_171 = tpu.vector_load %arg7[%swap3A_169, %swap3A_170] {strides = array<i32>} : memref<512x64xf32, #tpu.memory_space<vmem>>, vector<1x16xf32>,
        %swap3A_172 = vector.shape_cast %swap3A_171 : vector<1x16xf32> to vector<16xf32>
        %swap3A_173 = vector.shape_cast %scan3A_162#1 : vector<16xf32> to vector<1x16xf32>
        tpu.vector_store %arg7[%swap3A_169, %swap3A_170], %swap3A_173 {strides = array<i32>} : memref<512x64xf32, #tpu.memory_space<vmem>>, vector<1x16xf32>,
        %swap3A_174 = arith.index_cast %add3A_148 : i32 to index
        %swap3A_175 = arith.constant 32 : index
        %swap3A_176 = tpu.vector_load %arg7[%swap3A_174, %swap3A_175] {strides = array<i32>} : memref<512x64xf32, #tpu.memory_space<vmem>>, vector<1x16xf32>,
        %swap3A_177 = vector.shape_cast %swap3A_176 : vector<1x16xf32> to vector<16xf32>
        %swap3A_178 = vector.shape_cast %scan3A_162#2 : vector<16xf32> to vector<1x16xf32>
        tpu.vector_store %arg7[%swap3A_174, %swap3A_175], %swap3A_178 {strides = array<i32>} : memref<512x64xf32, #tpu.memory_space<vmem>>, vector<1x16xf32>,
        %swap3A_179 = arith.index_cast %add3A_148 : i32 to index
        %swap3A_180 = arith.constant 48 : index
        %swap3A_181 = tpu.vector_load %arg7[%swap3A_179, %swap3A_180] {strides = array<i32>} : memref<512x64xf32, #tpu.memory_space<vmem>>, vector<1x16xf32>,
        %swap3A_182 = vector.shape_cast %swap3A_181 : vector<1x16xf32> to vector<16xf32>
        %swap3A_183 = vector.shape_cast %scan3A_162#3 : vector<16xf32> to vector<1x16xf32>
        tpu.vector_store %arg7[%swap3A_179, %swap3A_180], %swap3A_183 {strides = array<i32>} : memref<512x64xf32, #tpu.memory_space<vmem>>, vector<1x16xf32>,
        %add3A_184 = arith.constant 4 : i32
        %add3A_185 = arith.addi %add3A_133, %add3A_184 : i32
        %lt3A_186 = arith.constant 64 : i32
        %lt3A_187 = arith.cmpi slt, %add3A_185, %lt3A_186 : i32
        %convert_element_type3A_188 = arith.extui %lt3A_187 : i1 to i32
        %cond3A_189 = arith.constant 0 : i32
        %cond3A_190 = arith.cmpi ne, %convert_element_type3A_188, %cond3A_189 : i32
        scf.if %cond3A_190 {
          %dma_start3A_309 = arith.constant 1 : i32
          %dma_start3A_310 = arith.constant 0 : i32
          %dma_start3A_311 = arith.constant 0 : i32
          %dma_start3A_312 = tpu.memref_slice %arg6[%dma_start3A_309, %dma_start3A_310, %dma_start3A_311] : memref<4x200x32xf32, #tpu.memory_space<vmem>> -> memref<1x200x32xf32, #tpu.memory_space<vmem>>
          %dma_start3A_313 = tpu.memref_squeeze %dma_start3A_312 : memref<1x200x32xf32, #tpu.memory_space<vmem>> -> memref<200x32xf32, #tpu.memory_space<vmem>>
          %dma_start3A_314 = arith.constant 0 : i32
          %dma_start3A_315 = tpu.memref_slice %arg5[%add3A_185, %dma_start3A_314] : memref<64x256xi32, #tpu.memory_space<vmem>> -> memref<1x200xi32, #tpu.memory_space<vmem>>
          %dma_start3A_316 = tpu.memref_squeeze %dma_start3A_315 : memref<1x200xi32, #tpu.memory_space<vmem>> -> memref<200xi32, #tpu.memory_space<vmem>>
          %dma_start3A_317 = arith.constant 0 : i32
          %dma_start3A_318 = arith.constant 0 : i32
          %dma_start3A_319 = tpu.memref_slice %arg3[%dma_start3A_317, %dma_start3A_318] : memref<1007616x32xf32, #tpu.memory_space<hbm>> -> memref<1007616x32xf32, #tpu.memory_space<hbm>>
          tpu.enqueue_indirect_dma source(%dma_start3A_319 : memref<1007616x32xf32, #tpu.memory_space<hbm>>) target(%dma_start3A_313 : memref<200x32xf32, #tpu.memory_space<vmem>>) offsets(%dma_start3A_316 : memref<200xi32, #tpu.memory_space<vmem>>) semaphore(%arg9 : memref<!tpu.dma_semaphore, #tpu.memory_space<semaphore_mem>>)
        } else {
        }
        %add3A_191 = arith.constant 2 : i32
        %add3A_192 = arith.addi %add3A_78, %add3A_191 : i32
        %dma_wait3A_193 = arith.constant 0 : i32
        %dma_wait3A_194 = arith.constant 2 : i32
        %dma_wait3A_195 = arith.constant 0 : i32
        %dma_wait3A_196 = arith.constant 0 : i32
        %dma_wait3A_197 = tpu.memref_slice %arg6[%dma_wait3A_194, %dma_wait3A_195, %dma_wait3A_196] : memref<4x200x32xf32, #tpu.memory_space<vmem>> -> memref<1x200x32xf32, #tpu.memory_space<vmem>>
        %dma_wait3A_198 = tpu.memref_squeeze %dma_wait3A_197 : memref<1x200x32xf32, #tpu.memory_space<vmem>> -> memref<200x32xf32, #tpu.memory_space<vmem>>
        %dma_wait3A_199 = arith.constant 0 : i32
        %dma_wait3A_200 = tpu.memref_slice %arg5[%dma_wait3A_193, %dma_wait3A_199] : memref<64x256xi32, #tpu.memory_space<vmem>> -> memref<1x200xi32, #tpu.memory_space<vmem>>
        %dma_wait3A_201 = tpu.memref_squeeze %dma_wait3A_200 : memref<1x200xi32, #tpu.memory_space<vmem>> -> memref<200xi32, #tpu.memory_space<vmem>>
        %dma_wait3A_202 = arith.constant 0 : i32
        %dma_wait3A_203 = arith.constant 0 : i32
        %dma_wait3A_204 = tpu.memref_slice %arg3[%dma_wait3A_202, %dma_wait3A_203] : memref<1007616x32xf32, #tpu.memory_space<hbm>> -> memref<1007616x32xf32, #tpu.memory_space<hbm>>
        tpu.wait_indirect_dma semaphore(%arg10 : memref<!tpu.dma_semaphore, #tpu.memory_space<semaphore_mem>>) src(%dma_wait3A_204 : memref<1007616x32xf32, #tpu.memory_space<hbm>>) dst(%dma_wait3A_198 : memref<200x32xf32, #tpu.memory_space<vmem>>)
        %mul3A_205 = arith.constant 64 : i32
        %mul3A_206 = arith.muli %add3A_11, %mul3A_205 : i32
        %add3A_207 = arith.addi %mul3A_206, %add3A_192 : i32
        %broadcast_in_dim3A_208 = arith.constant 0.000000e+00 : f32
        %broadcast_in_dim3A_209 = vector.broadcast %broadcast_in_dim3A_208 : f32 to vector<16xf32>
        %broadcast_in_dim3A_210 = arith.constant 0.000000e+00 : f32
        %broadcast_in_dim3A_211 = vector.broadcast %broadcast_in_dim3A_210 : f32 to vector<16xf32>
        %broadcast_in_dim3A_212 = arith.constant 0.000000e+00 : f32
        %broadcast_in_dim3A_213 = vector.broadcast %broadcast_in_dim3A_212 : f32 to vector<16xf32>
        %broadcast_in_dim3A_214 = arith.constant 0.000000e+00 : f32
        %broadcast_in_dim3A_215 = vector.broadcast %broadcast_in_dim3A_214 : f32 to vector<16xf32>
        %scan3A_216 = arith.constant 2 : i32
        %scan3A_217 = arith.constant 0 : i32
        %scan3A_218 = arith.constant 200 : i32
        %scan3A_219 = arith.addi %scan3A_217, %scan3A_218 : i32
        %scan3A_220 = arith.constant 10 : i32
        %scan3A_221:4 = scf.for %scan3A_309 = %scan3A_217 to %scan3A_219 step %scan3A_220 iter_args(%scan3A_310 = %broadcast_in_dim3A_209, %scan3A_311 = %broadcast_in_dim3A_211, %scan3A_312 = %broadcast_in_dim3A_213, %scan3A_313 = %broadcast_in_dim3A_215) -> (vector<16xf32>, vector<16xf32>, vector<16xf32>, vector<16xf32>)  : i32 {
          %get3A = arith.constant 0 : i32
          %get3A_314 = arith.constant 0 : i32
          %get3A_315 = tpu.memref_slice %arg6[%scan3A_216, %get3A, %get3A_314] : memref<4x200x32xf32, #tpu.memory_space<vmem>> -> memref<1x200x32xf32, #tpu.memory_space<vmem>>
          %get3A_316 = tpu.memref_squeeze %get3A_315 : memref<1x200x32xf32, #tpu.memory_space<vmem>> -> memref<200x32xf32, #tpu.memory_space<vmem>>
          %get3A_317 = arith.index_cast %scan3A_309 : i32 to index
          %get3A_318 = arith.constant 0 : index
          %get3A_319 = tpu.vector_load %get3A_316[%get3A_317, %get3A_318] {strides = array<i32>} : memref<200x32xf32, #tpu.memory_space<vmem>>, vector<1x16xf32>,
          %get3A_320 = vector.shape_cast %get3A_319 : vector<1x16xf32> to vector<16xf32>
          %bitcast_convert_type3A = tpu.bitcast %get3A_320 : vector<16xf32> -> vector<16xi32>
          %shift_left3A = arith.constant 16 : i32
          %shift_left3A_321 = vector.broadcast %shift_left3A : i32 to vector<16xi32>
          %shift_left3A_322 = arith.shli %bitcast_convert_type3A, %shift_left3A_321 : vector<16xi32>
          %bitcast_convert_type3A_323 = tpu.bitcast %shift_left3A_322 : vector<16xi32> -> vector<16xf32>
          %add3A_324 = arith.addf %scan3A_310, %bitcast_convert_type3A_323 : vector<16xf32>
          %add3A_325 = arith.addf %scan3A_312, %get3A_320 : vector<16xf32>
          %get3A_326 = arith.constant 0 : i32
          %get3A_327 = arith.constant 0 : i32
          %get3A_328 = tpu.memref_slice %arg6[%scan3A_216, %get3A_326, %get3A_327] : memref<4x200x32xf32, #tpu.memory_space<vmem>> -> memref<1x200x32xf32, #tpu.memory_space<vmem>>
          %get3A_329 = tpu.memref_squeeze %get3A_328 : memref<1x200x32xf32, #tpu.memory_space<vmem>> -> memref<200x32xf32, #tpu.memory_space<vmem>>
          %get3A_330 = arith.index_cast %scan3A_309 : i32 to index
          %get3A_331 = arith.constant 16 : index
          %get3A_332 = tpu.vector_load %get3A_329[%get3A_330, %get3A_331] {strides = array<i32>} : memref<200x32xf32, #tpu.memory_space<vmem>>, vector<1x16xf32>,
          %get3A_333 = vector.shape_cast %get3A_332 : vector<1x16xf32> to vector<16xf32>
          %bitcast_convert_type3A_334 = tpu.bitcast %get3A_333 : vector<16xf32> -> vector<16xi32>
          %shift_left3A_335 = arith.constant 16 : i32
          %shift_left3A_336 = vector.broadcast %shift_left3A_335 : i32 to vector<16xi32>
          %shift_left3A_337 = arith.shli %bitcast_convert_type3A_334, %shift_left3A_336 : vector<16xi32>
          %bitcast_convert_type3A_338 = tpu.bitcast %shift_left3A_337 : vector<16xi32> -> vector<16xf32>
          %add3A_339 = arith.addf %scan3A_311, %bitcast_convert_type3A_338 : vector<16xf32>
          %add3A_340 = arith.addf %scan3A_313, %get3A_333 : vector<16xf32>
          %scan3A_341 = arith.constant 1 : i32
          %scan3A_342 = arith.addi %scan3A_309, %scan3A_341 : i32
          %get3A_343 = arith.constant 0 : i32
          %get3A_344 = arith.constant 0 : i32
          %get3A_345 = tpu.memref_slice %arg6[%scan3A_216, %get3A_343, %get3A_344] : memref<4x200x32xf32, #tpu.memory_space<vmem>> -> memref<1x200x32xf32, #tpu.memory_space<vmem>>
          %get3A_346 = tpu.memref_squeeze %get3A_345 : memref<1x200x32xf32, #tpu.memory_space<vmem>> -> memref<200x32xf32, #tpu.memory_space<vmem>>
          %get3A_347 = arith.index_cast %scan3A_342 : i32 to index
          %get3A_348 = arith.constant 0 : index
          %get3A_349 = tpu.vector_load %get3A_346[%get3A_347, %get3A_348] {strides = array<i32>} : memref<200x32xf32, #tpu.memory_space<vmem>>, vector<1x16xf32>,
          %get3A_350 = vector.shape_cast %get3A_349 : vector<1x16xf32> to vector<16xf32>
          %bitcast_convert_type3A_351 = tpu.bitcast %get3A_350 : vector<16xf32> -> vector<16xi32>
          %shift_left3A_352 = arith.constant 16 : i32
          %shift_left3A_353 = vector.broadcast %shift_left3A_352 : i32 to vector<16xi32>
          %shift_left3A_354 = arith.shli %bitcast_convert_type3A_351, %shift_left3A_353 : vector<16xi32>
          %bitcast_convert_type3A_355 = tpu.bitcast %shift_left3A_354 : vector<16xi32> -> vector<16xf32>
          %add3A_356 = arith.addf %add3A_324, %bitcast_convert_type3A_355 : vector<16xf32>
          %add3A_357 = arith.addf %add3A_325, %get3A_350 : vector<16xf32>
          %get3A_358 = arith.constant 0 : i32
          %get3A_359 = arith.constant 0 : i32
          %get3A_360 = tpu.memref_slice %arg6[%scan3A_216, %get3A_358, %get3A_359] : memref<4x200x32xf32, #tpu.memory_space<vmem>> -> memref<1x200x32xf32, #tpu.memory_space<vmem>>
          %get3A_361 = tpu.memref_squeeze %get3A_360 : memref<1x200x32xf32, #tpu.memory_space<vmem>> -> memref<200x32xf32, #tpu.memory_space<vmem>>
          %get3A_362 = arith.index_cast %scan3A_342 : i32 to index
          %get3A_363 = arith.constant 16 : index
          %get3A_364 = tpu.vector_load %get3A_361[%get3A_362, %get3A_363] {strides = array<i32>} : memref<200x32xf32, #tpu.memory_space<vmem>>, vector<1x16xf32>,
          %get3A_365 = vector.shape_cast %get3A_364 : vector<1x16xf32> to vector<16xf32>
          %bitcast_convert_type3A_366 = tpu.bitcast %get3A_365 : vector<16xf32> -> vector<16xi32>
          %shift_left3A_367 = arith.constant 16 : i32
          %shift_left3A_368 = vector.broadcast %shift_left3A_367 : i32 to vector<16xi32>
          %shift_left3A_369 = arith.shli %bitcast_convert_type3A_366, %shift_left3A_368 : vector<16xi32>
          %bitcast_convert_type3A_370 = tpu.bitcast %shift_left3A_369 : vector<16xi32> -> vector<16xf32>
          %add3A_371 = arith.addf %add3A_339, %bitcast_convert_type3A_370 : vector<16xf32>
          %add3A_372 = arith.addf %add3A_340, %get3A_365 : vector<16xf32>
          %scan3A_373 = arith.constant 2 : i32
          %scan3A_374 = arith.addi %scan3A_309, %scan3A_373 : i32
          %get3A_375 = arith.constant 0 : i32
          %get3A_376 = arith.constant 0 : i32
          %get3A_377 = tpu.memref_slice %arg6[%scan3A_216, %get3A_375, %get3A_376] : memref<4x200x32xf32, #tpu.memory_space<vmem>> -> memref<1x200x32xf32, #tpu.memory_space<vmem>>
          %get3A_378 = tpu.memref_squeeze %get3A_377 : memref<1x200x32xf32, #tpu.memory_space<vmem>> -> memref<200x32xf32, #tpu.memory_space<vmem>>
          %get3A_379 = arith.index_cast %scan3A_374 : i32 to index
          %get3A_380 = arith.constant 0 : index
          %get3A_381 = tpu.vector_load %get3A_378[%get3A_379, %get3A_380] {strides = array<i32>} : memref<200x32xf32, #tpu.memory_space<vmem>>, vector<1x16xf32>,
          %get3A_382 = vector.shape_cast %get3A_381 : vector<1x16xf32> to vector<16xf32>
          %bitcast_convert_type3A_383 = tpu.bitcast %get3A_382 : vector<16xf32> -> vector<16xi32>
          %shift_left3A_384 = arith.constant 16 : i32
          %shift_left3A_385 = vector.broadcast %shift_left3A_384 : i32 to vector<16xi32>
          %shift_left3A_386 = arith.shli %bitcast_convert_type3A_383, %shift_left3A_385 : vector<16xi32>
          %bitcast_convert_type3A_387 = tpu.bitcast %shift_left3A_386 : vector<16xi32> -> vector<16xf32>
          %add3A_388 = arith.addf %add3A_356, %bitcast_convert_type3A_387 : vector<16xf32>
          %add3A_389 = arith.addf %add3A_357, %get3A_382 : vector<16xf32>
          %get3A_390 = arith.constant 0 : i32
          %get3A_391 = arith.constant 0 : i32
          %get3A_392 = tpu.memref_slice %arg6[%scan3A_216, %get3A_390, %get3A_391] : memref<4x200x32xf32, #tpu.memory_space<vmem>> -> memref<1x200x32xf32, #tpu.memory_space<vmem>>
          %get3A_393 = tpu.memref_squeeze %get3A_392 : memref<1x200x32xf32, #tpu.memory_space<vmem>> -> memref<200x32xf32, #tpu.memory_space<vmem>>
          %get3A_394 = arith.index_cast %scan3A_374 : i32 to index
          %get3A_395 = arith.constant 16 : index
          %get3A_396 = tpu.vector_load %get3A_393[%get3A_394, %get3A_395] {strides = array<i32>} : memref<200x32xf32, #tpu.memory_space<vmem>>, vector<1x16xf32>,
          %get3A_397 = vector.shape_cast %get3A_396 : vector<1x16xf32> to vector<16xf32>
          %bitcast_convert_type3A_398 = tpu.bitcast %get3A_397 : vector<16xf32> -> vector<16xi32>
          %shift_left3A_399 = arith.constant 16 : i32
          %shift_left3A_400 = vector.broadcast %shift_left3A_399 : i32 to vector<16xi32>
          %shift_left3A_401 = arith.shli %bitcast_convert_type3A_398, %shift_left3A_400 : vector<16xi32>
          %bitcast_convert_type3A_402 = tpu.bitcast %shift_left3A_401 : vector<16xi32> -> vector<16xf32>
          %add3A_403 = arith.addf %add3A_371, %bitcast_convert_type3A_402 : vector<16xf32>
          %add3A_404 = arith.addf %add3A_372, %get3A_397 : vector<16xf32>
          %scan3A_405 = arith.constant 3 : i32
          %scan3A_406 = arith.addi %scan3A_309, %scan3A_405 : i32
          %get3A_407 = arith.constant 0 : i32
          %get3A_408 = arith.constant 0 : i32
          %get3A_409 = tpu.memref_slice %arg6[%scan3A_216, %get3A_407, %get3A_408] : memref<4x200x32xf32, #tpu.memory_space<vmem>> -> memref<1x200x32xf32, #tpu.memory_space<vmem>>
          %get3A_410 = tpu.memref_squeeze %get3A_409 : memref<1x200x32xf32, #tpu.memory_space<vmem>> -> memref<200x32xf32, #tpu.memory_space<vmem>>
          %get3A_411 = arith.index_cast %scan3A_406 : i32 to index
          %get3A_412 = arith.constant 0 : index
          %get3A_413 = tpu.vector_load %get3A_410[%get3A_411, %get3A_412] {strides = array<i32>} : memref<200x32xf32, #tpu.memory_space<vmem>>, vector<1x16xf32>,
          %get3A_414 = vector.shape_cast %get3A_413 : vector<1x16xf32> to vector<16xf32>
          %bitcast_convert_type3A_415 = tpu.bitcast %get3A_414 : vector<16xf32> -> vector<16xi32>
          %shift_left3A_416 = arith.constant 16 : i32
          %shift_left3A_417 = vector.broadcast %shift_left3A_416 : i32 to vector<16xi32>
          %shift_left3A_418 = arith.shli %bitcast_convert_type3A_415, %shift_left3A_417 : vector<16xi32>
          %bitcast_convert_type3A_419 = tpu.bitcast %shift_left3A_418 : vector<16xi32> -> vector<16xf32>
          %add3A_420 = arith.addf %add3A_388, %bitcast_convert_type3A_419 : vector<16xf32>
          %add3A_421 = arith.addf %add3A_389, %get3A_414 : vector<16xf32>
          %get3A_422 = arith.constant 0 : i32
          %get3A_423 = arith.constant 0 : i32
          %get3A_424 = tpu.memref_slice %arg6[%scan3A_216, %get3A_422, %get3A_423] : memref<4x200x32xf32, #tpu.memory_space<vmem>> -> memref<1x200x32xf32, #tpu.memory_space<vmem>>
          %get3A_425 = tpu.memref_squeeze %get3A_424 : memref<1x200x32xf32, #tpu.memory_space<vmem>> -> memref<200x32xf32, #tpu.memory_space<vmem>>
          %get3A_426 = arith.index_cast %scan3A_406 : i32 to index
          %get3A_427 = arith.constant 16 : index
          %get3A_428 = tpu.vector_load %get3A_425[%get3A_426, %get3A_427] {strides = array<i32>} : memref<200x32xf32, #tpu.memory_space<vmem>>, vector<1x16xf32>,
          %get3A_429 = vector.shape_cast %get3A_428 : vector<1x16xf32> to vector<16xf32>
          %bitcast_convert_type3A_430 = tpu.bitcast %get3A_429 : vector<16xf32> -> vector<16xi32>
          %shift_left3A_431 = arith.constant 16 : i32
          %shift_left3A_432 = vector.broadcast %shift_left3A_431 : i32 to vector<16xi32>
          %shift_left3A_433 = arith.shli %bitcast_convert_type3A_430, %shift_left3A_432 : vector<16xi32>
          %bitcast_convert_type3A_434 = tpu.bitcast %shift_left3A_433 : vector<16xi32> -> vector<16xf32>
          %add3A_435 = arith.addf %add3A_403, %bitcast_convert_type3A_434 : vector<16xf32>
          %add3A_436 = arith.addf %add3A_404, %get3A_429 : vector<16xf32>
          %scan3A_437 = arith.constant 4 : i32
          %scan3A_438 = arith.addi %scan3A_309, %scan3A_437 : i32
          %get3A_439 = arith.constant 0 : i32
          %get3A_440 = arith.constant 0 : i32
          %get3A_441 = tpu.memref_slice %arg6[%scan3A_216, %get3A_439, %get3A_440] : memref<4x200x32xf32, #tpu.memory_space<vmem>> -> memref<1x200x32xf32, #tpu.memory_space<vmem>>
          %get3A_442 = tpu.memref_squeeze %get3A_441 : memref<1x200x32xf32, #tpu.memory_space<vmem>> -> memref<200x32xf32, #tpu.memory_space<vmem>>
          %get3A_443 = arith.index_cast %scan3A_438 : i32 to index
          %get3A_444 = arith.constant 0 : index
          %get3A_445 = tpu.vector_load %get3A_442[%get3A_443, %get3A_444] {strides = array<i32>} : memref<200x32xf32, #tpu.memory_space<vmem>>, vector<1x16xf32>,
          %get3A_446 = vector.shape_cast %get3A_445 : vector<1x16xf32> to vector<16xf32>
          %bitcast_convert_type3A_447 = tpu.bitcast %get3A_446 : vector<16xf32> -> vector<16xi32>
          %shift_left3A_448 = arith.constant 16 : i32
          %shift_left3A_449 = vector.broadcast %shift_left3A_448 : i32 to vector<16xi32>
          %shift_left3A_450 = arith.shli %bitcast_convert_type3A_447, %shift_left3A_449 : vector<16xi32>
          %bitcast_convert_type3A_451 = tpu.bitcast %shift_left3A_450 : vector<16xi32> -> vector<16xf32>
          %add3A_452 = arith.addf %add3A_420, %bitcast_convert_type3A_451 : vector<16xf32>
          %add3A_453 = arith.addf %add3A_421, %get3A_446 : vector<16xf32>
          %get3A_454 = arith.constant 0 : i32
          %get3A_455 = arith.constant 0 : i32
          %get3A_456 = tpu.memref_slice %arg6[%scan3A_216, %get3A_454, %get3A_455] : memref<4x200x32xf32, #tpu.memory_space<vmem>> -> memref<1x200x32xf32, #tpu.memory_space<vmem>>
          %get3A_457 = tpu.memref_squeeze %get3A_456 : memref<1x200x32xf32, #tpu.memory_space<vmem>> -> memref<200x32xf32, #tpu.memory_space<vmem>>
          %get3A_458 = arith.index_cast %scan3A_438 : i32 to index
          %get3A_459 = arith.constant 16 : index
          %get3A_460 = tpu.vector_load %get3A_457[%get3A_458, %get3A_459] {strides = array<i32>} : memref<200x32xf32, #tpu.memory_space<vmem>>, vector<1x16xf32>,
          %get3A_461 = vector.shape_cast %get3A_460 : vector<1x16xf32> to vector<16xf32>
          %bitcast_convert_type3A_462 = tpu.bitcast %get3A_461 : vector<16xf32> -> vector<16xi32>
          %shift_left3A_463 = arith.constant 16 : i32
          %shift_left3A_464 = vector.broadcast %shift_left3A_463 : i32 to vector<16xi32>
          %shift_left3A_465 = arith.shli %bitcast_convert_type3A_462, %shift_left3A_464 : vector<16xi32>
          %bitcast_convert_type3A_466 = tpu.bitcast %shift_left3A_465 : vector<16xi32> -> vector<16xf32>
          %add3A_467 = arith.addf %add3A_435, %bitcast_convert_type3A_466 : vector<16xf32>
          %add3A_468 = arith.addf %add3A_436, %get3A_461 : vector<16xf32>
          %scan3A_469 = arith.constant 5 : i32
          %scan3A_470 = arith.addi %scan3A_309, %scan3A_469 : i32
          %get3A_471 = arith.constant 0 : i32
          %get3A_472 = arith.constant 0 : i32
          %get3A_473 = tpu.memref_slice %arg6[%scan3A_216, %get3A_471, %get3A_472] : memref<4x200x32xf32, #tpu.memory_space<vmem>> -> memref<1x200x32xf32, #tpu.memory_space<vmem>>
          %get3A_474 = tpu.memref_squeeze %get3A_473 : memref<1x200x32xf32, #tpu.memory_space<vmem>> -> memref<200x32xf32, #tpu.memory_space<vmem>>
          %get3A_475 = arith.index_cast %scan3A_470 : i32 to index
          %get3A_476 = arith.constant 0 : index
          %get3A_477 = tpu.vector_load %get3A_474[%get3A_475, %get3A_476] {strides = array<i32>} : memref<200x32xf32, #tpu.memory_space<vmem>>, vector<1x16xf32>,
          %get3A_478 = vector.shape_cast %get3A_477 : vector<1x16xf32> to vector<16xf32>
          %bitcast_convert_type3A_479 = tpu.bitcast %get3A_478 : vector<16xf32> -> vector<16xi32>
          %shift_left3A_480 = arith.constant 16 : i32
          %shift_left3A_481 = vector.broadcast %shift_left3A_480 : i32 to vector<16xi32>
          %shift_left3A_482 = arith.shli %bitcast_convert_type3A_479, %shift_left3A_481 : vector<16xi32>
          %bitcast_convert_type3A_483 = tpu.bitcast %shift_left3A_482 : vector<16xi32> -> vector<16xf32>
          %add3A_484 = arith.addf %add3A_452, %bitcast_convert_type3A_483 : vector<16xf32>
          %add3A_485 = arith.addf %add3A_453, %get3A_478 : vector<16xf32>
          %get3A_486 = arith.constant 0 : i32
          %get3A_487 = arith.constant 0 : i32
          %get3A_488 = tpu.memref_slice %arg6[%scan3A_216, %get3A_486, %get3A_487] : memref<4x200x32xf32, #tpu.memory_space<vmem>> -> memref<1x200x32xf32, #tpu.memory_space<vmem>>
          %get3A_489 = tpu.memref_squeeze %get3A_488 : memref<1x200x32xf32, #tpu.memory_space<vmem>> -> memref<200x32xf32, #tpu.memory_space<vmem>>
          %get3A_490 = arith.index_cast %scan3A_470 : i32 to index
          %get3A_491 = arith.constant 16 : index
          %get3A_492 = tpu.vector_load %get3A_489[%get3A_490, %get3A_491] {strides = array<i32>} : memref<200x32xf32, #tpu.memory_space<vmem>>, vector<1x16xf32>,
          %get3A_493 = vector.shape_cast %get3A_492 : vector<1x16xf32> to vector<16xf32>
          %bitcast_convert_type3A_494 = tpu.bitcast %get3A_493 : vector<16xf32> -> vector<16xi32>
          %shift_left3A_495 = arith.constant 16 : i32
          %shift_left3A_496 = vector.broadcast %shift_left3A_495 : i32 to vector<16xi32>
          %shift_left3A_497 = arith.shli %bitcast_convert_type3A_494, %shift_left3A_496 : vector<16xi32>
          %bitcast_convert_type3A_498 = tpu.bitcast %shift_left3A_497 : vector<16xi32> -> vector<16xf32>
          %add3A_499 = arith.addf %add3A_467, %bitcast_convert_type3A_498 : vector<16xf32>
          %add3A_500 = arith.addf %add3A_468, %get3A_493 : vector<16xf32>
          %scan3A_501 = arith.constant 6 : i32
          %scan3A_502 = arith.addi %scan3A_309, %scan3A_501 : i32
          %get3A_503 = arith.constant 0 : i32
          %get3A_504 = arith.constant 0 : i32
          %get3A_505 = tpu.memref_slice %arg6[%scan3A_216, %get3A_503, %get3A_504] : memref<4x200x32xf32, #tpu.memory_space<vmem>> -> memref<1x200x32xf32, #tpu.memory_space<vmem>>
          %get3A_506 = tpu.memref_squeeze %get3A_505 : memref<1x200x32xf32, #tpu.memory_space<vmem>> -> memref<200x32xf32, #tpu.memory_space<vmem>>
          %get3A_507 = arith.index_cast %scan3A_502 : i32 to index
          %get3A_508 = arith.constant 0 : index
          %get3A_509 = tpu.vector_load %get3A_506[%get3A_507, %get3A_508] {strides = array<i32>} : memref<200x32xf32, #tpu.memory_space<vmem>>, vector<1x16xf32>,
          %get3A_510 = vector.shape_cast %get3A_509 : vector<1x16xf32> to vector<16xf32>
          %bitcast_convert_type3A_511 = tpu.bitcast %get3A_510 : vector<16xf32> -> vector<16xi32>
          %shift_left3A_512 = arith.constant 16 : i32
          %shift_left3A_513 = vector.broadcast %shift_left3A_512 : i32 to vector<16xi32>
          %shift_left3A_514 = arith.shli %bitcast_convert_type3A_511, %shift_left3A_513 : vector<16xi32>
          %bitcast_convert_type3A_515 = tpu.bitcast %shift_left3A_514 : vector<16xi32> -> vector<16xf32>
          %add3A_516 = arith.addf %add3A_484, %bitcast_convert_type3A_515 : vector<16xf32>
          %add3A_517 = arith.addf %add3A_485, %get3A_510 : vector<16xf32>
          %get3A_518 = arith.constant 0 : i32
          %get3A_519 = arith.constant 0 : i32
          %get3A_520 = tpu.memref_slice %arg6[%scan3A_216, %get3A_518, %get3A_519] : memref<4x200x32xf32, #tpu.memory_space<vmem>> -> memref<1x200x32xf32, #tpu.memory_space<vmem>>
          %get3A_521 = tpu.memref_squeeze %get3A_520 : memref<1x200x32xf32, #tpu.memory_space<vmem>> -> memref<200x32xf32, #tpu.memory_space<vmem>>
          %get3A_522 = arith.index_cast %scan3A_502 : i32 to index
          %get3A_523 = arith.constant 16 : index
          %get3A_524 = tpu.vector_load %get3A_521[%get3A_522, %get3A_523] {strides = array<i32>} : memref<200x32xf32, #tpu.memory_space<vmem>>, vector<1x16xf32>,
          %get3A_525 = vector.shape_cast %get3A_524 : vector<1x16xf32> to vector<16xf32>
          %bitcast_convert_type3A_526 = tpu.bitcast %get3A_525 : vector<16xf32> -> vector<16xi32>
          %shift_left3A_527 = arith.constant 16 : i32
          %shift_left3A_528 = vector.broadcast %shift_left3A_527 : i32 to vector<16xi32>
          %shift_left3A_529 = arith.shli %bitcast_convert_type3A_526, %shift_left3A_528 : vector<16xi32>
          %bitcast_convert_type3A_530 = tpu.bitcast %shift_left3A_529 : vector<16xi32> -> vector<16xf32>
          %add3A_531 = arith.addf %add3A_499, %bitcast_convert_type3A_530 : vector<16xf32>
          %add3A_532 = arith.addf %add3A_500, %get3A_525 : vector<16xf32>
          %scan3A_533 = arith.constant 7 : i32
          %scan3A_534 = arith.addi %scan3A_309, %scan3A_533 : i32
          %get3A_535 = arith.constant 0 : i32
          %get3A_536 = arith.constant 0 : i32
          %get3A_537 = tpu.memref_slice %arg6[%scan3A_216, %get3A_535, %get3A_536] : memref<4x200x32xf32, #tpu.memory_space<vmem>> -> memref<1x200x32xf32, #tpu.memory_space<vmem>>
          %get3A_538 = tpu.memref_squeeze %get3A_537 : memref<1x200x32xf32, #tpu.memory_space<vmem>> -> memref<200x32xf32, #tpu.memory_space<vmem>>
          %get3A_539 = arith.index_cast %scan3A_534 : i32 to index
          %get3A_540 = arith.constant 0 : index
          %get3A_541 = tpu.vector_load %get3A_538[%get3A_539, %get3A_540] {strides = array<i32>} : memref<200x32xf32, #tpu.memory_space<vmem>>, vector<1x16xf32>,
          %get3A_542 = vector.shape_cast %get3A_541 : vector<1x16xf32> to vector<16xf32>
          %bitcast_convert_type3A_543 = tpu.bitcast %get3A_542 : vector<16xf32> -> vector<16xi32>
          %shift_left3A_544 = arith.constant 16 : i32
          %shift_left3A_545 = vector.broadcast %shift_left3A_544 : i32 to vector<16xi32>
          %shift_left3A_546 = arith.shli %bitcast_convert_type3A_543, %shift_left3A_545 : vector<16xi32>
          %bitcast_convert_type3A_547 = tpu.bitcast %shift_left3A_546 : vector<16xi32> -> vector<16xf32>
          %add3A_548 = arith.addf %add3A_516, %bitcast_convert_type3A_547 : vector<16xf32>
          %add3A_549 = arith.addf %add3A_517, %get3A_542 : vector<16xf32>
          %get3A_550 = arith.constant 0 : i32
          %get3A_551 = arith.constant 0 : i32
          %get3A_552 = tpu.memref_slice %arg6[%scan3A_216, %get3A_550, %get3A_551] : memref<4x200x32xf32, #tpu.memory_space<vmem>> -> memref<1x200x32xf32, #tpu.memory_space<vmem>>
          %get3A_553 = tpu.memref_squeeze %get3A_552 : memref<1x200x32xf32, #tpu.memory_space<vmem>> -> memref<200x32xf32, #tpu.memory_space<vmem>>
          %get3A_554 = arith.index_cast %scan3A_534 : i32 to index
          %get3A_555 = arith.constant 16 : index
          %get3A_556 = tpu.vector_load %get3A_553[%get3A_554, %get3A_555] {strides = array<i32>} : memref<200x32xf32, #tpu.memory_space<vmem>>, vector<1x16xf32>,
          %get3A_557 = vector.shape_cast %get3A_556 : vector<1x16xf32> to vector<16xf32>
          %bitcast_convert_type3A_558 = tpu.bitcast %get3A_557 : vector<16xf32> -> vector<16xi32>
          %shift_left3A_559 = arith.constant 16 : i32
          %shift_left3A_560 = vector.broadcast %shift_left3A_559 : i32 to vector<16xi32>
          %shift_left3A_561 = arith.shli %bitcast_convert_type3A_558, %shift_left3A_560 : vector<16xi32>
          %bitcast_convert_type3A_562 = tpu.bitcast %shift_left3A_561 : vector<16xi32> -> vector<16xf32>
          %add3A_563 = arith.addf %add3A_531, %bitcast_convert_type3A_562 : vector<16xf32>
          %add3A_564 = arith.addf %add3A_532, %get3A_557 : vector<16xf32>
          %scan3A_565 = arith.constant 8 : i32
          %scan3A_566 = arith.addi %scan3A_309, %scan3A_565 : i32
          %get3A_567 = arith.constant 0 : i32
          %get3A_568 = arith.constant 0 : i32
          %get3A_569 = tpu.memref_slice %arg6[%scan3A_216, %get3A_567, %get3A_568] : memref<4x200x32xf32, #tpu.memory_space<vmem>> -> memref<1x200x32xf32, #tpu.memory_space<vmem>>
          %get3A_570 = tpu.memref_squeeze %get3A_569 : memref<1x200x32xf32, #tpu.memory_space<vmem>> -> memref<200x32xf32, #tpu.memory_space<vmem>>
          %get3A_571 = arith.index_cast %scan3A_566 : i32 to index
          %get3A_572 = arith.constant 0 : index
          %get3A_573 = tpu.vector_load %get3A_570[%get3A_571, %get3A_572] {strides = array<i32>} : memref<200x32xf32, #tpu.memory_space<vmem>>, vector<1x16xf32>,
          %get3A_574 = vector.shape_cast %get3A_573 : vector<1x16xf32> to vector<16xf32>
          %bitcast_convert_type3A_575 = tpu.bitcast %get3A_574 : vector<16xf32> -> vector<16xi32>
          %shift_left3A_576 = arith.constant 16 : i32
          %shift_left3A_577 = vector.broadcast %shift_left3A_576 : i32 to vector<16xi32>
          %shift_left3A_578 = arith.shli %bitcast_convert_type3A_575, %shift_left3A_577 : vector<16xi32>
          %bitcast_convert_type3A_579 = tpu.bitcast %shift_left3A_578 : vector<16xi32> -> vector<16xf32>
          %add3A_580 = arith.addf %add3A_548, %bitcast_convert_type3A_579 : vector<16xf32>
          %add3A_581 = arith.addf %add3A_549, %get3A_574 : vector<16xf32>
          %get3A_582 = arith.constant 0 : i32
          %get3A_583 = arith.constant 0 : i32
          %get3A_584 = tpu.memref_slice %arg6[%scan3A_216, %get3A_582, %get3A_583] : memref<4x200x32xf32, #tpu.memory_space<vmem>> -> memref<1x200x32xf32, #tpu.memory_space<vmem>>
          %get3A_585 = tpu.memref_squeeze %get3A_584 : memref<1x200x32xf32, #tpu.memory_space<vmem>> -> memref<200x32xf32, #tpu.memory_space<vmem>>
          %get3A_586 = arith.index_cast %scan3A_566 : i32 to index
          %get3A_587 = arith.constant 16 : index
          %get3A_588 = tpu.vector_load %get3A_585[%get3A_586, %get3A_587] {strides = array<i32>} : memref<200x32xf32, #tpu.memory_space<vmem>>, vector<1x16xf32>,
          %get3A_589 = vector.shape_cast %get3A_588 : vector<1x16xf32> to vector<16xf32>
          %bitcast_convert_type3A_590 = tpu.bitcast %get3A_589 : vector<16xf32> -> vector<16xi32>
          %shift_left3A_591 = arith.constant 16 : i32
          %shift_left3A_592 = vector.broadcast %shift_left3A_591 : i32 to vector<16xi32>
          %shift_left3A_593 = arith.shli %bitcast_convert_type3A_590, %shift_left3A_592 : vector<16xi32>
          %bitcast_convert_type3A_594 = tpu.bitcast %shift_left3A_593 : vector<16xi32> -> vector<16xf32>
          %add3A_595 = arith.addf %add3A_563, %bitcast_convert_type3A_594 : vector<16xf32>
          %add3A_596 = arith.addf %add3A_564, %get3A_589 : vector<16xf32>
          %scan3A_597 = arith.constant 9 : i32
          %scan3A_598 = arith.addi %scan3A_309, %scan3A_597 : i32
          %get3A_599 = arith.constant 0 : i32
          %get3A_600 = arith.constant 0 : i32
          %get3A_601 = tpu.memref_slice %arg6[%scan3A_216, %get3A_599, %get3A_600] : memref<4x200x32xf32, #tpu.memory_space<vmem>> -> memref<1x200x32xf32, #tpu.memory_space<vmem>>
          %get3A_602 = tpu.memref_squeeze %get3A_601 : memref<1x200x32xf32, #tpu.memory_space<vmem>> -> memref<200x32xf32, #tpu.memory_space<vmem>>
          %get3A_603 = arith.index_cast %scan3A_598 : i32 to index
          %get3A_604 = arith.constant 0 : index
          %get3A_605 = tpu.vector_load %get3A_602[%get3A_603, %get3A_604] {strides = array<i32>} : memref<200x32xf32, #tpu.memory_space<vmem>>, vector<1x16xf32>,
          %get3A_606 = vector.shape_cast %get3A_605 : vector<1x16xf32> to vector<16xf32>
          %bitcast_convert_type3A_607 = tpu.bitcast %get3A_606 : vector<16xf32> -> vector<16xi32>
          %shift_left3A_608 = arith.constant 16 : i32
          %shift_left3A_609 = vector.broadcast %shift_left3A_608 : i32 to vector<16xi32>
          %shift_left3A_610 = arith.shli %bitcast_convert_type3A_607, %shift_left3A_609 : vector<16xi32>
          %bitcast_convert_type3A_611 = tpu.bitcast %shift_left3A_610 : vector<16xi32> -> vector<16xf32>
          %add3A_612 = arith.addf %add3A_580, %bitcast_convert_type3A_611 : vector<16xf32>
          %add3A_613 = arith.addf %add3A_581, %get3A_606 : vector<16xf32>
          %get3A_614 = arith.constant 0 : i32
          %get3A_615 = arith.constant 0 : i32
          %get3A_616 = tpu.memref_slice %arg6[%scan3A_216, %get3A_614, %get3A_615] : memref<4x200x32xf32, #tpu.memory_space<vmem>> -> memref<1x200x32xf32, #tpu.memory_space<vmem>>
          %get3A_617 = tpu.memref_squeeze %get3A_616 : memref<1x200x32xf32, #tpu.memory_space<vmem>> -> memref<200x32xf32, #tpu.memory_space<vmem>>
          %get3A_618 = arith.index_cast %scan3A_598 : i32 to index
          %get3A_619 = arith.constant 16 : index
          %get3A_620 = tpu.vector_load %get3A_617[%get3A_618, %get3A_619] {strides = array<i32>} : memref<200x32xf32, #tpu.memory_space<vmem>>, vector<1x16xf32>,
          %get3A_621 = vector.shape_cast %get3A_620 : vector<1x16xf32> to vector<16xf32>
          %bitcast_convert_type3A_622 = tpu.bitcast %get3A_621 : vector<16xf32> -> vector<16xi32>
          %shift_left3A_623 = arith.constant 16 : i32
          %shift_left3A_624 = vector.broadcast %shift_left3A_623 : i32 to vector<16xi32>
          %shift_left3A_625 = arith.shli %bitcast_convert_type3A_622, %shift_left3A_624 : vector<16xi32>
          %bitcast_convert_type3A_626 = tpu.bitcast %shift_left3A_625 : vector<16xi32> -> vector<16xf32>
          %add3A_627 = arith.addf %add3A_595, %bitcast_convert_type3A_626 : vector<16xf32>
          %add3A_628 = arith.addf %add3A_596, %get3A_621 : vector<16xf32>
          scf.yield %add3A_612, %add3A_627, %add3A_613, %add3A_628 : vector<16xf32>, vector<16xf32>, vector<16xf32>, vector<16xf32>
        }
        %scan3A_222 = arith.constant 200 : i32
        %swap3A_223 = arith.index_cast %add3A_207 : i32 to index
        %swap3A_224 = arith.constant 0 : index
        %swap3A_225 = tpu.vector_load %arg7[%swap3A_223, %swap3A_224] {strides = array<i32>} : memref<512x64xf32, #tpu.memory_space<vmem>>, vector<1x16xf32>,
        %swap3A_226 = vector.shape_cast %swap3A_225 : vector<1x16xf32> to vector<16xf32>
        %swap3A_227 = vector.shape_cast %scan3A_221#0 : vector<16xf32> to vector<1x16xf32>
        tpu.vector_store %arg7[%swap3A_223, %swap3A_224], %swap3A_227 {strides = array<i32>} : memref<512x64xf32, #tpu.memory_space<vmem>>, vector<1x16xf32>,
        %swap3A_228 = arith.index_cast %add3A_207 : i32 to index
        %swap3A_229 = arith.constant 16 : index
        %swap3A_230 = tpu.vector_load %arg7[%swap3A_228, %swap3A_229] {strides = array<i32>} : memref<512x64xf32, #tpu.memory_space<vmem>>, vector<1x16xf32>,
        %swap3A_231 = vector.shape_cast %swap3A_230 : vector<1x16xf32> to vector<16xf32>
        %swap3A_232 = vector.shape_cast %scan3A_221#1 : vector<16xf32> to vector<1x16xf32>
        tpu.vector_store %arg7[%swap3A_228, %swap3A_229], %swap3A_232 {strides = array<i32>} : memref<512x64xf32, #tpu.memory_space<vmem>>, vector<1x16xf32>,
        %swap3A_233 = arith.index_cast %add3A_207 : i32 to index
        %swap3A_234 = arith.constant 32 : index
        %swap3A_235 = tpu.vector_load %arg7[%swap3A_233, %swap3A_234] {strides = array<i32>} : memref<512x64xf32, #tpu.memory_space<vmem>>, vector<1x16xf32>,
        %swap3A_236 = vector.shape_cast %swap3A_235 : vector<1x16xf32> to vector<16xf32>
        %swap3A_237 = vector.shape_cast %scan3A_221#2 : vector<16xf32> to vector<1x16xf32>
        tpu.vector_store %arg7[%swap3A_233, %swap3A_234], %swap3A_237 {strides = array<i32>} : memref<512x64xf32, #tpu.memory_space<vmem>>, vector<1x16xf32>,
        %swap3A_238 = arith.index_cast %add3A_207 : i32 to index
        %swap3A_239 = arith.constant 48 : index
        %swap3A_240 = tpu.vector_load %arg7[%swap3A_238, %swap3A_239] {strides = array<i32>} : memref<512x64xf32, #tpu.memory_space<vmem>>, vector<1x16xf32>,
        %swap3A_241 = vector.shape_cast %swap3A_240 : vector<1x16xf32> to vector<16xf32>
        %swap3A_242 = vector.shape_cast %scan3A_221#3 : vector<16xf32> to vector<1x16xf32>
        tpu.vector_store %arg7[%swap3A_238, %swap3A_239], %swap3A_242 {strides = array<i32>} : memref<512x64xf32, #tpu.memory_space<vmem>>, vector<1x16xf32>,
        %add3A_243 = arith.constant 4 : i32
        %add3A_244 = arith.addi %add3A_192, %add3A_243 : i32
        %lt3A_245 = arith.constant 64 : i32
        %lt3A_246 = arith.cmpi slt, %add3A_244, %lt3A_245 : i32
        %convert_element_type3A_247 = arith.extui %lt3A_246 : i1 to i32
        %cond3A_248 = arith.constant 0 : i32
        %cond3A_249 = arith.cmpi ne, %convert_element_type3A_247, %cond3A_248 : i32
        scf.if %cond3A_249 {
          %dma_start3A_309 = arith.constant 2 : i32
          %dma_start3A_310 = arith.constant 0 : i32
          %dma_start3A_311 = arith.constant 0 : i32
          %dma_start3A_312 = tpu.memref_slice %arg6[%dma_start3A_309, %dma_start3A_310, %dma_start3A_311] : memref<4x200x32xf32, #tpu.memory_space<vmem>> -> memref<1x200x32xf32, #tpu.memory_space<vmem>>
          %dma_start3A_313 = tpu.memref_squeeze %dma_start3A_312 : memref<1x200x32xf32, #tpu.memory_space<vmem>> -> memref<200x32xf32, #tpu.memory_space<vmem>>
          %dma_start3A_314 = arith.constant 0 : i32
          %dma_start3A_315 = tpu.memref_slice %arg5[%add3A_244, %dma_start3A_314] : memref<64x256xi32, #tpu.memory_space<vmem>> -> memref<1x200xi32, #tpu.memory_space<vmem>>
          %dma_start3A_316 = tpu.memref_squeeze %dma_start3A_315 : memref<1x200xi32, #tpu.memory_space<vmem>> -> memref<200xi32, #tpu.memory_space<vmem>>
          %dma_start3A_317 = arith.constant 0 : i32
          %dma_start3A_318 = arith.constant 0 : i32
          %dma_start3A_319 = tpu.memref_slice %arg3[%dma_start3A_317, %dma_start3A_318] : memref<1007616x32xf32, #tpu.memory_space<hbm>> -> memref<1007616x32xf32, #tpu.memory_space<hbm>>
          tpu.enqueue_indirect_dma source(%dma_start3A_319 : memref<1007616x32xf32, #tpu.memory_space<hbm>>) target(%dma_start3A_313 : memref<200x32xf32, #tpu.memory_space<vmem>>) offsets(%dma_start3A_316 : memref<200xi32, #tpu.memory_space<vmem>>) semaphore(%arg10 : memref<!tpu.dma_semaphore, #tpu.memory_space<semaphore_mem>>)
        } else {
        }
        %add3A_250 = arith.constant 3 : i32
        %add3A_251 = arith.addi %add3A_78, %add3A_250 : i32
        %dma_wait3A_252 = arith.constant 0 : i32
        %dma_wait3A_253 = arith.constant 3 : i32
        %dma_wait3A_254 = arith.constant 0 : i32
        %dma_wait3A_255 = arith.constant 0 : i32
        %dma_wait3A_256 = tpu.memref_slice %arg6[%dma_wait3A_253, %dma_wait3A_254, %dma_wait3A_255] : memref<4x200x32xf32, #tpu.memory_space<vmem>> -> memref<1x200x32xf32, #tpu.memory_space<vmem>>
        %dma_wait3A_257 = tpu.memref_squeeze %dma_wait3A_256 : memref<1x200x32xf32, #tpu.memory_space<vmem>> -> memref<200x32xf32, #tpu.memory_space<vmem>>
        %dma_wait3A_258 = arith.constant 0 : i32
        %dma_wait3A_259 = tpu.memref_slice %arg5[%dma_wait3A_252, %dma_wait3A_258] : memref<64x256xi32, #tpu.memory_space<vmem>> -> memref<1x200xi32, #tpu.memory_space<vmem>>
        %dma_wait3A_260 = tpu.memref_squeeze %dma_wait3A_259 : memref<1x200xi32, #tpu.memory_space<vmem>> -> memref<200xi32, #tpu.memory_space<vmem>>
        %dma_wait3A_261 = arith.constant 0 : i32
        %dma_wait3A_262 = arith.constant 0 : i32
        %dma_wait3A_263 = tpu.memref_slice %arg3[%dma_wait3A_261, %dma_wait3A_262] : memref<1007616x32xf32, #tpu.memory_space<hbm>> -> memref<1007616x32xf32, #tpu.memory_space<hbm>>
        tpu.wait_indirect_dma semaphore(%arg11 : memref<!tpu.dma_semaphore, #tpu.memory_space<semaphore_mem>>) src(%dma_wait3A_263 : memref<1007616x32xf32, #tpu.memory_space<hbm>>) dst(%dma_wait3A_257 : memref<200x32xf32, #tpu.memory_space<vmem>>)
        %mul3A_264 = arith.constant 64 : i32
        %mul3A_265 = arith.muli %add3A_11, %mul3A_264 : i32
        %add3A_266 = arith.addi %mul3A_265, %add3A_251 : i32
        %broadcast_in_dim3A_267 = arith.constant 0.000000e+00 : f32
        %broadcast_in_dim3A_268 = vector.broadcast %broadcast_in_dim3A_267 : f32 to vector<16xf32>
        %broadcast_in_dim3A_269 = arith.constant 0.000000e+00 : f32
        %broadcast_in_dim3A_270 = vector.broadcast %broadcast_in_dim3A_269 : f32 to vector<16xf32>
        %broadcast_in_dim3A_271 = arith.constant 0.000000e+00 : f32
        %broadcast_in_dim3A_272 = vector.broadcast %broadcast_in_dim3A_271 : f32 to vector<16xf32>
        %broadcast_in_dim3A_273 = arith.constant 0.000000e+00 : f32
        %broadcast_in_dim3A_274 = vector.broadcast %broadcast_in_dim3A_273 : f32 to vector<16xf32>
        %scan3A_275 = arith.constant 3 : i32
        %scan3A_276 = arith.constant 0 : i32
        %scan3A_277 = arith.constant 200 : i32
        %scan3A_278 = arith.addi %scan3A_276, %scan3A_277 : i32
        %scan3A_279 = arith.constant 10 : i32
        %scan3A_280:4 = scf.for %scan3A_309 = %scan3A_276 to %scan3A_278 step %scan3A_279 iter_args(%scan3A_310 = %broadcast_in_dim3A_268, %scan3A_311 = %broadcast_in_dim3A_270, %scan3A_312 = %broadcast_in_dim3A_272, %scan3A_313 = %broadcast_in_dim3A_274) -> (vector<16xf32>, vector<16xf32>, vector<16xf32>, vector<16xf32>)  : i32 {
          %get3A = arith.constant 0 : i32
          %get3A_314 = arith.constant 0 : i32
          %get3A_315 = tpu.memref_slice %arg6[%scan3A_275, %get3A, %get3A_314] : memref<4x200x32xf32, #tpu.memory_space<vmem>> -> memref<1x200x32xf32, #tpu.memory_space<vmem>>
          %get3A_316 = tpu.memref_squeeze %get3A_315 : memref<1x200x32xf32, #tpu.memory_space<vmem>> -> memref<200x32xf32, #tpu.memory_space<vmem>>
          %get3A_317 = arith.index_cast %scan3A_309 : i32 to index
          %get3A_318 = arith.constant 0 : index
          %get3A_319 = tpu.vector_load %get3A_316[%get3A_317, %get3A_318] {strides = array<i32>} : memref<200x32xf32, #tpu.memory_space<vmem>>, vector<1x16xf32>,
          %get3A_320 = vector.shape_cast %get3A_319 : vector<1x16xf32> to vector<16xf32>
          %bitcast_convert_type3A = tpu.bitcast %get3A_320 : vector<16xf32> -> vector<16xi32>
          %shift_left3A = arith.constant 16 : i32
          %shift_left3A_321 = vector.broadcast %shift_left3A : i32 to vector<16xi32>
          %shift_left3A_322 = arith.shli %bitcast_convert_type3A, %shift_left3A_321 : vector<16xi32>
          %bitcast_convert_type3A_323 = tpu.bitcast %shift_left3A_322 : vector<16xi32> -> vector<16xf32>
          %add3A_324 = arith.addf %scan3A_310, %bitcast_convert_type3A_323 : vector<16xf32>
          %add3A_325 = arith.addf %scan3A_312, %get3A_320 : vector<16xf32>
          %get3A_326 = arith.constant 0 : i32
          %get3A_327 = arith.constant 0 : i32
          %get3A_328 = tpu.memref_slice %arg6[%scan3A_275, %get3A_326, %get3A_327] : memref<4x200x32xf32, #tpu.memory_space<vmem>> -> memref<1x200x32xf32, #tpu.memory_space<vmem>>
          %get3A_329 = tpu.memref_squeeze %get3A_328 : memref<1x200x32xf32, #tpu.memory_space<vmem>> -> memref<200x32xf32, #tpu.memory_space<vmem>>
          %get3A_330 = arith.index_cast %scan3A_309 : i32 to index
          %get3A_331 = arith.constant 16 : index
          %get3A_332 = tpu.vector_load %get3A_329[%get3A_330, %get3A_331] {strides = array<i32>} : memref<200x32xf32, #tpu.memory_space<vmem>>, vector<1x16xf32>,
          %get3A_333 = vector.shape_cast %get3A_332 : vector<1x16xf32> to vector<16xf32>
          %bitcast_convert_type3A_334 = tpu.bitcast %get3A_333 : vector<16xf32> -> vector<16xi32>
          %shift_left3A_335 = arith.constant 16 : i32
          %shift_left3A_336 = vector.broadcast %shift_left3A_335 : i32 to vector<16xi32>
          %shift_left3A_337 = arith.shli %bitcast_convert_type3A_334, %shift_left3A_336 : vector<16xi32>
          %bitcast_convert_type3A_338 = tpu.bitcast %shift_left3A_337 : vector<16xi32> -> vector<16xf32>
          %add3A_339 = arith.addf %scan3A_311, %bitcast_convert_type3A_338 : vector<16xf32>
          %add3A_340 = arith.addf %scan3A_313, %get3A_333 : vector<16xf32>
          %scan3A_341 = arith.constant 1 : i32
          %scan3A_342 = arith.addi %scan3A_309, %scan3A_341 : i32
          %get3A_343 = arith.constant 0 : i32
          %get3A_344 = arith.constant 0 : i32
          %get3A_345 = tpu.memref_slice %arg6[%scan3A_275, %get3A_343, %get3A_344] : memref<4x200x32xf32, #tpu.memory_space<vmem>> -> memref<1x200x32xf32, #tpu.memory_space<vmem>>
          %get3A_346 = tpu.memref_squeeze %get3A_345 : memref<1x200x32xf32, #tpu.memory_space<vmem>> -> memref<200x32xf32, #tpu.memory_space<vmem>>
          %get3A_347 = arith.index_cast %scan3A_342 : i32 to index
          %get3A_348 = arith.constant 0 : index
          %get3A_349 = tpu.vector_load %get3A_346[%get3A_347, %get3A_348] {strides = array<i32>} : memref<200x32xf32, #tpu.memory_space<vmem>>, vector<1x16xf32>,
          %get3A_350 = vector.shape_cast %get3A_349 : vector<1x16xf32> to vector<16xf32>
          %bitcast_convert_type3A_351 = tpu.bitcast %get3A_350 : vector<16xf32> -> vector<16xi32>
          %shift_left3A_352 = arith.constant 16 : i32
          %shift_left3A_353 = vector.broadcast %shift_left3A_352 : i32 to vector<16xi32>
          %shift_left3A_354 = arith.shli %bitcast_convert_type3A_351, %shift_left3A_353 : vector<16xi32>
          %bitcast_convert_type3A_355 = tpu.bitcast %shift_left3A_354 : vector<16xi32> -> vector<16xf32>
          %add3A_356 = arith.addf %add3A_324, %bitcast_convert_type3A_355 : vector<16xf32>
          %add3A_357 = arith.addf %add3A_325, %get3A_350 : vector<16xf32>
          %get3A_358 = arith.constant 0 : i32
          %get3A_359 = arith.constant 0 : i32
          %get3A_360 = tpu.memref_slice %arg6[%scan3A_275, %get3A_358, %get3A_359] : memref<4x200x32xf32, #tpu.memory_space<vmem>> -> memref<1x200x32xf32, #tpu.memory_space<vmem>>
          %get3A_361 = tpu.memref_squeeze %get3A_360 : memref<1x200x32xf32, #tpu.memory_space<vmem>> -> memref<200x32xf32, #tpu.memory_space<vmem>>
          %get3A_362 = arith.index_cast %scan3A_342 : i32 to index
          %get3A_363 = arith.constant 16 : index
          %get3A_364 = tpu.vector_load %get3A_361[%get3A_362, %get3A_363] {strides = array<i32>} : memref<200x32xf32, #tpu.memory_space<vmem>>, vector<1x16xf32>,
          %get3A_365 = vector.shape_cast %get3A_364 : vector<1x16xf32> to vector<16xf32>
          %bitcast_convert_type3A_366 = tpu.bitcast %get3A_365 : vector<16xf32> -> vector<16xi32>
          %shift_left3A_367 = arith.constant 16 : i32
          %shift_left3A_368 = vector.broadcast %shift_left3A_367 : i32 to vector<16xi32>
          %shift_left3A_369 = arith.shli %bitcast_convert_type3A_366, %shift_left3A_368 : vector<16xi32>
          %bitcast_convert_type3A_370 = tpu.bitcast %shift_left3A_369 : vector<16xi32> -> vector<16xf32>
          %add3A_371 = arith.addf %add3A_339, %bitcast_convert_type3A_370 : vector<16xf32>
          %add3A_372 = arith.addf %add3A_340, %get3A_365 : vector<16xf32>
          %scan3A_373 = arith.constant 2 : i32
          %scan3A_374 = arith.addi %scan3A_309, %scan3A_373 : i32
          %get3A_375 = arith.constant 0 : i32
          %get3A_376 = arith.constant 0 : i32
          %get3A_377 = tpu.memref_slice %arg6[%scan3A_275, %get3A_375, %get3A_376] : memref<4x200x32xf32, #tpu.memory_space<vmem>> -> memref<1x200x32xf32, #tpu.memory_space<vmem>>
          %get3A_378 = tpu.memref_squeeze %get3A_377 : memref<1x200x32xf32, #tpu.memory_space<vmem>> -> memref<200x32xf32, #tpu.memory_space<vmem>>
          %get3A_379 = arith.index_cast %scan3A_374 : i32 to index
          %get3A_380 = arith.constant 0 : index
          %get3A_381 = tpu.vector_load %get3A_378[%get3A_379, %get3A_380] {strides = array<i32>} : memref<200x32xf32, #tpu.memory_space<vmem>>, vector<1x16xf32>,
          %get3A_382 = vector.shape_cast %get3A_381 : vector<1x16xf32> to vector<16xf32>
          %bitcast_convert_type3A_383 = tpu.bitcast %get3A_382 : vector<16xf32> -> vector<16xi32>
          %shift_left3A_384 = arith.constant 16 : i32
          %shift_left3A_385 = vector.broadcast %shift_left3A_384 : i32 to vector<16xi32>
          %shift_left3A_386 = arith.shli %bitcast_convert_type3A_383, %shift_left3A_385 : vector<16xi32>
          %bitcast_convert_type3A_387 = tpu.bitcast %shift_left3A_386 : vector<16xi32> -> vector<16xf32>
          %add3A_388 = arith.addf %add3A_356, %bitcast_convert_type3A_387 : vector<16xf32>
          %add3A_389 = arith.addf %add3A_357, %get3A_382 : vector<16xf32>
          %get3A_390 = arith.constant 0 : i32
          %get3A_391 = arith.constant 0 : i32
          %get3A_392 = tpu.memref_slice %arg6[%scan3A_275, %get3A_390, %get3A_391] : memref<4x200x32xf32, #tpu.memory_space<vmem>> -> memref<1x200x32xf32, #tpu.memory_space<vmem>>
          %get3A_393 = tpu.memref_squeeze %get3A_392 : memref<1x200x32xf32, #tpu.memory_space<vmem>> -> memref<200x32xf32, #tpu.memory_space<vmem>>
          %get3A_394 = arith.index_cast %scan3A_374 : i32 to index
          %get3A_395 = arith.constant 16 : index
          %get3A_396 = tpu.vector_load %get3A_393[%get3A_394, %get3A_395] {strides = array<i32>} : memref<200x32xf32, #tpu.memory_space<vmem>>, vector<1x16xf32>,
          %get3A_397 = vector.shape_cast %get3A_396 : vector<1x16xf32> to vector<16xf32>
          %bitcast_convert_type3A_398 = tpu.bitcast %get3A_397 : vector<16xf32> -> vector<16xi32>
          %shift_left3A_399 = arith.constant 16 : i32
          %shift_left3A_400 = vector.broadcast %shift_left3A_399 : i32 to vector<16xi32>
          %shift_left3A_401 = arith.shli %bitcast_convert_type3A_398, %shift_left3A_400 : vector<16xi32>
          %bitcast_convert_type3A_402 = tpu.bitcast %shift_left3A_401 : vector<16xi32> -> vector<16xf32>
          %add3A_403 = arith.addf %add3A_371, %bitcast_convert_type3A_402 : vector<16xf32>
          %add3A_404 = arith.addf %add3A_372, %get3A_397 : vector<16xf32>
          %scan3A_405 = arith.constant 3 : i32
          %scan3A_406 = arith.addi %scan3A_309, %scan3A_405 : i32
          %get3A_407 = arith.constant 0 : i32
          %get3A_408 = arith.constant 0 : i32
          %get3A_409 = tpu.memref_slice %arg6[%scan3A_275, %get3A_407, %get3A_408] : memref<4x200x32xf32, #tpu.memory_space<vmem>> -> memref<1x200x32xf32, #tpu.memory_space<vmem>>
          %get3A_410 = tpu.memref_squeeze %get3A_409 : memref<1x200x32xf32, #tpu.memory_space<vmem>> -> memref<200x32xf32, #tpu.memory_space<vmem>>
          %get3A_411 = arith.index_cast %scan3A_406 : i32 to index
          %get3A_412 = arith.constant 0 : index
          %get3A_413 = tpu.vector_load %get3A_410[%get3A_411, %get3A_412] {strides = array<i32>} : memref<200x32xf32, #tpu.memory_space<vmem>>, vector<1x16xf32>,
          %get3A_414 = vector.shape_cast %get3A_413 : vector<1x16xf32> to vector<16xf32>
          %bitcast_convert_type3A_415 = tpu.bitcast %get3A_414 : vector<16xf32> -> vector<16xi32>
          %shift_left3A_416 = arith.constant 16 : i32
          %shift_left3A_417 = vector.broadcast %shift_left3A_416 : i32 to vector<16xi32>
          %shift_left3A_418 = arith.shli %bitcast_convert_type3A_415, %shift_left3A_417 : vector<16xi32>
          %bitcast_convert_type3A_419 = tpu.bitcast %shift_left3A_418 : vector<16xi32> -> vector<16xf32>
          %add3A_420 = arith.addf %add3A_388, %bitcast_convert_type3A_419 : vector<16xf32>
          %add3A_421 = arith.addf %add3A_389, %get3A_414 : vector<16xf32>
          %get3A_422 = arith.constant 0 : i32
          %get3A_423 = arith.constant 0 : i32
          %get3A_424 = tpu.memref_slice %arg6[%scan3A_275, %get3A_422, %get3A_423] : memref<4x200x32xf32, #tpu.memory_space<vmem>> -> memref<1x200x32xf32, #tpu.memory_space<vmem>>
          %get3A_425 = tpu.memref_squeeze %get3A_424 : memref<1x200x32xf32, #tpu.memory_space<vmem>> -> memref<200x32xf32, #tpu.memory_space<vmem>>
          %get3A_426 = arith.index_cast %scan3A_406 : i32 to index
          %get3A_427 = arith.constant 16 : index
          %get3A_428 = tpu.vector_load %get3A_425[%get3A_426, %get3A_427] {strides = array<i32>} : memref<200x32xf32, #tpu.memory_space<vmem>>, vector<1x16xf32>,
          %get3A_429 = vector.shape_cast %get3A_428 : vector<1x16xf32> to vector<16xf32>
          %bitcast_convert_type3A_430 = tpu.bitcast %get3A_429 : vector<16xf32> -> vector<16xi32>
          %shift_left3A_431 = arith.constant 16 : i32
          %shift_left3A_432 = vector.broadcast %shift_left3A_431 : i32 to vector<16xi32>
          %shift_left3A_433 = arith.shli %bitcast_convert_type3A_430, %shift_left3A_432 : vector<16xi32>
          %bitcast_convert_type3A_434 = tpu.bitcast %shift_left3A_433 : vector<16xi32> -> vector<16xf32>
          %add3A_435 = arith.addf %add3A_403, %bitcast_convert_type3A_434 : vector<16xf32>
          %add3A_436 = arith.addf %add3A_404, %get3A_429 : vector<16xf32>
          %scan3A_437 = arith.constant 4 : i32
          %scan3A_438 = arith.addi %scan3A_309, %scan3A_437 : i32
          %get3A_439 = arith.constant 0 : i32
          %get3A_440 = arith.constant 0 : i32
          %get3A_441 = tpu.memref_slice %arg6[%scan3A_275, %get3A_439, %get3A_440] : memref<4x200x32xf32, #tpu.memory_space<vmem>> -> memref<1x200x32xf32, #tpu.memory_space<vmem>>
          %get3A_442 = tpu.memref_squeeze %get3A_441 : memref<1x200x32xf32, #tpu.memory_space<vmem>> -> memref<200x32xf32, #tpu.memory_space<vmem>>
          %get3A_443 = arith.index_cast %scan3A_438 : i32 to index
          %get3A_444 = arith.constant 0 : index
          %get3A_445 = tpu.vector_load %get3A_442[%get3A_443, %get3A_444] {strides = array<i32>} : memref<200x32xf32, #tpu.memory_space<vmem>>, vector<1x16xf32>,
          %get3A_446 = vector.shape_cast %get3A_445 : vector<1x16xf32> to vector<16xf32>
          %bitcast_convert_type3A_447 = tpu.bitcast %get3A_446 : vector<16xf32> -> vector<16xi32>
          %shift_left3A_448 = arith.constant 16 : i32
          %shift_left3A_449 = vector.broadcast %shift_left3A_448 : i32 to vector<16xi32>
          %shift_left3A_450 = arith.shli %bitcast_convert_type3A_447, %shift_left3A_449 : vector<16xi32>
          %bitcast_convert_type3A_451 = tpu.bitcast %shift_left3A_450 : vector<16xi32> -> vector<16xf32>
          %add3A_452 = arith.addf %add3A_420, %bitcast_convert_type3A_451 : vector<16xf32>
          %add3A_453 = arith.addf %add3A_421, %get3A_446 : vector<16xf32>
          %get3A_454 = arith.constant 0 : i32
          %get3A_455 = arith.constant 0 : i32
          %get3A_456 = tpu.memref_slice %arg6[%scan3A_275, %get3A_454, %get3A_455] : memref<4x200x32xf32, #tpu.memory_space<vmem>> -> memref<1x200x32xf32, #tpu.memory_space<vmem>>
          %get3A_457 = tpu.memref_squeeze %get3A_456 : memref<1x200x32xf32, #tpu.memory_space<vmem>> -> memref<200x32xf32, #tpu.memory_space<vmem>>
          %get3A_458 = arith.index_cast %scan3A_438 : i32 to index
          %get3A_459 = arith.constant 16 : index
          %get3A_460 = tpu.vector_load %get3A_457[%get3A_458, %get3A_459] {strides = array<i32>} : memref<200x32xf32, #tpu.memory_space<vmem>>, vector<1x16xf32>,
          %get3A_461 = vector.shape_cast %get3A_460 : vector<1x16xf32> to vector<16xf32>
          %bitcast_convert_type3A_462 = tpu.bitcast %get3A_461 : vector<16xf32> -> vector<16xi32>
          %shift_left3A_463 = arith.constant 16 : i32
          %shift_left3A_464 = vector.broadcast %shift_left3A_463 : i32 to vector<16xi32>
          %shift_left3A_465 = arith.shli %bitcast_convert_type3A_462, %shift_left3A_464 : vector<16xi32>
          %bitcast_convert_type3A_466 = tpu.bitcast %shift_left3A_465 : vector<16xi32> -> vector<16xf32>
          %add3A_467 = arith.addf %add3A_435, %bitcast_convert_type3A_466 : vector<16xf32>
          %add3A_468 = arith.addf %add3A_436, %get3A_461 : vector<16xf32>
          %scan3A_469 = arith.constant 5 : i32
          %scan3A_470 = arith.addi %scan3A_309, %scan3A_469 : i32
          %get3A_471 = arith.constant 0 : i32
          %get3A_472 = arith.constant 0 : i32
          %get3A_473 = tpu.memref_slice %arg6[%scan3A_275, %get3A_471, %get3A_472] : memref<4x200x32xf32, #tpu.memory_space<vmem>> -> memref<1x200x32xf32, #tpu.memory_space<vmem>>
          %get3A_474 = tpu.memref_squeeze %get3A_473 : memref<1x200x32xf32, #tpu.memory_space<vmem>> -> memref<200x32xf32, #tpu.memory_space<vmem>>
          %get3A_475 = arith.index_cast %scan3A_470 : i32 to index
          %get3A_476 = arith.constant 0 : index
          %get3A_477 = tpu.vector_load %get3A_474[%get3A_475, %get3A_476] {strides = array<i32>} : memref<200x32xf32, #tpu.memory_space<vmem>>, vector<1x16xf32>,
          %get3A_478 = vector.shape_cast %get3A_477 : vector<1x16xf32> to vector<16xf32>
          %bitcast_convert_type3A_479 = tpu.bitcast %get3A_478 : vector<16xf32> -> vector<16xi32>
          %shift_left3A_480 = arith.constant 16 : i32
          %shift_left3A_481 = vector.broadcast %shift_left3A_480 : i32 to vector<16xi32>
          %shift_left3A_482 = arith.shli %bitcast_convert_type3A_479, %shift_left3A_481 : vector<16xi32>
          %bitcast_convert_type3A_483 = tpu.bitcast %shift_left3A_482 : vector<16xi32> -> vector<16xf32>
          %add3A_484 = arith.addf %add3A_452, %bitcast_convert_type3A_483 : vector<16xf32>
          %add3A_485 = arith.addf %add3A_453, %get3A_478 : vector<16xf32>
          %get3A_486 = arith.constant 0 : i32
          %get3A_487 = arith.constant 0 : i32
          %get3A_488 = tpu.memref_slice %arg6[%scan3A_275, %get3A_486, %get3A_487] : memref<4x200x32xf32, #tpu.memory_space<vmem>> -> memref<1x200x32xf32, #tpu.memory_space<vmem>>
          %get3A_489 = tpu.memref_squeeze %get3A_488 : memref<1x200x32xf32, #tpu.memory_space<vmem>> -> memref<200x32xf32, #tpu.memory_space<vmem>>
          %get3A_490 = arith.index_cast %scan3A_470 : i32 to index
          %get3A_491 = arith.constant 16 : index
          %get3A_492 = tpu.vector_load %get3A_489[%get3A_490, %get3A_491] {strides = array<i32>} : memref<200x32xf32, #tpu.memory_space<vmem>>, vector<1x16xf32>,
          %get3A_493 = vector.shape_cast %get3A_492 : vector<1x16xf32> to vector<16xf32>
          %bitcast_convert_type3A_494 = tpu.bitcast %get3A_493 : vector<16xf32> -> vector<16xi32>
          %shift_left3A_495 = arith.constant 16 : i32
          %shift_left3A_496 = vector.broadcast %shift_left3A_495 : i32 to vector<16xi32>
          %shift_left3A_497 = arith.shli %bitcast_convert_type3A_494, %shift_left3A_496 : vector<16xi32>
          %bitcast_convert_type3A_498 = tpu.bitcast %shift_left3A_497 : vector<16xi32> -> vector<16xf32>
          %add3A_499 = arith.addf %add3A_467, %bitcast_convert_type3A_498 : vector<16xf32>
          %add3A_500 = arith.addf %add3A_468, %get3A_493 : vector<16xf32>
          %scan3A_501 = arith.constant 6 : i32
          %scan3A_502 = arith.addi %scan3A_309, %scan3A_501 : i32
          %get3A_503 = arith.constant 0 : i32
          %get3A_504 = arith.constant 0 : i32
          %get3A_505 = tpu.memref_slice %arg6[%scan3A_275, %get3A_503, %get3A_504] : memref<4x200x32xf32, #tpu.memory_space<vmem>> -> memref<1x200x32xf32, #tpu.memory_space<vmem>>
          %get3A_506 = tpu.memref_squeeze %get3A_505 : memref<1x200x32xf32, #tpu.memory_space<vmem>> -> memref<200x32xf32, #tpu.memory_space<vmem>>
          %get3A_507 = arith.index_cast %scan3A_502 : i32 to index
          %get3A_508 = arith.constant 0 : index
          %get3A_509 = tpu.vector_load %get3A_506[%get3A_507, %get3A_508] {strides = array<i32>} : memref<200x32xf32, #tpu.memory_space<vmem>>, vector<1x16xf32>,
          %get3A_510 = vector.shape_cast %get3A_509 : vector<1x16xf32> to vector<16xf32>
          %bitcast_convert_type3A_511 = tpu.bitcast %get3A_510 : vector<16xf32> -> vector<16xi32>
          %shift_left3A_512 = arith.constant 16 : i32
          %shift_left3A_513 = vector.broadcast %shift_left3A_512 : i32 to vector<16xi32>
          %shift_left3A_514 = arith.shli %bitcast_convert_type3A_511, %shift_left3A_513 : vector<16xi32>
          %bitcast_convert_type3A_515 = tpu.bitcast %shift_left3A_514 : vector<16xi32> -> vector<16xf32>
          %add3A_516 = arith.addf %add3A_484, %bitcast_convert_type3A_515 : vector<16xf32>
          %add3A_517 = arith.addf %add3A_485, %get3A_510 : vector<16xf32>
          %get3A_518 = arith.constant 0 : i32
          %get3A_519 = arith.constant 0 : i32
          %get3A_520 = tpu.memref_slice %arg6[%scan3A_275, %get3A_518, %get3A_519] : memref<4x200x32xf32, #tpu.memory_space<vmem>> -> memref<1x200x32xf32, #tpu.memory_space<vmem>>
          %get3A_521 = tpu.memref_squeeze %get3A_520 : memref<1x200x32xf32, #tpu.memory_space<vmem>> -> memref<200x32xf32, #tpu.memory_space<vmem>>
          %get3A_522 = arith.index_cast %scan3A_502 : i32 to index
          %get3A_523 = arith.constant 16 : index
          %get3A_524 = tpu.vector_load %get3A_521[%get3A_522, %get3A_523] {strides = array<i32>} : memref<200x32xf32, #tpu.memory_space<vmem>>, vector<1x16xf32>,
          %get3A_525 = vector.shape_cast %get3A_524 : vector<1x16xf32> to vector<16xf32>
          %bitcast_convert_type3A_526 = tpu.bitcast %get3A_525 : vector<16xf32> -> vector<16xi32>
          %shift_left3A_527 = arith.constant 16 : i32
          %shift_left3A_528 = vector.broadcast %shift_left3A_527 : i32 to vector<16xi32>
          %shift_left3A_529 = arith.shli %bitcast_convert_type3A_526, %shift_left3A_528 : vector<16xi32>
          %bitcast_convert_type3A_530 = tpu.bitcast %shift_left3A_529 : vector<16xi32> -> vector<16xf32>
          %add3A_531 = arith.addf %add3A_499, %bitcast_convert_type3A_530 : vector<16xf32>
          %add3A_532 = arith.addf %add3A_500, %get3A_525 : vector<16xf32>
          %scan3A_533 = arith.constant 7 : i32
          %scan3A_534 = arith.addi %scan3A_309, %scan3A_533 : i32
          %get3A_535 = arith.constant 0 : i32
          %get3A_536 = arith.constant 0 : i32
          %get3A_537 = tpu.memref_slice %arg6[%scan3A_275, %get3A_535, %get3A_536] : memref<4x200x32xf32, #tpu.memory_space<vmem>> -> memref<1x200x32xf32, #tpu.memory_space<vmem>>
          %get3A_538 = tpu.memref_squeeze %get3A_537 : memref<1x200x32xf32, #tpu.memory_space<vmem>> -> memref<200x32xf32, #tpu.memory_space<vmem>>
          %get3A_539 = arith.index_cast %scan3A_534 : i32 to index
          %get3A_540 = arith.constant 0 : index
          %get3A_541 = tpu.vector_load %get3A_538[%get3A_539, %get3A_540] {strides = array<i32>} : memref<200x32xf32, #tpu.memory_space<vmem>>, vector<1x16xf32>,
          %get3A_542 = vector.shape_cast %get3A_541 : vector<1x16xf32> to vector<16xf32>
          %bitcast_convert_type3A_543 = tpu.bitcast %get3A_542 : vector<16xf32> -> vector<16xi32>
          %shift_left3A_544 = arith.constant 16 : i32
          %shift_left3A_545 = vector.broadcast %shift_left3A_544 : i32 to vector<16xi32>
          %shift_left3A_546 = arith.shli %bitcast_convert_type3A_543, %shift_left3A_545 : vector<16xi32>
          %bitcast_convert_type3A_547 = tpu.bitcast %shift_left3A_546 : vector<16xi32> -> vector<16xf32>
          %add3A_548 = arith.addf %add3A_516, %bitcast_convert_type3A_547 : vector<16xf32>
          %add3A_549 = arith.addf %add3A_517, %get3A_542 : vector<16xf32>
          %get3A_550 = arith.constant 0 : i32
          %get3A_551 = arith.constant 0 : i32
          %get3A_552 = tpu.memref_slice %arg6[%scan3A_275, %get3A_550, %get3A_551] : memref<4x200x32xf32, #tpu.memory_space<vmem>> -> memref<1x200x32xf32, #tpu.memory_space<vmem>>
          %get3A_553 = tpu.memref_squeeze %get3A_552 : memref<1x200x32xf32, #tpu.memory_space<vmem>> -> memref<200x32xf32, #tpu.memory_space<vmem>>
          %get3A_554 = arith.index_cast %scan3A_534 : i32 to index
          %get3A_555 = arith.constant 16 : index
          %get3A_556 = tpu.vector_load %get3A_553[%get3A_554, %get3A_555] {strides = array<i32>} : memref<200x32xf32, #tpu.memory_space<vmem>>, vector<1x16xf32>,
          %get3A_557 = vector.shape_cast %get3A_556 : vector<1x16xf32> to vector<16xf32>
          %bitcast_convert_type3A_558 = tpu.bitcast %get3A_557 : vector<16xf32> -> vector<16xi32>
          %shift_left3A_559 = arith.constant 16 : i32
          %shift_left3A_560 = vector.broadcast %shift_left3A_559 : i32 to vector<16xi32>
          %shift_left3A_561 = arith.shli %bitcast_convert_type3A_558, %shift_left3A_560 : vector<16xi32>
          %bitcast_convert_type3A_562 = tpu.bitcast %shift_left3A_561 : vector<16xi32> -> vector<16xf32>
          %add3A_563 = arith.addf %add3A_531, %bitcast_convert_type3A_562 : vector<16xf32>
          %add3A_564 = arith.addf %add3A_532, %get3A_557 : vector<16xf32>
          %scan3A_565 = arith.constant 8 : i32
          %scan3A_566 = arith.addi %scan3A_309, %scan3A_565 : i32
          %get3A_567 = arith.constant 0 : i32
          %get3A_568 = arith.constant 0 : i32
          %get3A_569 = tpu.memref_slice %arg6[%scan3A_275, %get3A_567, %get3A_568] : memref<4x200x32xf32, #tpu.memory_space<vmem>> -> memref<1x200x32xf32, #tpu.memory_space<vmem>>
          %get3A_570 = tpu.memref_squeeze %get3A_569 : memref<1x200x32xf32, #tpu.memory_space<vmem>> -> memref<200x32xf32, #tpu.memory_space<vmem>>
          %get3A_571 = arith.index_cast %scan3A_566 : i32 to index
          %get3A_572 = arith.constant 0 : index
          %get3A_573 = tpu.vector_load %get3A_570[%get3A_571, %get3A_572] {strides = array<i32>} : memref<200x32xf32, #tpu.memory_space<vmem>>, vector<1x16xf32>,
          %get3A_574 = vector.shape_cast %get3A_573 : vector<1x16xf32> to vector<16xf32>
          %bitcast_convert_type3A_575 = tpu.bitcast %get3A_574 : vector<16xf32> -> vector<16xi32>
          %shift_left3A_576 = arith.constant 16 : i32
          %shift_left3A_577 = vector.broadcast %shift_left3A_576 : i32 to vector<16xi32>
          %shift_left3A_578 = arith.shli %bitcast_convert_type3A_575, %shift_left3A_577 : vector<16xi32>
          %bitcast_convert_type3A_579 = tpu.bitcast %shift_left3A_578 : vector<16xi32> -> vector<16xf32>
          %add3A_580 = arith.addf %add3A_548, %bitcast_convert_type3A_579 : vector<16xf32>
          %add3A_581 = arith.addf %add3A_549, %get3A_574 : vector<16xf32>
          %get3A_582 = arith.constant 0 : i32
          %get3A_583 = arith.constant 0 : i32
          %get3A_584 = tpu.memref_slice %arg6[%scan3A_275, %get3A_582, %get3A_583] : memref<4x200x32xf32, #tpu.memory_space<vmem>> -> memref<1x200x32xf32, #tpu.memory_space<vmem>>
          %get3A_585 = tpu.memref_squeeze %get3A_584 : memref<1x200x32xf32, #tpu.memory_space<vmem>> -> memref<200x32xf32, #tpu.memory_space<vmem>>
          %get3A_586 = arith.index_cast %scan3A_566 : i32 to index
          %get3A_587 = arith.constant 16 : index
          %get3A_588 = tpu.vector_load %get3A_585[%get3A_586, %get3A_587] {strides = array<i32>} : memref<200x32xf32, #tpu.memory_space<vmem>>, vector<1x16xf32>,
          %get3A_589 = vector.shape_cast %get3A_588 : vector<1x16xf32> to vector<16xf32>
          %bitcast_convert_type3A_590 = tpu.bitcast %get3A_589 : vector<16xf32> -> vector<16xi32>
          %shift_left3A_591 = arith.constant 16 : i32
          %shift_left3A_592 = vector.broadcast %shift_left3A_591 : i32 to vector<16xi32>
          %shift_left3A_593 = arith.shli %bitcast_convert_type3A_590, %shift_left3A_592 : vector<16xi32>
          %bitcast_convert_type3A_594 = tpu.bitcast %shift_left3A_593 : vector<16xi32> -> vector<16xf32>
          %add3A_595 = arith.addf %add3A_563, %bitcast_convert_type3A_594 : vector<16xf32>
          %add3A_596 = arith.addf %add3A_564, %get3A_589 : vector<16xf32>
          %scan3A_597 = arith.constant 9 : i32
          %scan3A_598 = arith.addi %scan3A_309, %scan3A_597 : i32
          %get3A_599 = arith.constant 0 : i32
          %get3A_600 = arith.constant 0 : i32
          %get3A_601 = tpu.memref_slice %arg6[%scan3A_275, %get3A_599, %get3A_600] : memref<4x200x32xf32, #tpu.memory_space<vmem>> -> memref<1x200x32xf32, #tpu.memory_space<vmem>>
          %get3A_602 = tpu.memref_squeeze %get3A_601 : memref<1x200x32xf32, #tpu.memory_space<vmem>> -> memref<200x32xf32, #tpu.memory_space<vmem>>
          %get3A_603 = arith.index_cast %scan3A_598 : i32 to index
          %get3A_604 = arith.constant 0 : index
          %get3A_605 = tpu.vector_load %get3A_602[%get3A_603, %get3A_604] {strides = array<i32>} : memref<200x32xf32, #tpu.memory_space<vmem>>, vector<1x16xf32>,
          %get3A_606 = vector.shape_cast %get3A_605 : vector<1x16xf32> to vector<16xf32>
          %bitcast_convert_type3A_607 = tpu.bitcast %get3A_606 : vector<16xf32> -> vector<16xi32>
          %shift_left3A_608 = arith.constant 16 : i32
          %shift_left3A_609 = vector.broadcast %shift_left3A_608 : i32 to vector<16xi32>
          %shift_left3A_610 = arith.shli %bitcast_convert_type3A_607, %shift_left3A_609 : vector<16xi32>
          %bitcast_convert_type3A_611 = tpu.bitcast %shift_left3A_610 : vector<16xi32> -> vector<16xf32>
          %add3A_612 = arith.addf %add3A_580, %bitcast_convert_type3A_611 : vector<16xf32>
          %add3A_613 = arith.addf %add3A_581, %get3A_606 : vector<16xf32>
          %get3A_614 = arith.constant 0 : i32
          %get3A_615 = arith.constant 0 : i32
          %get3A_616 = tpu.memref_slice %arg6[%scan3A_275, %get3A_614, %get3A_615] : memref<4x200x32xf32, #tpu.memory_space<vmem>> -> memref<1x200x32xf32, #tpu.memory_space<vmem>>
          %get3A_617 = tpu.memref_squeeze %get3A_616 : memref<1x200x32xf32, #tpu.memory_space<vmem>> -> memref<200x32xf32, #tpu.memory_space<vmem>>
          %get3A_618 = arith.index_cast %scan3A_598 : i32 to index
          %get3A_619 = arith.constant 16 : index
          %get3A_620 = tpu.vector_load %get3A_617[%get3A_618, %get3A_619] {strides = array<i32>} : memref<200x32xf32, #tpu.memory_space<vmem>>, vector<1x16xf32>,
          %get3A_621 = vector.shape_cast %get3A_620 : vector<1x16xf32> to vector<16xf32>
          %bitcast_convert_type3A_622 = tpu.bitcast %get3A_621 : vector<16xf32> -> vector<16xi32>
          %shift_left3A_623 = arith.constant 16 : i32
          %shift_left3A_624 = vector.broadcast %shift_left3A_623 : i32 to vector<16xi32>
          %shift_left3A_625 = arith.shli %bitcast_convert_type3A_622, %shift_left3A_624 : vector<16xi32>
          %bitcast_convert_type3A_626 = tpu.bitcast %shift_left3A_625 : vector<16xi32> -> vector<16xf32>
          %add3A_627 = arith.addf %add3A_595, %bitcast_convert_type3A_626 : vector<16xf32>
          %add3A_628 = arith.addf %add3A_596, %get3A_621 : vector<16xf32>
          scf.yield %add3A_612, %add3A_627, %add3A_613, %add3A_628 : vector<16xf32>, vector<16xf32>, vector<16xf32>, vector<16xf32>
        }
        %scan3A_281 = arith.constant 200 : i32
        %swap3A_282 = arith.index_cast %add3A_266 : i32 to index
        %swap3A_283 = arith.constant 0 : index
        %swap3A_284 = tpu.vector_load %arg7[%swap3A_282, %swap3A_283] {strides = array<i32>} : memref<512x64xf32, #tpu.memory_space<vmem>>, vector<1x16xf32>,
        %swap3A_285 = vector.shape_cast %swap3A_284 : vector<1x16xf32> to vector<16xf32>
        %swap3A_286 = vector.shape_cast %scan3A_280#0 : vector<16xf32> to vector<1x16xf32>
        tpu.vector_store %arg7[%swap3A_282, %swap3A_283], %swap3A_286 {strides = array<i32>} : memref<512x64xf32, #tpu.memory_space<vmem>>, vector<1x16xf32>,
        %swap3A_287 = arith.index_cast %add3A_266 : i32 to index
        %swap3A_288 = arith.constant 16 : index
        %swap3A_289 = tpu.vector_load %arg7[%swap3A_287, %swap3A_288] {strides = array<i32>} : memref<512x64xf32, #tpu.memory_space<vmem>>, vector<1x16xf32>,
        %swap3A_290 = vector.shape_cast %swap3A_289 : vector<1x16xf32> to vector<16xf32>
        %swap3A_291 = vector.shape_cast %scan3A_280#1 : vector<16xf32> to vector<1x16xf32>
        tpu.vector_store %arg7[%swap3A_287, %swap3A_288], %swap3A_291 {strides = array<i32>} : memref<512x64xf32, #tpu.memory_space<vmem>>, vector<1x16xf32>,
        %swap3A_292 = arith.index_cast %add3A_266 : i32 to index
        %swap3A_293 = arith.constant 32 : index
        %swap3A_294 = tpu.vector_load %arg7[%swap3A_292, %swap3A_293] {strides = array<i32>} : memref<512x64xf32, #tpu.memory_space<vmem>>, vector<1x16xf32>,
        %swap3A_295 = vector.shape_cast %swap3A_294 : vector<1x16xf32> to vector<16xf32>
        %swap3A_296 = vector.shape_cast %scan3A_280#2 : vector<16xf32> to vector<1x16xf32>
        tpu.vector_store %arg7[%swap3A_292, %swap3A_293], %swap3A_296 {strides = array<i32>} : memref<512x64xf32, #tpu.memory_space<vmem>>, vector<1x16xf32>,
        %swap3A_297 = arith.index_cast %add3A_266 : i32 to index
        %swap3A_298 = arith.constant 48 : index
        %swap3A_299 = tpu.vector_load %arg7[%swap3A_297, %swap3A_298] {strides = array<i32>} : memref<512x64xf32, #tpu.memory_space<vmem>>, vector<1x16xf32>,
        %swap3A_300 = vector.shape_cast %swap3A_299 : vector<1x16xf32> to vector<16xf32>
        %swap3A_301 = vector.shape_cast %scan3A_280#3 : vector<16xf32> to vector<1x16xf32>
        tpu.vector_store %arg7[%swap3A_297, %swap3A_298], %swap3A_301 {strides = array<i32>} : memref<512x64xf32, #tpu.memory_space<vmem>>, vector<1x16xf32>,
        %add3A_302 = arith.constant 4 : i32
        %add3A_303 = arith.addi %add3A_251, %add3A_302 : i32
        %lt3A_304 = arith.constant 64 : i32
        %lt3A_305 = arith.cmpi slt, %add3A_303, %lt3A_304 : i32
        %convert_element_type3A_306 = arith.extui %lt3A_305 : i1 to i32
        %cond3A_307 = arith.constant 0 : i32
        %cond3A_308 = arith.cmpi ne, %convert_element_type3A_306, %cond3A_307 : i32
        scf.if %cond3A_308 {
          %dma_start3A_309 = arith.constant 3 : i32
          %dma_start3A_310 = arith.constant 0 : i32
          %dma_start3A_311 = arith.constant 0 : i32
          %dma_start3A_312 = tpu.memref_slice %arg6[%dma_start3A_309, %dma_start3A_310, %dma_start3A_311] : memref<4x200x32xf32, #tpu.memory_space<vmem>> -> memref<1x200x32xf32, #tpu.memory_space<vmem>>
          %dma_start3A_313 = tpu.memref_squeeze %dma_start3A_312 : memref<1x200x32xf32, #tpu.memory_space<vmem>> -> memref<200x32xf32, #tpu.memory_space<vmem>>
          %dma_start3A_314 = arith.constant 0 : i32
          %dma_start3A_315 = tpu.memref_slice %arg5[%add3A_303, %dma_start3A_314] : memref<64x256xi32, #tpu.memory_space<vmem>> -> memref<1x200xi32, #tpu.memory_space<vmem>>
          %dma_start3A_316 = tpu.memref_squeeze %dma_start3A_315 : memref<1x200xi32, #tpu.memory_space<vmem>> -> memref<200xi32, #tpu.memory_space<vmem>>
          %dma_start3A_317 = arith.constant 0 : i32
          %dma_start3A_318 = arith.constant 0 : i32
          %dma_start3A_319 = tpu.memref_slice %arg3[%dma_start3A_317, %dma_start3A_318] : memref<1007616x32xf32, #tpu.memory_space<hbm>> -> memref<1007616x32xf32, #tpu.memory_space<hbm>>
          tpu.enqueue_indirect_dma source(%dma_start3A_319 : memref<1007616x32xf32, #tpu.memory_space<hbm>>) target(%dma_start3A_313 : memref<200x32xf32, #tpu.memory_space<vmem>>) offsets(%dma_start3A_316 : memref<200xi32, #tpu.memory_space<vmem>>) semaphore(%arg11 : memref<!tpu.dma_semaphore, #tpu.memory_space<semaphore_mem>>)
        } else {
        }
      }
      %scan3A_73 = arith.constant 16 : i32
    }
    %scan3A_4 = arith.constant 8 : i32
    %mul3A_5 = arith.constant 512 : i32
    %mul3A_6 = arith.muli %add3A, %mul3A_5 : i32
    "tpu.region"() ({
      %run_scoped3A = tpu.sem_alloc : memref<!tpu.dma_semaphore, #tpu.memory_space<semaphore_mem>>
      %dma_start3A = arith.constant 0 : i32
      %dma_start3A_7 = tpu.memref_slice %arg4[%mul3A_6, %dma_start3A] : memref<16384x64xf32, #tpu.memory_space<hbm>> -> memref<512x64xf32, #tpu.memory_space<hbm>>
      %dma_start3A_8 = arith.constant 0 : i32
      %dma_start3A_9 = tpu.memref_slice %arg4[%mul3A_6, %dma_start3A_8] : memref<16384x64xf32, #tpu.memory_space<hbm>> -> memref<512x64xf32, #tpu.memory_space<hbm>>
      tpu.enqueue_dma source(%arg7 : memref<512x64xf32, #tpu.memory_space<vmem>>) target(%dma_start3A_9 : memref<512x64xf32, #tpu.memory_space<hbm>>) target_semaphore(%run_scoped3A : memref<!tpu.dma_semaphore, #tpu.memory_space<semaphore_mem>>)
      %dma_wait3A = arith.constant 0 : i32
      %dma_wait3A_10 = tpu.memref_slice %arg4[%mul3A_6, %dma_wait3A] : memref<16384x64xf32, #tpu.memory_space<hbm>> -> memref<512x64xf32, #tpu.memory_space<hbm>>
      %dma_wait3A_11 = arith.constant 0 : i32
      %dma_wait3A_12 = tpu.memref_slice %arg4[%mul3A_6, %dma_wait3A_11] : memref<16384x64xf32, #tpu.memory_space<hbm>> -> memref<512x64xf32, #tpu.memory_space<hbm>>
      tpu.wait_dma2 semaphore(%run_scoped3A : memref<!tpu.dma_semaphore, #tpu.memory_space<semaphore_mem>>) src(%arg7 : memref<512x64xf32, #tpu.memory_space<vmem>>) dst(%dma_wait3A_12 : memref<512x64xf32, #tpu.memory_space<hbm>>)
      tpu.yield
    }) : () -> ()
    return
  }
}

module attributes {stable_mosaic.version = 14 : i64} {
  func.func @_linearize_body(%arg0: i32, %arg1: memref<64x8192xf32, #tpu.memory_space<vmem>>, %arg2: memref<2048x128xf32, #tpu.memory_space<vmem>>) attributes {dimension_semantics = [#tpu.dimension_semantics<arbitrary>], iteration_bounds = array<i64: 123>, scalar_prefetch = 0 : i64, scratch_operands = 0 : i64, tpu.core_type = #tpu.core_type<tc>, window_params = [{transform_indices = @transform_0, window_bounds = array<i64: 64, 8192>}, {transform_indices = @transform_1, window_bounds = array<i64: 2048, 128>}]} {
    %get3A = arith.constant 0 : index
    %get3A_0 = arith.constant 0 : index
    %get3A_1 = vector.load %arg1[%get3A, %get3A_0] : memref<64x8192xf32, #tpu.memory_space<vmem>>, vector<64x8192xf32>
    %bitcast_convert_type3A = tpu.bitcast %get3A_1 : vector<64x8192xf32> -> vector<64x8192xi32>
    %broadcast_in_dim3A = arith.constant 32768 : i32
    %broadcast_in_dim3A_2 = vector.broadcast %broadcast_in_dim3A : i32 to vector<1x1xi32>
    %broadcast_in_dim3A_3 = arith.constant -65536 : i32
    %broadcast_in_dim3A_4 = vector.broadcast %broadcast_in_dim3A_3 : i32 to vector<1x1xi32>
    %slice3A = vector.extract_strided_slice %bitcast_convert_type3A {offsets = [0, 0], sizes = [32, 8192], strides = [1, 1]} : vector<64x8192xi32> to vector<32x8192xi32>
    %add3A = vector.broadcast %broadcast_in_dim3A_2 : vector<1x1xi32> to vector<32x8192xi32>
    %add3A_5 = arith.addi %slice3A, %add3A : vector<32x8192xi32>
    %shift_right_logical3A = arith.constant 16 : i32
    %shift_right_logical3A_6 = vector.broadcast %shift_right_logical3A : i32 to vector<32x8192xi32>
    %shift_right_logical3A_7 = arith.shrui %add3A_5, %shift_right_logical3A_6 : vector<32x8192xi32>
    %slice3A_8 = vector.extract_strided_slice %bitcast_convert_type3A {offsets = [32, 0], sizes = [32, 8192], strides = [1, 1]} : vector<64x8192xi32> to vector<32x8192xi32>
    %add3A_9 = vector.broadcast %broadcast_in_dim3A_2 : vector<1x1xi32> to vector<32x8192xi32>
    %add3A_10 = arith.addi %slice3A_8, %add3A_9 : vector<32x8192xi32>
    %and3A = vector.broadcast %broadcast_in_dim3A_4 : vector<1x1xi32> to vector<32x8192xi32>
    %and3A_11 = arith.andi %add3A_10, %and3A : vector<32x8192xi32>
    %or3A = arith.ori %shift_right_logical3A_7, %and3A_11 : vector<32x8192xi32>
    %transpose3A = tpu.transpose %or3A, [1, 0] : vector<32x8192xi32> -> vector<8192x32xi32>
    %slice3A_12 = vector.extract_strided_slice %transpose3A {offsets = [0, 0], sizes = [2048, 32], strides = [1, 1]} : vector<8192x32xi32> to vector<2048x32xi32>
    %slice3A_13 = vector.extract_strided_slice %transpose3A {offsets = [2048, 0], sizes = [2048, 32], strides = [1, 1]} : vector<8192x32xi32> to vector<2048x32xi32>
    %slice3A_14 = vector.extract_strided_slice %transpose3A {offsets = [4096, 0], sizes = [2048, 32], strides = [1, 1]} : vector<8192x32xi32> to vector<2048x32xi32>
    %slice3A_15 = vector.extract_strided_slice %transpose3A {offsets = [6144, 0], sizes = [2048, 32], strides = [1, 1]} : vector<8192x32xi32> to vector<2048x32xi32>
    %concatenate3A = tpu.concatenate %slice3A_12, %slice3A_13, %slice3A_14, %slice3A_15 in 1 : vector<2048x32xi32>, vector<2048x32xi32>, vector<2048x32xi32>, vector<2048x32xi32> -> vector<2048x128xi32>
    %bitcast_convert_type3A_16 = tpu.bitcast %concatenate3A : vector<2048x128xi32> -> vector<2048x128xf32>
    %swap3A = arith.constant 0 : index
    %swap3A_17 = arith.constant 0 : index
    %swap3A_18 = vector.load %arg2[%swap3A, %swap3A_17] : memref<2048x128xf32, #tpu.memory_space<vmem>>, vector<2048x128xf32>
    tpu.vector_store %arg2[%swap3A, %swap3A_17], %bitcast_convert_type3A_16 {strides = array<i32>} : memref<2048x128xf32, #tpu.memory_space<vmem>>, vector<2048x128xf32>,
    return
  }
  func.func @transform_0(%arg0: i32) -> (i32, i32) {
    %c0_i32 = arith.constant 0 : i32
    %c0_i32_0 = arith.constant 0 : i32
    return %c0_i32, %arg0 : i32, i32
  }
  func.func @transform_1(%arg0: i32) -> (i32, i32) {
    %c0_i32 = arith.constant 0 : i32
    %c0_i32_0 = arith.constant 0 : i32
    return %arg0, %c0_i32 : i32, i32
  }
}

module attributes {stable_mosaic.version = 14 : i64} {
  func.func @_mlp_body(%arg0: i32, %arg1: memref<2048x64xf32, #tpu.memory_space<vmem>>, %arg2: memref<2048x1xf32, #tpu.memory_space<vmem>>, %arg3: memref<64x50xf32, #tpu.memory_space<vmem>>, %arg4: memref<1x50xf32, #tpu.memory_space<vmem>>, %arg5: memref<50x10xf32, #tpu.memory_space<vmem>>, %arg6: memref<1x10xf32, #tpu.memory_space<vmem>>, %arg7: memref<2048x10xf32, #tpu.memory_space<vmem>>) attributes {dimension_semantics = [#tpu.dimension_semantics<arbitrary>], iteration_bounds = array<i64: 8>, scalar_prefetch = 0 : i64, scratch_operands = 0 : i64, tpu.core_type = #tpu.core_type<tc>, window_params = [{transform_indices = @transform_0, window_bounds = array<i64: 2048, 64>}, {transform_indices = @transform_1, window_bounds = array<i64: 2048, 1>}, {pipeline_mode = #tpu.pipeline_mode<synchronous>, transform_indices = @transform_2, window_bounds = array<i64: 64, 50>}, {pipeline_mode = #tpu.pipeline_mode<synchronous>, transform_indices = @transform_3, window_bounds = array<i64: 1, 50>}, {pipeline_mode = #tpu.pipeline_mode<synchronous>, transform_indices = @transform_4, window_bounds = array<i64: 50, 10>}, {pipeline_mode = #tpu.pipeline_mode<synchronous>, transform_indices = @transform_5, window_bounds = array<i64: 1, 10>}, {transform_indices = @transform_6, window_bounds = array<i64: 2048, 10>}]} {
    %get3A = arith.constant 0 : index
    %get3A_0 = arith.constant 0 : index
    %get3A_1 = vector.load %arg1[%get3A, %get3A_0] : memref<2048x64xf32, #tpu.memory_space<vmem>>, vector<2048x64xf32>
    %get3A_2 = arith.constant 0 : index
    %get3A_3 = arith.constant 0 : index
    %get3A_4 = vector.load %arg2[%get3A_2, %get3A_3] : memref<2048x1xf32, #tpu.memory_space<vmem>>, vector<2048x1xf32>
    %div3A = vector.broadcast %get3A_4 : vector<2048x1xf32> to vector<2048x64xf32>
    %div3A_5 = arith.divf %get3A_1, %div3A : vector<2048x64xf32>
    %get3A_6 = arith.constant 0 : index
    %get3A_7 = arith.constant 0 : index
    %get3A_8 = vector.load %arg3[%get3A_6, %get3A_7] : memref<64x50xf32, #tpu.memory_space<vmem>>, vector<64x50xf32>
    %dot_general3A = arith.constant dense<0.000000e+00> : vector<2048x50xf32>
    %dot_general3A_9 = tpu.matmul %div3A_5, %get3A_8, %dot_general3A {dimension_numbers = #tpu.dot_dimension_numbers<[1], [0], [0], [1], [0, 0, 1, 1], [], []>, transpose_lhs_hint = false} : vector<2048x64xf32>, vector<64x50xf32>, vector<2048x50xf32> -> vector<2048x50xf32>
    %get3A_10 = arith.constant 0 : index
    %get3A_11 = arith.constant 0 : index
    %get3A_12 = vector.load %arg4[%get3A_10, %get3A_11] : memref<1x50xf32, #tpu.memory_space<vmem>>, vector<1x50xf32>
    %add3A = vector.broadcast %get3A_12 : vector<1x50xf32> to vector<2048x50xf32>
    %add3A_13 = arith.addf %dot_general3A_9, %add3A : vector<2048x50xf32>
    %max3A = arith.constant 0.000000e+00 : f32
    %max3A_14 = vector.broadcast %max3A : f32 to vector<2048x50xf32>
    %max3A_15 = arith.maximumf %add3A_13, %max3A_14 : vector<2048x50xf32>
    %get3A_16 = arith.constant 0 : index
    %get3A_17 = arith.constant 0 : index
    %get3A_18 = vector.load %arg5[%get3A_16, %get3A_17] : memref<50x10xf32, #tpu.memory_space<vmem>>, vector<50x10xf32>
    %dot_general3A_19 = arith.constant dense<0.000000e+00> : vector<2048x10xf32>
    %dot_general3A_20 = tpu.matmul %max3A_15, %get3A_18, %dot_general3A_19 {dimension_numbers = #tpu.dot_dimension_numbers<[1], [0], [0], [1], [0, 0, 1, 1], [], []>, transpose_lhs_hint = false} : vector<2048x50xf32>, vector<50x10xf32>, vector<2048x10xf32> -> vector<2048x10xf32>
    %get3A_21 = arith.constant 0 : index
    %get3A_22 = arith.constant 0 : index
    %get3A_23 = vector.load %arg6[%get3A_21, %get3A_22] : memref<1x10xf32, #tpu.memory_space<vmem>>, vector<1x10xf32>
    %add3A_24 = vector.broadcast %get3A_23 : vector<1x10xf32> to vector<2048x10xf32>
    %add3A_25 = arith.addf %dot_general3A_20, %add3A_24 : vector<2048x10xf32>
    %swap3A = arith.constant 0 : index
    %swap3A_26 = arith.constant 0 : index
    %swap3A_27 = vector.load %arg7[%swap3A, %swap3A_26] : memref<2048x10xf32, #tpu.memory_space<vmem>>, vector<2048x10xf32>
    tpu.vector_store %arg7[%swap3A, %swap3A_26], %add3A_25 {strides = array<i32>} : memref<2048x10xf32, #tpu.memory_space<vmem>>, vector<2048x10xf32>,
    return
  }
  func.func @transform_0(%arg0: i32) -> (i32, i32) {
    %c0_i32 = arith.constant 0 : i32
    %c0_i32_0 = arith.constant 0 : i32
    return %arg0, %c0_i32 : i32, i32
  }
  func.func @transform_1(%arg0: i32) -> (i32, i32) {
    %c0_i32 = arith.constant 0 : i32
    %c0_i32_0 = arith.constant 0 : i32
    return %arg0, %c0_i32 : i32, i32
  }
  func.func @transform_2(%arg0: i32) -> (i32, i32) {
    %c0_i32 = arith.constant 0 : i32
    %c0_i32_0 = arith.constant 0 : i32
    %c0_i32_1 = arith.constant 0 : i32
    return %c0_i32, %c0_i32_0 : i32, i32
  }
  func.func @transform_3(%arg0: i32) -> (i32, i32) {
    %c0_i32 = arith.constant 0 : i32
    %c0_i32_0 = arith.constant 0 : i32
    %c0_i32_1 = arith.constant 0 : i32
    return %c0_i32, %c0_i32_0 : i32, i32
  }
  func.func @transform_4(%arg0: i32) -> (i32, i32) {
    %c0_i32 = arith.constant 0 : i32
    %c0_i32_0 = arith.constant 0 : i32
    %c0_i32_1 = arith.constant 0 : i32
    return %c0_i32, %c0_i32_0 : i32, i32
  }
  func.func @transform_5(%arg0: i32) -> (i32, i32) {
    %c0_i32 = arith.constant 0 : i32
    %c0_i32_0 = arith.constant 0 : i32
    %c0_i32_1 = arith.constant 0 : i32
    return %c0_i32, %c0_i32_0 : i32, i32
  }
  func.func @transform_6(%arg0: i32) -> (i32, i32) {
    %c0_i32 = arith.constant 0 : i32
    %c0_i32_0 = arith.constant 0 : i32
    return %arg0, %c0_i32 : i32, i32
  }
}

</mosaic_0001>

<sc_bundles>
// kernel: kernel.5.cloned.1.call-start
scs
__scs_entry_jumppad:
0x0: {  	(pc) =	sbr.rel $0x88, $3  }
0x1: {  	(tag) =	ssettag $0x0;
	lr =	simm.s32 $0x1  }
0x2: {  	[smem:$0x3F9A] =	sst lr;
	_ =	strace $0xD0000000  }
0x3: {  	_ = 	snop  }
0x4: {  	_ = 	snop  }
0x5: {  	_ = 	snop  }
0x6: {  	_ = 	snop  }
0x7: {  	_ = 	snop  }
__scs_overlays_trampoline_lowered:
0x8: {  	[smem:$0x3FA9] =	sst s0  }
0x9: {  	[smem:$0x3FAA] =	sst s1  }
0xa: {  	[smem:$0x3FAB] =	sst s2  }
0xb: {  	[smem:$0x3FAC] =	sst s3  }
0xc: {  	[smem:$0x3FAD] =	sst s4  }
0xd: {  	[smem:$0x3FAE] =	sst s5  }
0xe: {  	[smem:$0x3FAF] =	sst s6  }
0xf: {  	[smem:$0x3FB0] =	sst s7  }
0x10: {  	[smem:$0x3FB1] =	sst s8  }
0x11: {  	[smem:$0x3FB2] =	sst s9;
	s0 =	simm.s32 @!p0 $0x0  }
0x12: {  	s1 =	sld [smem:$0x3F98];
	s0 =	simm.s32 @p0 $0x1  }
0x13: {  	[smem:$0x3FB3] =	sst s0;
	s0 =	simm.s32 @!p1 $0x0  }
0x14: {  	s2 =	sld [smem:$0x3F97];
	s0 =	simm.s32 @p1 $0x1  }
0x15: {  	[smem:$0x3FB4] =	sst s0;
	s0 =	simm.s32 @!p2 $0x0  }
0x16: {  	s3 =	sld [smem:$0x3FDB];
	s0 =	simm.s32 @p2 $0x1  }
0x17: {  	s4 =	simm.s32 $0x1BF5;
	[smem:$0x3FB6] =	sst s0  }
0x18: {  	s0 =	sld [smem:$0x3F99];
	_ =	swait.ge [sflag:s4], $0x0  }
0x19: {  	s7 =	sld [smem:$0x3F9A]  }
0x1a: {  	s8 =	sadd.s32 $0xFFFFE003, lr  }
0x1b: {  	s9 =	sadd.s32 $0xFFFFFEF7, lr;
	s5 =	simm.s32 $0xFFFFFFFF;
	p2 =	slt.u32 s8, $0xFFFFF086  }
0x1c: {  	p1 =	slt.u32 s9, $0xF7A;
	s5 =	simm.s32 @!p2 $0x0  }
0x1d: {  	s5 =	simm.s32 @p1 $0x1;
	p0 =	seq.s32 s7, s2  }
0x1e: {  	s7 =	smul.u32 @!p0 $0xF7A, s2;
	p2 =	seq.s32 @!p0 s5, $0x0  }
0x1f: {  	s9 =	smul.u32 $0xF7A, s1;
	s8 =	simm.s32 @!p0 $0x1BF5;
	p2 =	por !p2, p0  }
0x20: {  	[sflag:s8] =	ssyncset.s32 @!p0 $0xFFFFF086;
	s6 =	sadd.s32 @!p0 s3, s7;
	s7 =	simm.s32 @!p0 $0x108  }
0x21: {  	s3 =	sadd.s32 s3, s9;
	s6 =	sadd.s32 @!p0 $0x88, s6;
	s7 =	simm.s32 @p2 $0x1082  }
0x22: {  	[simem:s7], [sflag:s8] =	dma.local @!p0 [hbm:s6], $0xF7A  }
0x23: {  	s9 =	sor.u32 $0xD0000000, s2;
	s6 =	simm.s32 $0x108;
	_ =	swait.ge @!p0 [sflag:s8], $0x0  }
0x24: {  	s3 =	sadd.s32 $0x88, s3;
	s6 =	simm.s32 @!p1 $0x1082;
	[sflag:s4] =	ssyncset.s32 $0xFFFFF086  }
0x25: {  	[simem:s6], [sflag:s4] =	dma.local [hbm:s3], $0xF7A  }
0x26: {  	[smem:$0x3F9A] =	sst s1;
	(tag) =	ssettag s2;
	_ =	strace s9  }
0x27: {  	s1 =	sld [smem:$0x3FAA]  }
0x28: {  	s2 =	sld [smem:$0x3FAB]  }
0x29: {  	s4 =	sld [smem:$0x3FAD]  }
0x2a: {  	p0 =	seq.s32 s5, $0x0;
	s5 =	sld [smem:$0x3FAE]  }
0x2b: {  	s6 =	sld [smem:$0x3FAF]  }
0x2c: {  	s7 =	sld [smem:$0x3FB0]  }
0x2d: {  	s3 =	simm.s32 $0x108;
	s8 =	sld [smem:$0x3FB1]  }
0x2e: {  	s3 =	simm.s32 @!p0 $0x1082;
	s9 =	sld [smem:$0x3FB2]  }
0x2f: {  	lr =	sadd.s32 s0, s3;
	s0 =	sld [smem:$0x3FA9]  }
0x30: {  	s3 =	sld [smem:$0x3FAC]  }
0x31: {  	[smem:$0x3FB5] =	sst s10  }
0x32: {  	s10 =	sld [smem:$0x3FB3];
	_ =	sdelay $0x3  }
0x33: {  	p0 =	seq.s32 s10, $0x1;
	s10 =	sld [smem:$0x3FB5];
	_ =	sdelay $0x3  }
0x34: {  	[smem:$0x3FB5] =	sst s10  }
0x35: {  	s10 =	sld [smem:$0x3FB4];
	_ =	sdelay $0x3  }
0x36: {  	p1 =	seq.s32 s10, $0x1;
	s10 =	sld [smem:$0x3FB5];
	_ =	sdelay $0x3  }
0x37: {  	[smem:$0x3FB5] =	sst s10  }
0x38: {  	s10 =	sld [smem:$0x3FB6]  }
0x39: {  	_ = 	snop;
	(pc) =	sbr.ind lr, $3  }
0x3a: {  	_ = 	snop  }
0x3b: {  	_ = 	snop  }
0x3c: {  	p2 =	seq.s32 s10, $0x1;
	s10 =	sld [smem:$0x3FB5]  }
0x3d: {  	_ =	shalt  }
0x3e: {  	_ =	shalt  }
0x3f: {  	_ =	shalt  }
0x40: {  	_ =	shalt  }
0x41: {  	_ =	shalt  }
0x42: {  	_ =	shalt  }
0x43: {  	_ =	shalt  }
0x44: {  	_ =	shalt  }
0x45: {  	_ =	shalt  }
0x46: {  	_ =	shalt  }
0x47: {  	_ =	shalt  }
0x48: {  	_ =	shalt  }
0x49: {  	_ =	shalt  }
0x4a: {  	_ =	shalt  }
0x4b: {  	_ =	shalt  }
0x4c: {  	_ =	shalt  }
0x4d: {  	_ =	shalt  }
0x4e: {  	_ =	shalt  }
0x4f: {  	_ =	shalt  }
0x50: {  	_ =	shalt  }
0x51: {  	_ =	shalt  }
0x52: {  	_ =	shalt  }
0x53: {  	_ =	shalt  }
0x54: {  	_ =	shalt  }
0x55: {  	_ =	shalt  }
0x56: {  	_ =	shalt  }
0x57: {  	_ =	shalt  }
0x58: {  	_ =	shalt  }
0x59: {  	_ =	shalt  }
0x5a: {  	_ =	shalt  }
0x5b: {  	_ =	shalt  }
0x5c: {  	_ =	shalt  }
0x5d: {  	_ =	shalt  }
0x5e: {  	_ =	shalt  }
0x5f: {  	_ =	shalt  }
0x60: {  	_ =	shalt  }
0x61: {  	_ =	shalt  }
0x62: {  	_ =	shalt  }
0x63: {  	_ =	shalt  }
0x64: {  	_ =	shalt  }
0x65: {  	_ =	shalt  }
0x66: {  	_ =	shalt  }
0x67: {  	_ =	shalt  }
0x68: {  	_ =	shalt  }
0x69: {  	_ =	shalt  }
0x6a: {  	_ =	shalt  }
0x6b: {  	_ =	shalt  }
0x6c: {  	_ =	shalt  }
0x6d: {  	_ =	shalt  }
0x6e: {  	_ =	shalt  }
0x6f: {  	_ =	shalt  }
0x70: {  	_ =	shalt  }
0x71: {  	_ =	shalt  }
0x72: {  	_ =	shalt  }
0x73: {  	_ =	shalt  }
0x74: {  	_ =	shalt  }
0x75: {  	_ =	shalt  }
0x76: {  	_ =	shalt  }
0x77: {  	_ =	shalt  }
0x78: {  	_ =	shalt  }
0x79: {  	_ =	shalt  }
0x7a: {  	_ =	shalt  }
0x7b: {  	_ =	shalt  }
0x7c: {  	_ =	shalt  }
0x7d: {  	_ =	shalt  }
0x7e: {  	_ =	shalt  }
0x7f: {  	_ =	shalt  }
0x80: {  	_ =	shalt  }
0x81: {  	_ =	shalt  }
0x82: {  	_ =	shalt  }
0x83: {  	_ =	shalt  }
0x84: {  	_ =	shalt  }
0x85: {  	_ =	shalt  }
0x86: {  	_ =	shalt  }
0x87: {  	_ =	shalt  }
.Lfunc_end0:
.L_simem_size_0:
called_computation_lowered:
.L_overlay_start_0:
0x88: {  	s2 =	sld [smem:$0x3FD9]  }
0x89: {  	s3 =	sld [smem:$0x3FFE];
	_ =	sdelay $0x1  }
0x8a: {  	s1 =	srdreg.scid  }
0x8b: {  	s0 =	sand.u32 $0x1, s1  }
0x8c: {  	s16 =	sshll.u32 s0, $0xA;
	s2 =	sadd.s32 s3, s2  }
0x8d: {  	s2 =	sadd.s32 s2, s16  }
0x8e: {  	[smem:$0x3FC1] =	sst s2  }
0x8f: {  	_ = 	snop  }
0x90: {  	(tm) =	ssettm $0x1  }
0x91: {  	s17 =	sld [smem:$0x3FFB];
	_ =	sdelay $0x3  }
0x92: {  	_ =	strace s17  }
0x93: {  	s2 =	sld [smem:$0x3FFC];
	_ =	sdelay $0x3  }
0x94: {  	_ =	strace s2  }
0x95: {  	s2 =	sld [smem:$0x3FFD];
	_ =	sdelay $0x3  }
0x96: {  	_ =	strace s2  }
0x97: {  	_ =	strace $0x8FFFFFFF  }
0x98: {  	s18 =	sld [smem:$0x3FDB];
	_ =	sdelay $0x1  }
0x99: {  	s19 =	simm.s32 $_scs_section_size  }
0x9a: {  	s4 =	simm.s32 $_size__tile_overlayer_lowered;
	s5 =	simm.s32 $_tile_overlayer_lowered  }
0x9b: {  	s22 =	simm.s32 $0x1BFF;
	s21 =	sshll.u32 s5, $0x1;
	s2 =	sadd.s32 s19, s18  }
0x9c: {  	s6 =	simm.s32 $0x0;
	s20 =	sshll.u32 s4, $0x1;
	s4 =	sadd.s32 s21, s2  }
0x9d: {  	[timem:s6], [sflag:s22] =	dma.local [hbm:s4], s20  }
0x9e: {  	_ =	swait.ge [sflag:s22], s20  }
0x9f: {  	s3 =	ssub.s32 $0x0, s20;
	[sflag:s22] =	ssyncset.done $0x0  }
0xa0: {  	[sflag:s22] =	ssyncadd.s32 s3;
	_ =	sdelay $0x1  }
0xa1: {  	s23 =	simm.s32 $0x1B8B  }
0xa2: {  	_ =	swait.ge [sflag:s23], $0x1  }
0xa3: {  	[sflag:s23] =	ssyncset.done $0x0  }
0xa4: {  	s25 =	simm.s32 $0x1B8E;
	s24 =	sld [smem:$0x3FFE];
	[sflag:s23] =	ssyncadd.s32 $0xFFFFFFFF  }
0xa5: {  	s26 =	simm.s32 $execute0_lowered;
	[smem:$0x3FD2] =	sst s25  }
0xa6: {  	s4 =	sshll.u32 s26, $0x1;
	_ =	strace $0x80000046;
	[dreg:$0x1] =	wrdreg $0xFFFFFFFF  }
0xa7: {  	s28 =	simm.s32 $_size_execute0_lowered;
	s2 =	sadd.s32 s2, s4;
	[dreg:$0x0] =	wrdreg $0x0  }
0xa8: {  	s4 =	sshll.u32 s28, $0x1;
	[dreg:$0x2] =	wrdreg s2  }
0xa9: {  	[dreg:$0x3] =	wrdreg s4  }
0xaa: {  	[dreg:$0x4] =	wrdreg $0xC0  }
0xab: {  	_ =	task [dreg:s6], $0x5FFFF  }
0xac: {  	[dreg:$0x1] =	wrdreg $0xFFFFFFFF  }
0xad: {  	[dreg:$0x0] =	wrdreg $0x60  }
0xae: {  	[dreg:$0x2] =	wrdreg s24  }
0xaf: {  	[dreg:$0x3] =	wrdreg $0x9  }
0xb0: {  	_ =	task.clear_ibuf [dreg:s6], $0x4FFFF;
	_ =	strace $0x90000046  }
0xb1: {  	s29 =	simm.s32 $0x9;
	_ =	strace $0x80000048  }
0xb2: {  	_ =	swait.ge [sflag:s29], $0x1  }
0xb3: {  	[sflag:s29] =	ssyncadd.s32 $0xFFFFFFFF  }
0xb4: {  	_ =	strace $0x90000048  }
0xb5: {  	_ =	sfence  }
0xb6: {  	s30 =	sld [smem:$0x0];
	_ =	sdelay $0x2  }
0xb7: {  	s31 =	sshll.u32 s1, $0xD;
	s1 =	sshrl.u32 s1, $0x2  }
0xb8: {  	s3 =	sand.u32 $0x4000, s31;
	s1 =	sadd.s32 s1, s30  }
0xb9: {  	s0 =	sor.u32 s3, s0;
	s1 =	sshll.u32 s1, $0x11  }
0xba: {  	s0 =	sor.u32 s1, s0  }
0xbb: {  	s0 =	sadd.s32 $0x8F2B, s0  }
0xbc: {  	[sflag:s0] =	ssyncadd.remote.s32 $0x1  }
0xbd: {  	_ =	sfence.sel $0xFFFF  }
0xbe: {  	[dreg:$0x0] =	wrdreg $0xFFFFFFFF;
	(pc) =	sbr.abs _section_cstart, $3  }
0xbf: {  	[dreg:$0x1] =	wrdreg $0xFFFFFFFF  }
0xc0: {  	_ =	task.clear_ibuf [dreg:s6], $0x2FFFF;
	_ =	strace $0x9FFFFFFF  }
0xc1: {  	(tm) =	ssettm $0x7FFFFFFF  }
tec
execute0_lowered:
.L_overlay_start_1:
0x0: {  	(tag) =	ssettag $0x1  }
0x1: {  	s4 =	rddreg [dreg:$0x0]  }
0x2: {  	s0 =	rddreg [dreg:$0x1]  }
0x3: {  	s3 =	srdreg.scid;
	s1 =	stileid.u32  }
0x4: {  	s2 =	simm.s32 $0x0;
	s9 =	simm.s32 $0x4000;
	s10 =	simm.s32 $0x100  }
0x5: {  	s11 =	simm.s32 $0x5900;
	s12 =	simm.s32 $0x200;
	s13 =	simm.s32 $0x7200  }
0x6: {  	s14 =	simm.s32 $0x300;
	s15 =	simm.s32 $0x8B00;
	s16 =	simm.s32 $0x1  }
0x7: {  	s17 =	simm.s32 $0x2;
	s18 =	simm.s32 $0x3;
	s19 =	simm.s32 $0x4  }
0x8: {  	s20 =	simm.s32 $0xA400;
	s3 =	sand.u32 $0x1, s3;
	s5 =	sshll.u32 s1, $0x1  }
0x9: {  	s21 =	simm.s32 $0x0;
	[smem:$0x7FF] =	sst s2;
	s5 =	sor.u32 s3, s5  }
.Ltmp0:
0xa: {  	_ =	strace $0x80000047;
	s7 =	ssub.s32 $0x2, s3;
	(pc) =	sbr.rel .LBB2_1-.Ltmp0, $4  }
0xb: {  	s3 =	sadd.s32 $0x100E00, s4;
	s6 =	sshll.u32 s5, $0xE;
	s5 =	sshll.u32 s5, $0xC  }
0xc: {  	s8 =	sshrl.u32 s7, $0x1;
	s6 =	sadd.s32 s6, s4;
	s5 =	sadd.s32 s5, s4  }
0xd: {  	s7 =	ssub.s32 s7, s8;
	s8 =	simm.s32 $0xC8;
	s4 =	sadd.s32 $0x80E00, s6  }
0xe: {  	s5 =	sadd.s32 $0xE00, s5;
	s6 =	smax.u32 s7, $0x1;
	s7 =	simm.s32 $0x5  }
.LBB2_16:
0xf: {  	s21 =	sadd.s32 $0x1, s21  }
0x10: {  	p0 =	sne.s32 s21, s6  }
.Ltmp1:
0x11: {  	_ = 	snop;
	(pc) =	sbr.rel @!p0 .LBB2_17-.Ltmp1, $4  }
0x12: {  	[hbm4b:s5+s2] =	stream.linear.scatter [tilespmem:s20], [sflag:$0x5], $0x8000, $0x38;
	[tilespmem:$0x12400] =	vst v63  }
0x13: {  	_ =	swait.ge [sflag:s7], $0x8000  }
0x14: {  	[sflag:s7] =	ssyncset.done $0x0  }
0x15: {  	[sflag:s7] =	ssyncadd.s32 $0xFFFF8000  }
.LBB2_1:
.Ltmp2:
0x16: {  	(pc) =	sbr.rel .LBB2_2-.Ltmp2, $2  }
0x17: {  	_ =	sdelay $0x2  }
0x18: {  	s22 =	simm.s32 $0x0  }
.LBB2_15:
0x19: {  	s22 =	sadd.s32 $0x1, s22  }
0x1a: {  	p0 =	sne.s32 s22, $0x8  }
.Ltmp3:
0x1b: {  	_ = 	snop;
	(pc) =	sbr.rel @!p0 .LBB2_16-.Ltmp3, $1  }
0x1c: {  	_ =	sdelay $0x3  }
.LBB2_2:
0x1d: {  	s23 =	sshll.u32 s22, $0xB  }
0x1e: {  	s24 =	simm.s32 $0x0;
	s23 =	sadd.s32 s23, s4  }
0x1f: {  	[tilespmem:s24], [sflag:$0x5] =	stream.linear.gather [hbm4b:s23+s24], $0x4000, $0x38;
	[tilespmem:$0x12400] =	vst v63  }
0x20: {  	_ =	swait.ge [sflag:s7], $0x4000  }
0x21: {  	[sflag:s7] =	ssyncset.done $0x0  }
0x22: {  	s23 =	simm.s32 $0x0;
	[sflag:s7] =	ssyncadd.s32 $0xFFFFC000  }
0x23: {  	v0 =	vld [tilespmem:s23+$0x0]  }
0x24: {  	v1 =	vld [tilespmem:s23+$0x10]  }
0x25: {  	v2 =	vld [tilespmem:s23+$0x20]  }
0x26: {  	v8 =	vld [tilespmem:s23+$0x40];
	_ =	sdelay $0x2  }
0x27: {  	v3 =	vshll.u32 v0, $0x2;
	v4 =	vshrl.u32 v0, $0xB;
	v0 =	vand.u32 $0xFFFFE000, v0  }
0x28: {  	v6 =	vld [tilespmem:s23+$0x30];
	v5 =	vand.u32 $0xFFFFE000, v1;
	v7 =	vshll.u32 v2, $0x2;
	v9 =	vshrl.u32 v2, $0xB  }
0x29: {  	v2 =	vand.u32 $0xFFFFE000, v2;
	v10 =	vshrl.u32 v8, $0xB;
	v3 =	vand.u32 $0x1FFC, v3  }
0x2a: {  	v4 =	vand.u32 $0x3, v4;
	v7 =	vand.u32 $0x1FFC, v7;
	v0 =	vor.u32 v0, v3  }
0x2b: {  	v3 =	vshrl.u32 v1, $0xB;
	v1 =	vshll.u32 v1, $0x2;
	v2 =	vor.u32 v2, v7  }
0x2c: {  	v3 =	vand.u32 $0x3, v3;
	v1 =	vand.u32 $0x1FFC, v1;
	v4 =	vor.u32 v4, v0  }
0x2d: {  	v0 =	vshrl.u32 v6, $0xB;
	v1 =	vor.u32 v5, v1;
	v5 =	vand.u32 $0x3, v9  }
0x2e: {  	v0 =	vand.u32 $0x3, v0;
	v3 =	vor.u32 v3, v1;
	v9 =	vor.u32 v5, v2;
	v2 =	vld [tilespmem:s23+$0x50]  }
0x2f: {  	v1 =	vand.u32 $0xFFFFE000, v6;
	v5 =	vshll.u32 v6, $0x2;
	v6 =	vshll.u32 v8, $0x2  }
0x30: {  	v7 =	vld [tilespmem:s23+$0x60];
	v8 =	vand.u32 $0xFFFFE000, v8;
	v5 =	vand.u32 $0x1FFC, v5;
	v6 =	vand.u32 $0x1FFC, v6  }
0x31: {  	v1 =	vor.u32 v1, v5;
	v5 =	vand.u32 $0x3, v10;
	v6 =	vor.u32 v8, v6  }
0x32: {  	v1 =	vor.u32 v0, v1;
	v0 =	vor.u32 v5, v6;
	v6 =	vld [tilespmem:s23+$0x70]  }
0x33: {  	v5 =	vshll.u32 v2, $0x2  }
0x34: {  	v10 =	vld [tilespmem:s23+$0x80];
	v8 =	vshrl.u32 v2, $0xB;
	v2 =	vand.u32 $0xFFFFE000, v2;
	v5 =	vand.u32 $0x1FFC, v5  }
0x35: {  	v11 =	vshrl.u32 v7, $0xB;
	v2 =	vor.u32 v2, v5;
	v5 =	vshll.u32 v7, $0x2  }
0x36: {  	v12 =	vld [tilespmem:s23+$0x90];
	v8 =	vand.u32 $0x3, v8;
	v7 =	vand.u32 $0xFFFFE000, v7;
	v5 =	vand.u32 $0x1FFC, v5  }
0x37: {  	v2 =	vor.u32 v8, v2;
	v8 =	vand.u32 $0x3, v11;
	v11 =	vand.u32 $0xFFFFE000, v6  }
0x38: {  	v5 =	vor.u32 v7, v5;
	v7 =	vshrl.u32 v6, $0xB;
	v6 =	vshll.u32 v6, $0x2  }
0x39: {  	v14 =	vshll.u32 v10, $0x2;
	v13 =	vand.u32 $0x3, v7;
	v7 =	vand.u32 $0x1FFC, v6;
	v6 =	vld [tilespmem:s23+$0xA0]  }
0x3a: {  	[tilespmem:s23+$0x0] =	vst v4;
	v15 =	vshrl.u32 v10, $0xB;
	v10 =	vand.u32 $0xFFFFE000, v10;
	v14 =	vand.u32 $0x1FFC, v14  }
0x3b: {  	[tilespmem:s23+$0x20] =	vst v9;
	v9 =	vshrl.u32 v12, $0xB;
	v10 =	vor.u32 v10, v14;
	v4 =	vor.u32 v11, v7  }
0x3c: {  	v11 =	vand.u32 $0x3, v15;
	v7 =	vor.u32 v8, v5;
	v5 =	vor.u32 v13, v4;
	v4 =	vld [tilespmem:s23+$0xB0]  }
0x3d: {  	s24 =	simm.s32 $0x400;
	[tilespmem:s23+$0x10] =	vst v3;
	v8 =	vand.u32 $0xFFFFE000, v12;
	v3 =	vor.u32 v11, v10;
	v10 =	vshll.u32 v12, $0x2  }
.LBB2_3:
0x3e: {  	p0 =	sne.s32 s24, $0xFC00;
	[tilespmem:s23+$0x30] =	vst v1;
	v1 =	vand.u32 $0x3, v9;
	v9 =	vand.u32 $0x1FFC, v10;
	v10 =	vshll.u32 v6, $0x2;
	v11 =	vld [tilespmem:s23+$0xC0]  }
0x3f: {  	[tilespmem:s23+$0x40] =	vst v0;
	v0 =	vshrl.u32 v6, $0xB;
	v6 =	vand.u32 $0xFFFFE000, v6;
	v10 =	vand.u32 $0x1FFC, v10  }
0x40: {  	s25 =	sshra.s32 s24, $0x2;
	[tilespmem:s23+$0x50] =	vst v2;
	v2 =	vor.u32 v8, v9;
	v0 =	vand.u32 $0x3, v0;
	v6 =	vor.u32 v6, v10  }
0x41: {  	v8 =	vld [tilespmem:s25+$0x0];
	[tilespmem:s23+$0x60] =	vst v7;
	v1 =	vor.u32 v1, v2;
	v0 =	vor.u32 v0, v6;
	v2 =	vshll.u32 v4, $0x2  }
0x42: {  	[tilespmem:s23+$0x70] =	vst v5;
	v5 =	vshrl.u32 v4, $0xB;
	v4 =	vand.u32 $0xFFFFE000, v4;
	v2 =	vand.u32 $0x1FFC, v2  }
0x43: {  	[tilespmem:s23+$0x80] =	vst v3;
	v3 =	vand.u32 $0x3, v5;
	v2 =	vor.u32 v4, v2;
	v4 =	vshll.u32 v11, $0x2  }
0x44: {  	v6 =	vand.u32 $0xFFFFE000, v11;
	v5 =	vld [tilespmem:s25+$0x10];
	[tilespmem:s23+$0x90] =	vst v1;
	v1 =	vshrl.u32 v11, $0xB;
	v4 =	vand.u32 $0x1FFC, v4  }
0x45: {  	v7 =	vld [tilespmem:s25+$0x20];
	[tilespmem:s23+$0xA0] =	vst v0;
	v0 =	vor.u32 v3, v2;
	v1 =	vand.u32 $0x3, v1;
	v2 =	vor.u32 v6, v4  }
0x46: {  	v3 =	vshll.u32 v8, $0x2;
	[tilespmem:s23+$0xB0] =	vst v0;
	v0 =	vor.u32 v1, v2  }
0x47: {  	v1 =	vshrl.u32 v8, $0xB;
	v2 =	vand.u32 $0xFFFFE000, v8;
	v3 =	vand.u32 $0x1FFC, v3;
	[tilespmem:s23+$0xC0] =	vst v0;
	s23 =	smov.u32 s25  }
0x48: {  	v0 =	vand.u32 $0x3, v1;
	v1 =	vor.u32 v2, v3  }
0x49: {  	v2 =	vshrl.u32 v5, $0xB;
	v3 =	vand.u32 $0xFFFFE000, v5;
	v4 =	vshll.u32 v5, $0x2;
	v5 =	vld [tilespmem:s23+$0x30]  }
0x4a: {  	v2 =	vand.u32 $0x3, v2;
	v4 =	vand.u32 $0x1FFC, v4;
	v6 =	vshll.u32 v7, $0x2;
	v8 =	vld [tilespmem:s23+$0x40]  }
0x4b: {  	v9 =	vshrl.u32 v7, $0xB;
	v7 =	vand.u32 $0xFFFFE000, v7;
	v6 =	vand.u32 $0x1FFC, v6  }
0x4c: {  	v3 =	vor.u32 v3, v4;
	v4 =	vand.u32 $0x3, v9;
	v6 =	vor.u32 v7, v6  }
0x4d: {  	v7 =	vor.u32 v0, v1;
	v3 =	vor.u32 v2, v3;
	v9 =	vor.u32 v4, v6;
	v2 =	vld [tilespmem:s23+$0x50]  }
0x4e: {  	v0 =	vshrl.u32 v5, $0xB;
	v1 =	vand.u32 $0xFFFFE000, v5;
	v4 =	vshll.u32 v5, $0x2  }
0x4f: {  	v0 =	vand.u32 $0x3, v0;
	v4 =	vand.u32 $0x1FFC, v4;
	v5 =	vshll.u32 v8, $0x2;
	v6 =	vld [tilespmem:s23+$0x60]  }
0x50: {  	v10 =	vshrl.u32 v8, $0xB;
	v8 =	vand.u32 $0xFFFFE000, v8;
	v5 =	vand.u32 $0x1FFC, v5  }
0x51: {  	v1 =	vor.u32 v1, v4;
	v4 =	vand.u32 $0x3, v10;
	v5 =	vor.u32 v8, v5  }
0x52: {  	v1 =	vor.u32 v0, v1;
	v0 =	vor.u32 v4, v5;
	v4 =	vshll.u32 v2, $0x2;
	v5 =	vld [tilespmem:s23+$0x70]  }
0x53: {  	v8 =	vshrl.u32 v2, $0xB;
	v2 =	vand.u32 $0xFFFFE000, v2;
	v4 =	vand.u32 $0x1FFC, v4;
	v10 =	vld [tilespmem:s23+$0x80]  }
0x54: {  	v8 =	vand.u32 $0x3, v8;
	v2 =	vor.u32 v2, v4;
	v4 =	vshll.u32 v6, $0x2  }
0x55: {  	v11 =	vshrl.u32 v6, $0xB;
	v6 =	vand.u32 $0xFFFFE000, v6;
	v4 =	vand.u32 $0x1FFC, v4  }
0x56: {  	v2 =	vor.u32 v8, v2;
	v8 =	vand.u32 $0x3, v11;
	v4 =	vor.u32 v6, v4  }
0x57: {  	v6 =	vshrl.u32 v5, $0xB;
	v11 =	vand.u32 $0xFFFFE000, v5;
	v5 =	vshll.u32 v5, $0x2;
	v12 =	vld [tilespmem:s23+$0x90]  }
.Ltmp4:
0x58: {  	v13 =	vand.u32 $0x3, v6;
	v5 =	vand.u32 $0x1FFC, v5;
	v14 =	vshll.u32 v10, $0x2;
	v6 =	vld [tilespmem:s23+$0xA0];
	(pc) =	sbr.rel @p0 .LBB2_3-.Ltmp4, $4  }
0x59: {  	v15 =	vshrl.u32 v10, $0xB;
	v10 =	vand.u32 $0xFFFFE000, v10;
	v14 =	vand.u32 $0x1FFC, v14  }
0x5a: {  	v5 =	vor.u32 v11, v5;
	v11 =	vand.u32 $0x3, v15;
	[tilespmem:s23+$0x0] =	vst v7;
	v10 =	vor.u32 v10, v14  }
0x5b: {  	v7 =	vor.u32 v8, v4;
	v5 =	vor.u32 v13, v5;
	[tilespmem:s23+$0x10] =	vst v3;
	v3 =	vor.u32 v11, v10;
	v4 =	vld [tilespmem:s23+$0xB0]  }
0x5c: {  	s24 =	sadd.s32 $0x400, s24;
	[tilespmem:s23+$0x20] =	vst v9;
	v9 =	vshrl.u32 v12, $0xB;
	v8 =	vand.u32 $0xFFFFE000, v12;
	v10 =	vshll.u32 v12, $0x2  }
0x5d: {  	[tilespmem:s23+$0x30] =	vst v1;
	v48 =	vand.u32 $0x3, v9;
	v49 =	vand.u32 $0x1FFC, v10;
	v50 =	vshll.u32 v6, $0x2;
	v11 =	vld [tilespmem:s23+$0xC0]  }
0x5e: {  	[tilespmem:s23+$0x40] =	vst v0;
	v51 =	vshrl.u32 v6, $0xB;
	v52 =	vand.u32 $0xFFFFE000, v6;
	v10 =	vand.u32 $0x1FFC, v50  }
0x5f: {  	[tilespmem:s23+$0x50] =	vst v2;
	v53 =	vor.u32 v8, v49;
	v0 =	vand.u32 $0x3, v51;
	v6 =	vor.u32 v52, v10  }
0x60: {  	[tilespmem:s23+$0x60] =	vst v7;
	v1 =	vor.u32 v48, v53;
	v0 =	vor.u32 v0, v6;
	v54 =	vshll.u32 v4, $0x2  }
0x61: {  	[tilespmem:s23+$0x70] =	vst v5;
	v55 =	vshrl.u32 v4, $0xB;
	v56 =	vand.u32 $0xFFFFE000, v4;
	v2 =	vand.u32 $0x1FFC, v54  }
0x62: {  	[tilespmem:s23+$0x80] =	vst v3;
	v57 =	vand.u32 $0x3, v55;
	v2 =	vor.u32 v56, v2;
	v58 =	vshll.u32 v11, $0x2  }
0x63: {  	[tilespmem:s23+$0x90] =	vst v1;
	v59 =	vshrl.u32 v11, $0xB;
	v60 =	vand.u32 $0xFFFFE000, v11;
	v4 =	vand.u32 $0x1FFC, v58  }
0x64: {  	[tilespmem:s23+$0xA0] =	vst v0;
	v61 =	vor.u32 v57, v2;
	v1 =	vand.u32 $0x3, v59;
	v62 =	vor.u32 v60, v4  }
0x65: {  	[tilespmem:s23+$0xB0] =	vst v61;
	v63 =	vor.u32 v1, v62  }
0x66: {  	[tilespmem:s23+$0xC0] =	vst v63;
	s23 =	simm.s32 $0x0  }
0x67: {  	[tilespmem:s9], [sflag:$0x1] =	stream.indirect.gather [hbm4b:s3+s8], $0x20, s23, s8, $0xb8;
	[tilespmem:$0x12400] =	vst v63  }
0x68: {  	_ = 	snop  }
0x69: {  	[tilespmem:s11], [sflag:$0x2] =	stream.indirect.gather [hbm4b:s3+s8], $0x20, s10, s8, $0xb8;
	[tilespmem:$0x12400] =	vst v63  }
0x6a: {  	_ = 	snop  }
0x6b: {  	[tilespmem:s13], [sflag:$0x3] =	stream.indirect.gather [hbm4b:s3+s8], $0x20, s12, s8, $0xb8;
	[tilespmem:$0x12400] =	vst v63  }
0x6c: {  	s24 =	sshll.u32 s22, $0x6  }
0x6d: {  	[tilespmem:s15], [sflag:$0x4] =	stream.indirect.gather [hbm4b:s3+s8], $0x20, s14, s8, $0xb8;
	[tilespmem:$0x12400] =	vst v63  }
.LBB2_5:
0x6e: {  	_ =	swait.ge [sflag:s16], $0x1900  }
0x6f: {  	[sflag:s16] =	ssyncset.done $0x0  }
0x70: {  	s26 =	simm.s32 $0x40A0;
	[sflag:s16] =	ssyncadd.s32 $0xFFFFE700  }
0x71: {  	v0 =	vld [tilespmem:s26+$0xFFFFFF60]  }
0x72: {  	v1 =	vld [tilespmem:s26+$0xFFFFFF70]  }
0x73: {  	v2 =	vld [tilespmem:s26+$0xFFFFFF80]  }
0x74: {  	v3 =	vld [tilespmem:s26+$0xFFFFFF90]  }
0x75: {  	v4 =	vld [tilespmem:s26+$0xFFFFFFA0]  }
0x76: {  	v5 =	vimm.f32 $0.0e+00;
	v7 =	vld [tilespmem:s26+$0xFFFFFFB0];
	v6 =	vshll.u32 v0, $0x10  }
0x77: {  	v9 =	vld [tilespmem:s26+$0xFFFFFFC0];
	v0 =	vadd.f32 v0, v5;
	v8 =	vshll.u32 v1, $0x10;
	v6 =	vadd.f32 v6, v5  }
0x78: {  	v10 =	vld [tilespmem:s26+$0xFFFFFFD0];
	v1 =	vadd.f32 v1, v5;
	v8 =	vadd.f32 v8, v5;
	v5 =	vshll.u32 v2, $0x10  }
0x79: {  	v0 =	vadd.f32 v2, v0;
	v2 =	vshll.u32 v3, $0x10;
	v5 =	vadd.f32 v5, v6;
	v6 =	vld [tilespmem:s26+$0xFFFFFFE0]  }
0x7a: {  	v1 =	vadd.f32 v3, v1;
	v3 =	vshll.u32 v4, $0x10;
	v2 =	vadd.f32 v2, v8;
	v8 =	vld [tilespmem:s26+$0xFFFFFFF0]  }
0x7b: {  	v0 =	vadd.f32 v4, v0;
	v4 =	vshll.u32 v7, $0x10;
	v3 =	vadd.f32 v3, v5;
	v5 =	vld [tilespmem:s26+$0x0]  }
0x7c: {  	v1 =	vadd.f32 v7, v1;
	v7 =	vld [tilespmem:s26+$0x10];
	v2 =	vadd.f32 v4, v2;
	v4 =	vshll.u32 v9, $0x10  }
0x7d: {  	v0 =	vadd.f32 v9, v0;
	v9 =	vld [tilespmem:s26+$0x20];
	v3 =	vadd.f32 v4, v3;
	v4 =	vshll.u32 v10, $0x10  }
0x7e: {  	v1 =	vadd.f32 v10, v1;
	v10 =	vld [tilespmem:s26+$0x30];
	v2 =	vadd.f32 v4, v2;
	v4 =	vshll.u32 v6, $0x10  }
0x7f: {  	v0 =	vadd.f32 v6, v0;
	v6 =	vshll.u32 v8, $0x10;
	v3 =	vadd.f32 v4, v3;
	v4 =	vld [tilespmem:s26+$0x40]  }
0x80: {  	v1 =	vadd.f32 v8, v1;
	v6 =	vadd.f32 v6, v2;
	v8 =	vshll.u32 v5, $0x10;
	v2 =	vld [tilespmem:s26+$0x50]  }
0x81: {  	v5 =	vadd.f32 v5, v0;
	v0 =	vld [tilespmem:s26+$0x60];
	v3 =	vadd.f32 v8, v3;
	v8 =	vshll.u32 v7, $0x10  }
0x82: {  	v7 =	vadd.f32 v7, v1;
	v1 =	vld [tilespmem:s26+$0x70];
	v11 =	vadd.f32 v8, v6;
	v6 =	vshll.u32 v9, $0x10  }
0x83: {  	v8 =	vadd.f32 v6, v3;
	v6 =	vadd.f32 v9, v5;
	v5 =	vshll.u32 v10, $0x10;
	v3 =	vld [tilespmem:s26+$0x80]  }
0x84: {  	s25 =	simm.s32 $0x0;
	v7 =	vadd.f32 v10, v7;
	v9 =	vadd.f32 v5, v11;
	v10 =	vshll.u32 v4, $0x10;
	v5 =	vld [tilespmem:s26+$0x90];
	s26 =	simm.s32 $0x41E0  }
.LBB2_6:
0x85: {  	v11 =	vld [tilespmem:s26+$0xFFFFFF60];
	v8 =	vadd.f32 v10, v8;
	v4 =	vadd.f32 v4, v6;
	v6 =	vshll.u32 v2, $0x10  }
0x86: {  	s25 =	sadd.s32 $0xA, s25;
	v10 =	vld [tilespmem:s26+$0xFFFFFF70];
	v6 =	vadd.f32 v6, v9;
	v2 =	vadd.f32 v2, v7;
	v7 =	vshll.u32 v0, $0x10  }
0x87: {  	p0 =	slt.u32 s25, $0xBE;
	v9 =	vld [tilespmem:s26+$0xFFFFFF80];
	v7 =	vadd.f32 v7, v8;
	v0 =	vadd.f32 v0, v4;
	v4 =	vshll.u32 v1, $0x10  }
0x88: {  	v8 =	vld [tilespmem:s26+$0xFFFFFF90];
	v4 =	vadd.f32 v4, v6;
	v1 =	vadd.f32 v1, v2;
	v2 =	vshll.u32 v3, $0x10  }
0x89: {  	v6 =	vld [tilespmem:s26+$0xFFFFFFA0];
	v2 =	vadd.f32 v2, v7;
	v0 =	vadd.f32 v3, v0;
	v3 =	vshll.u32 v5, $0x10  }
0x8a: {  	v7 =	vshll.u32 v11, $0x10;
	v12 =	vld [tilespmem:s26+$0xFFFFFFB0];
	v3 =	vadd.f32 v3, v4;
	v1 =	vadd.f32 v5, v1  }
0x8b: {  	v2 =	vadd.f32 v7, v2;
	v0 =	vadd.f32 v11, v0;
	v4 =	vshll.u32 v10, $0x10;
	v5 =	vld [tilespmem:s26+$0xFFFFFFC0]  }
0x8c: {  	v3 =	vadd.f32 v4, v3;
	v1 =	vadd.f32 v10, v1;
	v4 =	vshll.u32 v9, $0x10;
	v7 =	vld [tilespmem:s26+$0xFFFFFFD0]  }
0x8d: {  	v2 =	vadd.f32 v4, v2;
	v0 =	vadd.f32 v9, v0;
	v4 =	vshll.u32 v8, $0x10;
	v9 =	vld [tilespmem:s26+$0xFFFFFFE0]  }
0x8e: {  	v3 =	vadd.f32 v4, v3;
	v1 =	vadd.f32 v8, v1;
	v4 =	vshll.u32 v6, $0x10;
	v8 =	vld [tilespmem:s26+$0xFFFFFFF0]  }
0x8f: {  	v2 =	vadd.f32 v4, v2;
	v0 =	vadd.f32 v6, v0;
	v4 =	vshll.u32 v12, $0x10;
	v6 =	vld [tilespmem:s26+$0x0]  }
0x90: {  	v3 =	vadd.f32 v4, v3;
	v1 =	vadd.f32 v12, v1;
	v4 =	vshll.u32 v5, $0x10;
	v10 =	vld [tilespmem:s26+$0x10]  }
0x91: {  	v2 =	vadd.f32 v4, v2;
	v0 =	vadd.f32 v5, v0;
	v4 =	vshll.u32 v7, $0x10;
	v5 =	vld [tilespmem:s26+$0x20]  }
0x92: {  	v3 =	vadd.f32 v4, v3;
	v1 =	vadd.f32 v7, v1;
	v4 =	vshll.u32 v9, $0x10;
	v7 =	vld [tilespmem:s26+$0x30]  }
0x93: {  	v11 =	vadd.f32 v4, v2;
	v0 =	vadd.f32 v9, v0;
	v2 =	vshll.u32 v8, $0x10;
	v4 =	vld [tilespmem:s26+$0x40]  }
.Ltmp5:
0x94: {  	v3 =	vadd.f32 v2, v3;
	v1 =	vadd.f32 v8, v1;
	v8 =	vshll.u32 v6, $0x10;
	v2 =	vld [tilespmem:s26+$0x50];
	(pc) =	sbr.rel @p0 .LBB2_6-.Ltmp5, $4  }
0x95: {  	v8 =	vadd.f32 v8, v11;
	v6 =	vadd.f32 v6, v0;
	v9 =	vshll.u32 v10, $0x10;
	v0 =	vld [tilespmem:s26+$0x60]  }
0x96: {  	v9 =	vadd.f32 v9, v3;
	v10 =	vadd.f32 v10, v1;
	v3 =	vshll.u32 v5, $0x10;
	v1 =	vld [tilespmem:s26+$0x70]  }
0x97: {  	v8 =	vadd.f32 v3, v8;
	v6 =	vadd.f32 v5, v6;
	v5 =	vshll.u32 v7, $0x10;
	v3 =	vld [tilespmem:s26+$0x80]  }
0x98: {  	v9 =	vadd.f32 v5, v9;
	v7 =	vadd.f32 v7, v10;
	v10 =	vshll.u32 v4, $0x10;
	v5 =	vld [tilespmem:s26+$0x90];
	s26 =	sadd.s32 $0x140, s26  }
0x99: {  	v8 =	vadd.f32 v10, v8;
	v10 =	vshll.u32 v2, $0x10  }
0x9a: {  	v4 =	vadd.f32 v4, v6;
	v9 =	vadd.f32 v10, v9;
	v10 =	vshll.u32 v0, $0x10  }
0x9b: {  	s26 =	sshll.u32 s23, $0x2;
	v2 =	vadd.f32 v2, v7;
	v6 =	vadd.f32 v10, v8;
	v8 =	vshll.u32 v1, $0x10  }
0x9c: {  	s25 =	sadd.s32 s24, s26;
	v0 =	vadd.f32 v0, v4;
	v7 =	vadd.f32 v8, v9;
	v8 =	vshll.u32 v3, $0x10  }
0x9d: {  	s25 =	sshll.u32 s25, $0x6;
	v4 =	vadd.f32 v8, v6  }
0x9e: {  	v1 =	vadd.f32 v1, v2;
	s28 =	sand.u32 $0x3FFFFFC0, s25;
	v6 =	vshll.u32 v5, $0x10;
	v0 =	vadd.f32 v3, v0  }
0x9f: {  	p0 =	seq.s32 s23, $0xF;
	v2 =	vadd.f32 v6, v7;
	[tilespmem:s28+$0xA400] =	vst v4  }
0xa0: {  	s25 =	sshll.u32 @!p0 s23, $0xA;
	v1 =	vadd.f32 v5, v1;
	[tilespmem:s28+$0xA420] =	vst v0  }
0xa1: {  	s25 =	sand.u32 @!p0 $0x3FFFFC00, s25;
	[tilespmem:s28+$0xA410] =	vst v2  }
0xa2: {  	s29 =	simm.s32 @!p0 $0xC8;
	s30 =	simm.s32 @!p0 $0x4000;
	[tilespmem:s28+$0xA430] =	vst v1;
	s28 =	sadd.s32 @!p0 $0x400, s25  }
0xa3: {  	[tilespmem:s30], [sflag:$0x1] =	stream.indirect.gather @!p0 [hbm4b:s3+s29], $0x20, s28, s29, $0xb8;
	[tilespmem:$0x12400] =	vst v63  }
0xa4: {  	_ =	swait.ge [sflag:s17], $0x1900  }
0xa5: {  	[sflag:s17] =	ssyncset.done $0x0  }
0xa6: {  	s29 =	simm.s32 $0x5A30;
	[sflag:s17] =	ssyncadd.s32 $0xFFFFE700  }
0xa7: {  	v0 =	vld [tilespmem:s29+$0xFFFFFED0]  }
0xa8: {  	v1 =	vld [tilespmem:s29+$0xFFFFFEE0]  }
0xa9: {  	v2 =	vld [tilespmem:s29+$0xFFFFFEF0]  }
0xaa: {  	v3 =	vld [tilespmem:s29+$0xFFFFFF00]  }
0xab: {  	v4 =	vld [tilespmem:s29+$0xFFFFFF10]  }
0xac: {  	v5 =	vimm.f32 $0.0e+00;
	v7 =	vld [tilespmem:s29+$0xFFFFFF20];
	v6 =	vshll.u32 v0, $0x10  }
0xad: {  	v9 =	vld [tilespmem:s29+$0xFFFFFF30];
	v0 =	vadd.f32 v0, v5;
	v8 =	vshll.u32 v1, $0x10;
	v6 =	vadd.f32 v6, v5  }
0xae: {  	v10 =	vld [tilespmem:s29+$0xFFFFFF40];
	v1 =	vadd.f32 v1, v5;
	v8 =	vadd.f32 v8, v5;
	v5 =	vshll.u32 v2, $0x10  }
0xaf: {  	v0 =	vadd.f32 v2, v0;
	v2 =	vshll.u32 v3, $0x10;
	v5 =	vadd.f32 v5, v6;
	v6 =	vld [tilespmem:s29+$0xFFFFFF50]  }
0xb0: {  	v1 =	vadd.f32 v3, v1;
	v3 =	vshll.u32 v4, $0x10;
	v2 =	vadd.f32 v2, v8;
	v8 =	vld [tilespmem:s29+$0xFFFFFF60]  }
0xb1: {  	v0 =	vadd.f32 v4, v0;
	v4 =	vshll.u32 v7, $0x10;
	v3 =	vadd.f32 v3, v5;
	v5 =	vld [tilespmem:s29+$0xFFFFFF70]  }
0xb2: {  	v1 =	vadd.f32 v7, v1;
	v7 =	vld [tilespmem:s29+$0xFFFFFF80];
	v2 =	vadd.f32 v4, v2;
	v4 =	vshll.u32 v9, $0x10  }
0xb3: {  	v0 =	vadd.f32 v9, v0;
	v9 =	vld [tilespmem:s29+$0xFFFFFF90];
	v3 =	vadd.f32 v4, v3;
	v4 =	vshll.u32 v10, $0x10  }
0xb4: {  	v1 =	vadd.f32 v10, v1;
	v10 =	vld [tilespmem:s29+$0xFFFFFFA0];
	v2 =	vadd.f32 v4, v2;
	v4 =	vshll.u32 v6, $0x10  }
0xb5: {  	v0 =	vadd.f32 v6, v0;
	v6 =	vshll.u32 v8, $0x10;
	v3 =	vadd.f32 v4, v3;
	v4 =	vld [tilespmem:s29+$0xFFFFFFB0]  }
0xb6: {  	v1 =	vadd.f32 v8, v1;
	v6 =	vadd.f32 v6, v2;
	v8 =	vshll.u32 v5, $0x10;
	v2 =	vld [tilespmem:s29+$0xFFFFFFC0]  }
0xb7: {  	v5 =	vadd.f32 v5, v0;
	v0 =	vld [tilespmem:s29+$0xFFFFFFD0];
	v3 =	vadd.f32 v8, v3;
	v8 =	vshll.u32 v7, $0x10  }
0xb8: {  	v7 =	vadd.f32 v7, v1;
	v1 =	vld [tilespmem:s29+$0xFFFFFFE0];
	v11 =	vadd.f32 v8, v6;
	v6 =	vshll.u32 v9, $0x10  }
0xb9: {  	v8 =	vadd.f32 v6, v3;
	v6 =	vadd.f32 v9, v5;
	v5 =	vshll.u32 v10, $0x10;
	v3 =	vld [tilespmem:s29+$0xFFFFFFF0]  }
0xba: {  	s28 =	simm.s32 $0x0;
	v7 =	vadd.f32 v10, v7;
	v9 =	vadd.f32 v5, v11;
	v10 =	vshll.u32 v4, $0x10;
	v5 =	vld [tilespmem:s29+$0x0];
	s29 =	simm.s32 $0x5B70  }
.LBB2_8:
0xbb: {  	v11 =	vld [tilespmem:s29+$0xFFFFFED0];
	v8 =	vadd.f32 v10, v8;
	v4 =	vadd.f32 v4, v6;
	v6 =	vshll.u32 v2, $0x10  }
0xbc: {  	s28 =	sadd.s32 $0xA, s28;
	v10 =	vld [tilespmem:s29+$0xFFFFFEE0];
	v6 =	vadd.f32 v6, v9;
	v2 =	vadd.f32 v2, v7;
	v7 =	vshll.u32 v0, $0x10  }
0xbd: {  	p1 =	slt.u32 s28, $0xBE;
	v9 =	vld [tilespmem:s29+$0xFFFFFEF0];
	v7 =	vadd.f32 v7, v8;
	v0 =	vadd.f32 v0, v4;
	v4 =	vshll.u32 v1, $0x10  }
0xbe: {  	v8 =	vld [tilespmem:s29+$0xFFFFFF00];
	v4 =	vadd.f32 v4, v6;
	v1 =	vadd.f32 v1, v2;
	v2 =	vshll.u32 v3, $0x10  }
0xbf: {  	v6 =	vld [tilespmem:s29+$0xFFFFFF10];
	v2 =	vadd.f32 v2, v7;
	v0 =	vadd.f32 v3, v0;
	v3 =	vshll.u32 v5, $0x10  }
0xc0: {  	v7 =	vshll.u32 v11, $0x10;
	v12 =	vld [tilespmem:s29+$0xFFFFFF20];
	v3 =	vadd.f32 v3, v4;
	v1 =	vadd.f32 v5, v1  }
0xc1: {  	v2 =	vadd.f32 v7, v2;
	v0 =	vadd.f32 v11, v0;
	v4 =	vshll.u32 v10, $0x10;
	v5 =	vld [tilespmem:s29+$0xFFFFFF30]  }
0xc2: {  	v3 =	vadd.f32 v4, v3;
	v1 =	vadd.f32 v10, v1;
	v4 =	vshll.u32 v9, $0x10;
	v7 =	vld [tilespmem:s29+$0xFFFFFF40]  }
0xc3: {  	v2 =	vadd.f32 v4, v2;
	v0 =	vadd.f32 v9, v0;
	v4 =	vshll.u32 v8, $0x10;
	v9 =	vld [tilespmem:s29+$0xFFFFFF50]  }
0xc4: {  	v3 =	vadd.f32 v4, v3;
	v1 =	vadd.f32 v8, v1;
	v4 =	vshll.u32 v6, $0x10;
	v8 =	vld [tilespmem:s29+$0xFFFFFF60]  }
0xc5: {  	v2 =	vadd.f32 v4, v2;
	v0 =	vadd.f32 v6, v0;
	v4 =	vshll.u32 v12, $0x10;
	v6 =	vld [tilespmem:s29+$0xFFFFFF70]  }
0xc6: {  	v3 =	vadd.f32 v4, v3;
	v1 =	vadd.f32 v12, v1;
	v4 =	vshll.u32 v5, $0x10;
	v10 =	vld [tilespmem:s29+$0xFFFFFF80]  }
0xc7: {  	v2 =	vadd.f32 v4, v2;
	v0 =	vadd.f32 v5, v0;
	v4 =	vshll.u32 v7, $0x10;
	v5 =	vld [tilespmem:s29+$0xFFFFFF90]  }
0xc8: {  	v3 =	vadd.f32 v4, v3;
	v1 =	vadd.f32 v7, v1;
	v4 =	vshll.u32 v9, $0x10;
	v7 =	vld [tilespmem:s29+$0xFFFFFFA0]  }
0xc9: {  	v11 =	vadd.f32 v4, v2;
	v0 =	vadd.f32 v9, v0;
	v2 =	vshll.u32 v8, $0x10;
	v4 =	vld [tilespmem:s29+$0xFFFFFFB0]  }
.Ltmp6:
0xca: {  	v3 =	vadd.f32 v2, v3;
	v1 =	vadd.f32 v8, v1;
	v8 =	vshll.u32 v6, $0x10;
	v2 =	vld [tilespmem:s29+$0xFFFFFFC0];
	(pc) =	sbr.rel @p1 .LBB2_8-.Ltmp6, $4  }
0xcb: {  	v8 =	vadd.f32 v8, v11;
	v6 =	vadd.f32 v6, v0;
	v9 =	vshll.u32 v10, $0x10;
	v0 =	vld [tilespmem:s29+$0xFFFFFFD0]  }
0xcc: {  	v9 =	vadd.f32 v9, v3;
	v10 =	vadd.f32 v10, v1;
	v3 =	vshll.u32 v5, $0x10;
	v1 =	vld [tilespmem:s29+$0xFFFFFFE0]  }
0xcd: {  	v8 =	vadd.f32 v3, v8;
	v6 =	vadd.f32 v5, v6;
	v5 =	vshll.u32 v7, $0x10;
	v3 =	vld [tilespmem:s29+$0xFFFFFFF0]  }
0xce: {  	v9 =	vadd.f32 v5, v9;
	v7 =	vadd.f32 v7, v10;
	v10 =	vshll.u32 v4, $0x10;
	v5 =	vld [tilespmem:s29+$0x0];
	s29 =	sadd.s32 $0x140, s29  }
0xcf: {  	v8 =	vadd.f32 v10, v8;
	v10 =	vshll.u32 v2, $0x10  }
0xd0: {  	v4 =	vadd.f32 v4, v6;
	v9 =	vadd.f32 v10, v9;
	v10 =	vshll.u32 v0, $0x10  }
0xd1: {  	s26 =	sadd.s32 s26, s24;
	v2 =	vadd.f32 v2, v7;
	v6 =	vadd.f32 v10, v8;
	v8 =	vshll.u32 v1, $0x10  }
0xd2: {  	s26 =	sshll.u32 s26, $0x6;
	v0 =	vadd.f32 v0, v4;
	v7 =	vadd.f32 v8, v9;
	v8 =	vshll.u32 v3, $0x10  }
0xd3: {  	s28 =	sadd.s32 $0x40, s26;
	v4 =	vadd.f32 v8, v6  }
0xd4: {  	v1 =	vadd.f32 v1, v2;
	s28 =	sand.u32 $0x3FFFFFC0, s28;
	v6 =	vshll.u32 v5, $0x10;
	v0 =	vadd.f32 v3, v0  }
0xd5: {  	v2 =	vadd.f32 v6, v7;
	[tilespmem:s28+$0xA400] =	vst v4  }
0xd6: {  	v1 =	vadd.f32 v5, v1;
	[tilespmem:s28+$0xA420] =	vst v0  }
0xd7: {  	[tilespmem:s28+$0xA410] =	vst v2  }
0xd8: {  	s29 =	simm.s32 @!p0 $0xC8;
	s30 =	simm.s32 @!p0 $0x5900;
	[tilespmem:s28+$0xA430] =	vst v1;
	s28 =	sadd.s32 @!p0 $0x500, s25  }
0xd9: {  	[tilespmem:s30], [sflag:$0x2] =	stream.indirect.gather @!p0 [hbm4b:s3+s29], $0x20, s28, s29, $0xb8;
	[tilespmem:$0x12400] =	vst v63  }
0xda: {  	_ =	swait.ge [sflag:s18], $0x1900  }
0xdb: {  	[sflag:s18] =	ssyncset.done $0x0  }
0xdc: {  	s29 =	simm.s32 $0x7330;
	[sflag:s18] =	ssyncadd.s32 $0xFFFFE700  }
0xdd: {  	v0 =	vld [tilespmem:s29+$0xFFFFFED0]  }
0xde: {  	v1 =	vld [tilespmem:s29+$0xFFFFFEE0]  }
0xdf: {  	v2 =	vld [tilespmem:s29+$0xFFFFFEF0]  }
0xe0: {  	v3 =	vld [tilespmem:s29+$0xFFFFFF00]  }
0xe1: {  	v4 =	vld [tilespmem:s29+$0xFFFFFF10]  }
0xe2: {  	v5 =	vimm.f32 $0.0e+00;
	v7 =	vld [tilespmem:s29+$0xFFFFFF20];
	v6 =	vshll.u32 v0, $0x10  }
0xe3: {  	v9 =	vld [tilespmem:s29+$0xFFFFFF30];
	v0 =	vadd.f32 v0, v5;
	v8 =	vshll.u32 v1, $0x10;
	v6 =	vadd.f32 v6, v5  }
0xe4: {  	v10 =	vld [tilespmem:s29+$0xFFFFFF40];
	v1 =	vadd.f32 v1, v5;
	v8 =	vadd.f32 v8, v5;
	v5 =	vshll.u32 v2, $0x10  }
0xe5: {  	v0 =	vadd.f32 v2, v0;
	v2 =	vshll.u32 v3, $0x10;
	v5 =	vadd.f32 v5, v6;
	v6 =	vld [tilespmem:s29+$0xFFFFFF50]  }
0xe6: {  	v1 =	vadd.f32 v3, v1;
	v3 =	vshll.u32 v4, $0x10;
	v2 =	vadd.f32 v2, v8;
	v8 =	vld [tilespmem:s29+$0xFFFFFF60]  }
0xe7: {  	v0 =	vadd.f32 v4, v0;
	v4 =	vshll.u32 v7, $0x10;
	v3 =	vadd.f32 v3, v5;
	v5 =	vld [tilespmem:s29+$0xFFFFFF70]  }
0xe8: {  	v1 =	vadd.f32 v7, v1;
	v7 =	vld [tilespmem:s29+$0xFFFFFF80];
	v2 =	vadd.f32 v4, v2;
	v4 =	vshll.u32 v9, $0x10  }
0xe9: {  	v0 =	vadd.f32 v9, v0;
	v9 =	vld [tilespmem:s29+$0xFFFFFF90];
	v3 =	vadd.f32 v4, v3;
	v4 =	vshll.u32 v10, $0x10  }
0xea: {  	v1 =	vadd.f32 v10, v1;
	v10 =	vld [tilespmem:s29+$0xFFFFFFA0];
	v2 =	vadd.f32 v4, v2;
	v4 =	vshll.u32 v6, $0x10  }
0xeb: {  	v3 =	vadd.f32 v4, v3;
	v4 =	vadd.f32 v6, v0;
	v6 =	vshll.u32 v8, $0x10;
	v0 =	vld [tilespmem:s29+$0xFFFFFFB0]  }
0xec: {  	v8 =	vadd.f32 v8, v1;
	v1 =	vld [tilespmem:s29+$0xFFFFFFC0];
	v6 =	vadd.f32 v6, v2;
	v2 =	vshll.u32 v5, $0x10  }
0xed: {  	v11 =	vadd.f32 v2, v3;
	v4 =	vadd.f32 v5, v4;
	v3 =	vshll.u32 v7, $0x10;
	v2 =	vld [tilespmem:s29+$0xFFFFFFD0]  }
0xee: {  	v7 =	vadd.f32 v7, v8;
	v5 =	vadd.f32 v3, v6;
	v6 =	vshll.u32 v9, $0x10;
	v3 =	vld [tilespmem:s29+$0xFFFFFFE0]  }
0xef: {  	v8 =	vadd.f32 v6, v11;
	v6 =	vadd.f32 v9, v4;
	v9 =	vshll.u32 v10, $0x10;
	v4 =	vld [tilespmem:s29+$0xFFFFFFF0]  }
0xf0: {  	s28 =	simm.s32 $0x0;
	v7 =	vadd.f32 v10, v7;
	v9 =	vadd.f32 v9, v5;
	v10 =	vshll.u32 v0, $0x10;
	v5 =	vld [tilespmem:s29+$0x0];
	s29 =	simm.s32 $0x7470  }
.LBB2_10:
0xf1: {  	v11 =	vld [tilespmem:s29+$0xFFFFFED0];
	v8 =	vadd.f32 v10, v8;
	v0 =	vadd.f32 v0, v6;
	v6 =	vshll.u32 v1, $0x10  }
0xf2: {  	s28 =	sadd.s32 $0xA, s28;
	v10 =	vld [tilespmem:s29+$0xFFFFFEE0];
	v6 =	vadd.f32 v6, v9;
	v1 =	vadd.f32 v1, v7;
	v7 =	vshll.u32 v2, $0x10  }
0xf3: {  	p1 =	slt.u32 s28, $0xBE;
	v9 =	vld [tilespmem:s29+$0xFFFFFEF0];
	v7 =	vadd.f32 v7, v8;
	v0 =	vadd.f32 v2, v0;
	v2 =	vshll.u32 v3, $0x10  }
0xf4: {  	v8 =	vld [tilespmem:s29+$0xFFFFFF00];
	v2 =	vadd.f32 v2, v6;
	v1 =	vadd.f32 v3, v1;
	v3 =	vshll.u32 v4, $0x10  }
0xf5: {  	v6 =	vld [tilespmem:s29+$0xFFFFFF10];
	v3 =	vadd.f32 v3, v7;
	v0 =	vadd.f32 v4, v0;
	v4 =	vshll.u32 v5, $0x10  }
0xf6: {  	v7 =	vshll.u32 v11, $0x10;
	v12 =	vld [tilespmem:s29+$0xFFFFFF20];
	v2 =	vadd.f32 v4, v2;
	v1 =	vadd.f32 v5, v1  }
0xf7: {  	v3 =	vadd.f32 v7, v3;
	v0 =	vadd.f32 v11, v0;
	v4 =	vshll.u32 v10, $0x10;
	v5 =	vld [tilespmem:s29+$0xFFFFFF30]  }
0xf8: {  	v2 =	vadd.f32 v4, v2;
	v1 =	vadd.f32 v10, v1;
	v4 =	vshll.u32 v9, $0x10;
	v7 =	vld [tilespmem:s29+$0xFFFFFF40]  }
0xf9: {  	v3 =	vadd.f32 v4, v3;
	v0 =	vadd.f32 v9, v0;
	v4 =	vshll.u32 v8, $0x10;
	v9 =	vld [tilespmem:s29+$0xFFFFFF50]  }
0xfa: {  	v2 =	vadd.f32 v4, v2;
	v1 =	vadd.f32 v8, v1;
	v4 =	vshll.u32 v6, $0x10;
	v8 =	vld [tilespmem:s29+$0xFFFFFF60]  }
0xfb: {  	v3 =	vadd.f32 v4, v3;
	v0 =	vadd.f32 v6, v0;
	v4 =	vshll.u32 v12, $0x10;
	v6 =	vld [tilespmem:s29+$0xFFFFFF70]  }
0xfc: {  	v2 =	vadd.f32 v4, v2;
	v1 =	vadd.f32 v12, v1;
	v4 =	vshll.u32 v5, $0x10;
	v10 =	vld [tilespmem:s29+$0xFFFFFF80]  }
0xfd: {  	v3 =	vadd.f32 v4, v3;
	v0 =	vadd.f32 v5, v0;
	v4 =	vshll.u32 v7, $0x10;
	v5 =	vld [tilespmem:s29+$0xFFFFFF90]  }
0xfe: {  	v2 =	vadd.f32 v4, v2;
	v1 =	vadd.f32 v7, v1;
	v4 =	vshll.u32 v9, $0x10;
	v7 =	vld [tilespmem:s29+$0xFFFFFFA0]  }
0xff: {  	v3 =	vadd.f32 v4, v3;
	v4 =	vadd.f32 v9, v0;
	v9 =	vshll.u32 v8, $0x10;
	v0 =	vld [tilespmem:s29+$0xFFFFFFB0]  }
.Ltmp7:
0x100: {  	v9 =	vadd.f32 v9, v2;
	v8 =	vadd.f32 v8, v1;
	v2 =	vshll.u32 v6, $0x10;
	v1 =	vld [tilespmem:s29+$0xFFFFFFC0];
	(pc) =	sbr.rel @p1 .LBB2_10-.Ltmp7, $4  }
0x101: {  	v11 =	vadd.f32 v2, v3;
	v4 =	vadd.f32 v6, v4;
	v3 =	vshll.u32 v10, $0x10;
	v2 =	vld [tilespmem:s29+$0xFFFFFFD0]  }
0x102: {  	v9 =	vadd.f32 v3, v9;
	v10 =	vadd.f32 v10, v8;
	v6 =	vshll.u32 v5, $0x10;
	v3 =	vld [tilespmem:s29+$0xFFFFFFE0]  }
0x103: {  	v8 =	vadd.f32 v6, v11;
	v6 =	vadd.f32 v5, v4;
	v5 =	vshll.u32 v7, $0x10;
	v4 =	vld [tilespmem:s29+$0xFFFFFFF0]  }
0x104: {  	v9 =	vadd.f32 v5, v9;
	v7 =	vadd.f32 v7, v10;
	v10 =	vshll.u32 v0, $0x10;
	v5 =	vld [tilespmem:s29+$0x0];
	s29 =	sadd.s32 $0x140, s29  }
0x105: {  	v8 =	vadd.f32 v10, v8;
	v10 =	vshll.u32 v1, $0x10  }
0x106: {  	v0 =	vadd.f32 v0, v6;
	v9 =	vadd.f32 v10, v9;
	v10 =	vshll.u32 v2, $0x10  }
0x107: {  	v1 =	vadd.f32 v1, v7;
	v6 =	vadd.f32 v10, v8;
	v8 =	vshll.u32 v3, $0x10  }
0x108: {  	v0 =	vadd.f32 v2, v0;
	v7 =	vadd.f32 v8, v9;
	v8 =	vshll.u32 v4, $0x10  }
0x109: {  	s28 =	sadd.s32 $0x80, s26;
	v2 =	vadd.f32 v8, v6  }
0x10a: {  	s28 =	sand.u32 $0x3FFFFFC0, s28;
	v1 =	vadd.f32 v3, v1;
	v6 =	vshll.u32 v5, $0x10;
	v0 =	vadd.f32 v4, v0  }
0x10b: {  	v3 =	vadd.f32 v6, v7;
	[tilespmem:s28+$0xA400] =	vst v2  }
0x10c: {  	v1 =	vadd.f32 v5, v1;
	[tilespmem:s28+$0xA420] =	vst v0  }
0x10d: {  	[tilespmem:s28+$0xA410] =	vst v3  }
0x10e: {  	s25 =	sadd.s32 @!p0 $0x600, s25;
	s29 =	simm.s32 @!p0 $0x7200;
	[tilespmem:s28+$0xA430] =	vst v1;
	s28 =	simm.s32 @!p0 $0xC8  }
0x10f: {  	[tilespmem:s29], [sflag:$0x3] =	stream.indirect.gather @!p0 [hbm4b:s3+s28], $0x20, s25, s28, $0xb8;
	[tilespmem:$0x12400] =	vst v63  }
0x110: {  	_ =	swait.ge [sflag:s19], $0x1900  }
0x111: {  	[sflag:s19] =	ssyncset.done $0x0  }
0x112: {  	s28 =	simm.s32 $0x8B00;
	[sflag:s19] =	ssyncadd.s32 $0xFFFFE700  }
0x113: {  	v0 =	vld [tilespmem:s28+$0x0]  }
0x114: {  	v1 =	vld [tilespmem:s28+$0x10]  }
0x115: {  	v2 =	vld [tilespmem:s28+$0x20]  }
0x116: {  	v3 =	vld [tilespmem:s28+$0x30]  }
0x117: {  	v4 =	vld [tilespmem:s28+$0x40]  }
0x118: {  	v5 =	vimm.f32 $0.0e+00;
	v7 =	vld [tilespmem:s28+$0x50];
	v6 =	vshll.u32 v0, $0x10  }
0x119: {  	v9 =	vld [tilespmem:s28+$0x60];
	v0 =	vadd.f32 v0, v5;
	v8 =	vshll.u32 v1, $0x10;
	v6 =	vadd.f32 v6, v5  }
0x11a: {  	v10 =	vld [tilespmem:s28+$0x70];
	v1 =	vadd.f32 v1, v5;
	v8 =	vadd.f32 v8, v5;
	v5 =	vshll.u32 v2, $0x10  }
0x11b: {  	v0 =	vadd.f32 v2, v0;
	v2 =	vshll.u32 v3, $0x10;
	v5 =	vadd.f32 v5, v6;
	v6 =	vld [tilespmem:s28+$0x80]  }
0x11c: {  	v1 =	vadd.f32 v3, v1;
	v3 =	vshll.u32 v4, $0x10;
	v2 =	vadd.f32 v2, v8;
	v8 =	vld [tilespmem:s28+$0x90]  }
0x11d: {  	v0 =	vadd.f32 v4, v0;
	v4 =	vshll.u32 v7, $0x10;
	v3 =	vadd.f32 v3, v5;
	v5 =	vld [tilespmem:s28+$0xA0]  }
0x11e: {  	v1 =	vadd.f32 v7, v1;
	v7 =	vld [tilespmem:s28+$0xB0];
	v2 =	vadd.f32 v4, v2;
	v4 =	vshll.u32 v9, $0x10  }
0x11f: {  	v0 =	vadd.f32 v9, v0;
	v9 =	vld [tilespmem:s28+$0xC0];
	v3 =	vadd.f32 v4, v3;
	v4 =	vshll.u32 v10, $0x10  }
0x120: {  	v1 =	vadd.f32 v10, v1;
	v10 =	vld [tilespmem:s28+$0xD0];
	v2 =	vadd.f32 v4, v2;
	v4 =	vshll.u32 v6, $0x10  }
0x121: {  	v3 =	vadd.f32 v4, v3;
	v4 =	vadd.f32 v6, v0;
	v6 =	vshll.u32 v8, $0x10;
	v0 =	vld [tilespmem:s28+$0xE0]  }
0x122: {  	v8 =	vadd.f32 v8, v1;
	v1 =	vld [tilespmem:s28+$0xF0];
	v6 =	vadd.f32 v6, v2;
	v2 =	vshll.u32 v5, $0x10  }
0x123: {  	v11 =	vadd.f32 v2, v3;
	v4 =	vadd.f32 v5, v4;
	v3 =	vshll.u32 v7, $0x10;
	v2 =	vld [tilespmem:s28+$0x100]  }
0x124: {  	v7 =	vadd.f32 v7, v8;
	v5 =	vadd.f32 v3, v6;
	v6 =	vshll.u32 v9, $0x10;
	v3 =	vld [tilespmem:s28+$0x110]  }
0x125: {  	v8 =	vadd.f32 v6, v11;
	v6 =	vadd.f32 v9, v4;
	v9 =	vshll.u32 v10, $0x10;
	v4 =	vld [tilespmem:s28+$0x120]  }
0x126: {  	s25 =	simm.s32 $0x0;
	v7 =	vadd.f32 v10, v7;
	v9 =	vadd.f32 v9, v5;
	v10 =	vshll.u32 v0, $0x10;
	v5 =	vld [tilespmem:s28+$0x130];
	s28 =	simm.s32 $0x8C40  }
.LBB2_12:
0x127: {  	v11 =	vld [tilespmem:s28+$0x0];
	v8 =	vadd.f32 v10, v8;
	v0 =	vadd.f32 v0, v6;
	v6 =	vshll.u32 v1, $0x10  }
0x128: {  	s25 =	sadd.s32 $0xA, s25;
	v10 =	vld [tilespmem:s28+$0x10];
	v6 =	vadd.f32 v6, v9;
	v1 =	vadd.f32 v1, v7;
	v7 =	vshll.u32 v2, $0x10  }
0x129: {  	p1 =	slt.u32 s25, $0xBE;
	v9 =	vld [tilespmem:s28+$0x20];
	v7 =	vadd.f32 v7, v8;
	v0 =	vadd.f32 v2, v0;
	v2 =	vshll.u32 v3, $0x10  }
0x12a: {  	v8 =	vld [tilespmem:s28+$0x30];
	v2 =	vadd.f32 v2, v6;
	v1 =	vadd.f32 v3, v1;
	v3 =	vshll.u32 v4, $0x10  }
0x12b: {  	v6 =	vld [tilespmem:s28+$0x40];
	v3 =	vadd.f32 v3, v7;
	v0 =	vadd.f32 v4, v0;
	v4 =	vshll.u32 v5, $0x10  }
0x12c: {  	v7 =	vshll.u32 v11, $0x10;
	v12 =	vld [tilespmem:s28+$0x50];
	v2 =	vadd.f32 v4, v2;
	v1 =	vadd.f32 v5, v1  }
0x12d: {  	v3 =	vadd.f32 v7, v3;
	v0 =	vadd.f32 v11, v0;
	v4 =	vshll.u32 v10, $0x10;
	v5 =	vld [tilespmem:s28+$0x60]  }
0x12e: {  	v2 =	vadd.f32 v4, v2;
	v1 =	vadd.f32 v10, v1;
	v4 =	vshll.u32 v9, $0x10;
	v7 =	vld [tilespmem:s28+$0x70]  }
0x12f: {  	v3 =	vadd.f32 v4, v3;
	v0 =	vadd.f32 v9, v0;
	v4 =	vshll.u32 v8, $0x10;
	v9 =	vld [tilespmem:s28+$0x80]  }
0x130: {  	v2 =	vadd.f32 v4, v2;
	v1 =	vadd.f32 v8, v1;
	v4 =	vshll.u32 v6, $0x10;
	v8 =	vld [tilespmem:s28+$0x90]  }
0x131: {  	v3 =	vadd.f32 v4, v3;
	v0 =	vadd.f32 v6, v0;
	v4 =	vshll.u32 v12, $0x10;
	v6 =	vld [tilespmem:s28+$0xA0]  }
0x132: {  	v2 =	vadd.f32 v4, v2;
	v1 =	vadd.f32 v12, v1;
	v4 =	vshll.u32 v5, $0x10;
	v10 =	vld [tilespmem:s28+$0xB0]  }
0x133: {  	v3 =	vadd.f32 v4, v3;
	v0 =	vadd.f32 v5, v0;
	v4 =	vshll.u32 v7, $0x10;
	v5 =	vld [tilespmem:s28+$0xC0]  }
0x134: {  	v2 =	vadd.f32 v4, v2;
	v1 =	vadd.f32 v7, v1;
	v4 =	vshll.u32 v9, $0x10;
	v7 =	vld [tilespmem:s28+$0xD0]  }
0x135: {  	v3 =	vadd.f32 v4, v3;
	v4 =	vadd.f32 v9, v0;
	v9 =	vshll.u32 v8, $0x10;
	v0 =	vld [tilespmem:s28+$0xE0]  }
.Ltmp8:
0x136: {  	v9 =	vadd.f32 v9, v2;
	v8 =	vadd.f32 v8, v1;
	v2 =	vshll.u32 v6, $0x10;
	v1 =	vld [tilespmem:s28+$0xF0];
	(pc) =	sbr.rel @p1 .LBB2_12-.Ltmp8, $4  }
0x137: {  	v11 =	vadd.f32 v2, v3;
	v4 =	vadd.f32 v6, v4;
	v3 =	vshll.u32 v10, $0x10;
	v2 =	vld [tilespmem:s28+$0x100]  }
0x138: {  	v9 =	vadd.f32 v3, v9;
	v10 =	vadd.f32 v10, v8;
	v6 =	vshll.u32 v5, $0x10;
	v3 =	vld [tilespmem:s28+$0x110]  }
0x139: {  	v8 =	vadd.f32 v6, v11;
	v6 =	vadd.f32 v5, v4;
	v5 =	vshll.u32 v7, $0x10;
	v4 =	vld [tilespmem:s28+$0x120]  }
0x13a: {  	v9 =	vadd.f32 v5, v9;
	v7 =	vadd.f32 v7, v10;
	v10 =	vshll.u32 v0, $0x10;
	v5 =	vld [tilespmem:s28+$0x130];
	s28 =	sadd.s32 $0x140, s28  }
0x13b: {  	v8 =	vadd.f32 v10, v8;
	v54 =	vshll.u32 v1, $0x10  }
0x13c: {  	v0 =	vadd.f32 v0, v6;
	v9 =	vadd.f32 v54, v9;
	v55 =	vshll.u32 v2, $0x10  }
0x13d: {  	v58 =	vadd.f32 v1, v7;
	v56 =	vadd.f32 v55, v8  }
0x13e: {  	v57 =	vshll.u32 v3, $0x10;
	v0 =	vadd.f32 v2, v0;
	v60 =	vshll.u32 v4, $0x10  }
0x13f: {  	s25 =	sadd.s32 $0xC0, s26;
	v59 =	vadd.f32 v57, v9;
	v61 =	vadd.f32 v60, v56  }
.Ltmp9:
0x140: {  	s25 =	sand.u32 $0x3FFFFFC0, s25;
	v1 =	vadd.f32 v3, v58;
	v62 =	vshll.u32 v5, $0x10;
	v0 =	vadd.f32 v4, v0;
	(pc) =	sbr.rel @p0 .LBB2_15-.Ltmp9, $4  }
0x141: {  	v63 =	vadd.f32 v62, v59;
	[tilespmem:s25+$0xA400] =	vst v61  }
0x142: {  	v1 =	vadd.f32 v5, v1;
	[tilespmem:s25+$0xA420] =	vst v0  }
0x143: {  	[tilespmem:s25+$0xA410] =	vst v63  }
0x144: {  	[tilespmem:s25+$0xA430] =	vst v1  }
.Ltmp10:
0x145: {  	(pc) =	sbr.rel .LBB2_5-.Ltmp10, $4  }
0x146: {  	s25 =	sshll.u32 s23, $0xA  }
0x147: {  	s25 =	sand.u32 $0x3FFFFC00, s25  }
0x148: {  	s23 =	sadd.s32 $0x1, s23;
	s25 =	sadd.s32 $0x700, s25  }
0x149: {  	[tilespmem:s15], [sflag:$0x4] =	stream.indirect.gather [hbm4b:s3+s8], $0x20, s25, s8, $0xb8;
	[tilespmem:$0x12400] =	vst v63  }
.LBB2_17:
0x14a: {  	_ =	sfence.sel $0x180000  }
0x14b: {  	[bflag:$0x0] =	sbarrier.arrive $0xFFFF  }
0x14c: {  	p0 =	sne.s32 s1, $0x0;
	_ =	strace $0x90000047  }
0x14d: {  	s0 =	sadd.s32 @!p0 $0x100000, s0;
	[bflag:$0x2] =	sbarrier.arrive $0xFFFF  }
0x14e: {  	[sflag:s0] =	ssyncadd.tile.s32 @!p0 $0x1;
	_ =	shalt  }
.Lfunc_end2:
_tile_overlayer_lowered:
.L_overlay_start_2:
0x14f: {  	(tag) =	ssettag $0x2  }
0x150: {  	s0 =	rddreg [dreg:$0x0];
	s2 =	stileid.u32  }
0x151: {  	s1 =	rddreg [dreg:$0x1];
	p0 =	sne.s32 s2, $0x0  }
0x152: {  	s3 =	rddreg [dreg:$0x2];
	[bflag:$0x3] =	sbarrier.arrive $0xFFFF;
	s2 =	simm.s32 @!p0 $0x1C05  }
0x153: {  	[timem:s3], [sflag:s2] =	dma.local @!p0 [hbm:s0], s1  }
0x154: {  	s0 =	simm.s32 @!p0 $0x5  }
0x155: {  	_ =	swait.ge @!p0 [sflag:s0], s1  }
0x156: {  	s1 =	ssub.s32 @!p0 $0x0, s1;
	[sflag:s0] =	ssyncset.done @!p0 $0x0  }
0x157: {  	[sflag:s0] =	ssyncadd.s32 @!p0 s1  }
0x158: {  	[bflag:$0x3] =	sbarrier.arrive $0xFFFF  }
0x159: {  	_ =	shalt  }

</sc_bundles>
